<compile_context>
chip_gen: v7x
topology: tpu7x:2x2x1
jax: 0.10.2.dev20260603
libtpu: 0.0.44.dev20260713+nightly
codegen_flags: <defaults>
</compile_context>

<pallas_src>
import functools

import jax
import jax.numpy as jnp
from jax import lax
from jax.experimental import pallas as pl
from jax.experimental.pallas import tpu as pltpu
from jax.experimental.pallas import tpu_sc as plsc

B, L, H = 4096, 50, 128
NC, NS = 2, 16
NW = NC * NS
TOK = B * L
TPW = TOK // NW
CH = 80
NCHUNK = TPW // CH
NREL, NTYP = 17, 4
NRT = NREL * NTYP


def _sc_body(it_hbm, io_hbm, irt_hbm, wtab, otab, rtab, xtab,
             emb_out, ie_out,
             itv, iov, irtv, wb0, wb1, wb2, ac0, ac1, ac2, rtb0, rtb1, rtb2,
             rt_hbm, g0, g1, g2, w0, w1, w2):
    c = lax.axis_index("c")
    s = lax.axis_index("s")
    wid = s * NC + c

    @pl.when(s == 0)
    def _():
        pltpu.sync_copy(rtab, wb0.at[pl.ds(0, NREL)])
        pltpu.sync_copy(xtab, wb0.at[pl.ds(NREL, NTYP)])

        def fuse(r, carry):
            for t in range(NTYP):
                for cc in range(H // 16):
                    sl = pl.ds(cc * 16, 16)
                    ac0[r * NTYP + t, sl] = wb0[r, sl] + wb0[NREL + t, sl]
            return carry

        lax.fori_loop(0, NREL, fuse, 0)
        pltpu.sync_copy(ac0.at[pl.ds(0, NRT)], rt_hbm)

    pltpu.sync_copy(it_hbm.at[wid], itv)
    pltpu.sync_copy(io_hbm.at[wid], iov)
    pltpu.sync_copy(irt_hbm.at[wid], irtv)
    plsc.subcore_barrier()

    wbs, accs, rtbs = (wb0, wb1, wb2), (ac0, ac1, ac2), (rtb0, rtb1, rtb2)
    gs, ws = (g0, g1, g2), (w0, w1, w2)

    def fire_g(j, b):
        pltpu.async_copy(wtab.at[itv.at[j]], wbs[b], gs[b])
        pltpu.async_copy(otab.at[iov.at[j]], accs[b], gs[b])
        pltpu.async_copy(rt_hbm.at[irtv.at[j]], rtbs[b], gs[b])

    def wait_g(j, b):
        pltpu.make_async_copy(wtab.at[itv.at[j]], wbs[b], gs[b]).wait()
        pltpu.make_async_copy(otab.at[iov.at[j]], accs[b], gs[b]).wait()
        pltpu.make_async_copy(rt_hbm.at[irtv.at[j]], rtbs[b], gs[b]).wait()

    def fire_w(j, b):
        base = wid * TPW + j * CH
        pltpu.async_copy(wbs[b], ie_out.at[pl.ds(base, CH)], ws[b])
        pltpu.async_copy(accs[b], emb_out.at[pl.ds(base, CH)], ws[b])

    def wait_w(j, b):
        base = wid * TPW + j * CH
        pltpu.make_async_copy(wbs[b], ie_out.at[pl.ds(base, CH)], ws[b]).wait()
        pltpu.make_async_copy(accs[b], emb_out.at[pl.ds(base, CH)], ws[b]).wait()

    def compute(j, b):
        wb, acc, rtb = wbs[b], accs[b], rtbs[b]

        @plsc.parallel_loop(0, CH, unroll=4)
        def _pass(t):
            for cc in range(H // 16):
                sl = pl.ds(cc * 16, 16)
                plsc.addupdate(acc.at[t, sl], wb[t, sl] + rtb[t, sl])

    def step(j, b):
        nb = (b + 1) % 3

        @pl.when(j + 1 < NCHUNK)
        def _():
            @pl.when(j >= 2)
            def _():
                wait_w(j - 2, nb)

            fire_g(j + 1, nb)

        wait_g(j, b)
        compute(j, b)
        fire_w(j, b)

    fire_g(0, 0)

    def trio(p, carry):
        for q in range(3):
            step(3 * p + q, q)
        return carry

    lax.fori_loop(0, NCHUNK // 3, trio, 0)
    for j in range(NCHUNK - (NCHUNK % 3), NCHUNK):
        step(j, j % 3)
    wait_w(NCHUNK - 3, (NCHUNK - 3) % 3)
    wait_w(NCHUNK - 2, (NCHUNK - 2) % 3)
    wait_w(NCHUNK - 1, (NCHUNK - 1) % 3)


@functools.partial(
    pl.kernel,
    out_type=(jax.ShapeDtypeStruct((TOK, H), jnp.float32),
              jax.ShapeDtypeStruct((TOK, H), jnp.float32)),
    mesh=plsc.VectorSubcoreMesh(core_axis_name="c", subcore_axis_name="s"),
    scratch_types=(
        pltpu.VMEM((NCHUNK, CH), jnp.int32),
        pltpu.VMEM((NCHUNK, CH), jnp.int32),
        pltpu.VMEM((NCHUNK, CH), jnp.int32),
        pltpu.VMEM((CH, H), jnp.float32),
        pltpu.VMEM((CH, H), jnp.float32),
        pltpu.VMEM((CH, H), jnp.float32),
        pltpu.VMEM((CH, H), jnp.float32),
        pltpu.VMEM((CH, H), jnp.float32),
        pltpu.VMEM((CH, H), jnp.float32),
        pltpu.VMEM((CH, H), jnp.float32),
        pltpu.VMEM((CH, H), jnp.float32),
        pltpu.VMEM((CH, H), jnp.float32),
        pltpu.HBM((NRT, H), jnp.float32),
        pltpu.SemaphoreType.DMA,
        pltpu.SemaphoreType.DMA,
        pltpu.SemaphoreType.DMA,
        pltpu.SemaphoreType.DMA,
        pltpu.SemaphoreType.DMA,
        pltpu.SemaphoreType.DMA,
    ),
)
def _sc_embed(*args):
    _sc_body(*args)


def kernel(input_token, input_obj_id, segment_label, token_type,
           word_emb, obj_emb, rel_emb, type_emb):
    it = input_token.T.reshape(NW, NCHUNK, CH).astype(jnp.int32)
    io = input_obj_id.T.reshape(NW, NCHUNK, CH).astype(jnp.int32)
    irt = (segment_label.astype(jnp.int32) * NTYP
           + token_type.astype(jnp.int32)).T.reshape(NW, NCHUNK, CH)
    emb, ie = _sc_embed(it, io, irt, word_emb, obj_emb, rel_emb, type_emb)
    emb = emb.reshape(L, B, H).transpose(1, 0, 2)
    ie = ie.reshape(L, B, H).transpose(1, 0, 2)
    return emb, ie

# --- scband reference (transcript-rebuilt; emitter-appended) ---
"""Pipeline reference for scband-sentence-embeddings-14070312861824 (READ-ONLY COPY).

The authoritative reference and input builder live on the scoring server;
editing this copy changes nothing except your own understanding.
"""

import jax, jax.numpy as jnp
import numpy as np

B, L, H = 4096, 50, 128
VOCAB, OBJ, REL, TTYPE = 100000, 1000, 17, 4

def setup_inputs(seed: int = 0):
    key = jax.random.key(seed)
    ks = jax.random.split(key, 8)
    input_token = jax.random.randint(ks[0], (B, L), 0, VOCAB, dtype=jnp.int64) if jax.config.jax_enable_x64 else jax.random.randint(ks[0], (B, L), 0, VOCAB)
    input_obj_id = jax.random.randint(ks[1], (B, L), 0, OBJ)
    segment_label = jax.random.randint(ks[2], (B, L), 0, REL)
    token_type = jax.random.randint(ks[3], (B, L), 0, TTYPE)
    word_emb = jax.random.normal(ks[4], (VOCAB, H), dtype=jnp.float32) * 0.02
    word_emb = word_emb.at[0].set(0.0)  # padding_idx=0
    obj_emb = jax.random.normal(ks[5], (OBJ, H), dtype=jnp.float32) * 0.02
    obj_emb = obj_emb.at[0].set(0.0)
    rel_emb = jax.random.normal(ks[6], (REL, H), dtype=jnp.float32) * 0.02
    rel_emb = rel_emb.at[0].set(0.0)
    type_emb = jax.random.normal(ks[7], (TTYPE, H), dtype=jnp.float32) * 0.02
    type_emb = type_emb.at[0].set(0.0)
    return {"input_token": input_token, "input_obj_id": input_obj_id,
            "segment_label": segment_label, "token_type": token_type,
            "word_emb": word_emb, "obj_emb": obj_emb,
            "rel_emb": rel_emb, "type_emb": type_emb}

def reference(input_token, input_obj_id, segment_label, token_type,
              word_emb, obj_emb, rel_emb, type_emb):
    inputs_embeds = jnp.take(word_emb, input_token, axis=0)
    input_id_embdes = jnp.take(obj_emb, input_obj_id, axis=0)
    segment_embeddings = jnp.take(rel_emb, segment_label, axis=0)
    token_type_embeddings = jnp.take(type_emb, token_type, axis=0)
    embeddings = inputs_embeds + segment_embeddings + input_id_embdes + token_type_embeddings
    # dropout prob = 0.0 -> identity
    return (embeddings, inputs_embeds)

if __name__ == "__main__":
    import jax
    _d = setup_inputs()
    print(jax.jit(kernel)(*tuple(_d.values())))

</pallas_src>

<mosaic_0001>
#map = affine_map<(d0, d1) -> (0, 0, 0)>
#map1 = affine_map<(d0, d1) -> (0, 0)>
module attributes {stable_mosaic.version = 14 : i64} {
  func.func @_sc_embed(%arg0: i32, %arg1: i32, %arg2: memref<32x80x80xi32, #tpu.memory_space<hbm>>, %arg3: memref<32x80x80xi32, #tpu.memory_space<hbm>>, %arg4: memref<32x80x80xi32, #tpu.memory_space<hbm>>, %arg5: memref<100000x128xf32, #tpu.memory_space<hbm>>, %arg6: memref<1000x128xf32, #tpu.memory_space<hbm>>, %arg7: memref<17x128xf32, #tpu.memory_space<hbm>>, %arg8: memref<4x128xf32, #tpu.memory_space<hbm>>, %arg9: memref<204800x128xf32, #tpu.memory_space<hbm>>, %arg10: memref<204800x128xf32, #tpu.memory_space<hbm>>, %arg11: memref<80x80xi32, #tpu.memory_space<vmem>>, %arg12: memref<80x80xi32, #tpu.memory_space<vmem>>, %arg13: memref<80x80xi32, #tpu.memory_space<vmem>>, %arg14: memref<80x128xf32, #tpu.memory_space<vmem>>, %arg15: memref<80x128xf32, #tpu.memory_space<vmem>>, %arg16: memref<80x128xf32, #tpu.memory_space<vmem>>, %arg17: memref<80x128xf32, #tpu.memory_space<vmem>>, %arg18: memref<80x128xf32, #tpu.memory_space<vmem>>, %arg19: memref<80x128xf32, #tpu.memory_space<vmem>>, %arg20: memref<80x128xf32, #tpu.memory_space<vmem>>, %arg21: memref<80x128xf32, #tpu.memory_space<vmem>>, %arg22: memref<80x128xf32, #tpu.memory_space<vmem>>, %arg23: memref<68x128xf32, #tpu.memory_space<hbm>>, %arg24: memref<!tpu.dma_semaphore, #tpu.memory_space<semaphore_mem>>, %arg25: memref<!tpu.dma_semaphore, #tpu.memory_space<semaphore_mem>>, %arg26: memref<!tpu.dma_semaphore, #tpu.memory_space<semaphore_mem>>, %arg27: memref<!tpu.dma_semaphore, #tpu.memory_space<semaphore_mem>>, %arg28: memref<!tpu.dma_semaphore, #tpu.memory_space<semaphore_mem>>, %arg29: memref<!tpu.dma_semaphore, #tpu.memory_space<semaphore_mem>>) attributes {dimension_semantics = [#tpu.dimension_semantics<core_parallel>, #tpu.dimension_semantics<subcore_parallel>], iteration_bounds = array<i64: 2, 16>, scalar_prefetch = 0 : i64, scratch_operands = 19 : i64, tpu.core_type = #tpu.core_type<sc_vector_subcore>, window_params = [{transform_indices = #map}, {transform_indices = #map}, {transform_indices = #map}, {transform_indices = #map1}, {transform_indices = #map1}, {transform_indices = #map1}, {transform_indices = #map1}, {transform_indices = #map1}, {transform_indices = #map1}]} {
    %mul3A = arith.constant 2 : i32
    %mul3A_0 = arith.muli %arg1, %mul3A : i32
    %add3A = arith.addi %mul3A_0, %arg0 : i32
    %eq3A = arith.constant 0 : i32
    %eq3A_1 = arith.cmpi eq, %arg1, %eq3A : i32
    %convert_element_type3A = arith.extui %eq3A_1 : i1 to i32
    %cond3A = arith.constant 0 : i32
    %cond3A_2 = arith.cmpi ne, %convert_element_type3A, %cond3A : i32
    scf.if %cond3A_2 {
      "tpu.region"() ({
        %run_scoped3A = tpu.sem_alloc : memref<!tpu.dma_semaphore, #tpu.memory_space<semaphore_mem>>
        %dma_start3A_173 = arith.constant 0 : i32
        %dma_start3A_174 = arith.constant 0 : i32
        %dma_start3A_175 = tpu.memref_slice %arg14[%dma_start3A_173, %dma_start3A_174] : memref<80x128xf32, #tpu.memory_space<vmem>> -> memref<17x128xf32, #tpu.memory_space<vmem>>
        %dma_start3A_176 = arith.constant 0 : i32
        %dma_start3A_177 = arith.constant 0 : i32
        %dma_start3A_178 = tpu.memref_slice %arg14[%dma_start3A_176, %dma_start3A_177] : memref<80x128xf32, #tpu.memory_space<vmem>> -> memref<17x128xf32, #tpu.memory_space<vmem>>
        tpu.enqueue_dma source(%arg7 : memref<17x128xf32, #tpu.memory_space<hbm>>) target(%dma_start3A_178 : memref<17x128xf32, #tpu.memory_space<vmem>>) target_semaphore(%run_scoped3A : memref<!tpu.dma_semaphore, #tpu.memory_space<semaphore_mem>>)
        %dma_wait3A_179 = arith.constant 0 : i32
        %dma_wait3A_180 = arith.constant 0 : i32
        %dma_wait3A_181 = tpu.memref_slice %arg14[%dma_wait3A_179, %dma_wait3A_180] : memref<80x128xf32, #tpu.memory_space<vmem>> -> memref<17x128xf32, #tpu.memory_space<vmem>>
        %dma_wait3A_182 = arith.constant 0 : i32
        %dma_wait3A_183 = arith.constant 0 : i32
        %dma_wait3A_184 = tpu.memref_slice %arg14[%dma_wait3A_182, %dma_wait3A_183] : memref<80x128xf32, #tpu.memory_space<vmem>> -> memref<17x128xf32, #tpu.memory_space<vmem>>
        tpu.wait_dma2 semaphore(%run_scoped3A : memref<!tpu.dma_semaphore, #tpu.memory_space<semaphore_mem>>) src(%arg7 : memref<17x128xf32, #tpu.memory_space<hbm>>) dst(%dma_wait3A_184 : memref<17x128xf32, #tpu.memory_space<vmem>>)
        tpu.yield
      }) : () -> ()
      "tpu.region"() ({
        %run_scoped3A = tpu.sem_alloc : memref<!tpu.dma_semaphore, #tpu.memory_space<semaphore_mem>>
        %dma_start3A_173 = arith.constant 17 : i32
        %dma_start3A_174 = arith.constant 0 : i32
        %dma_start3A_175 = tpu.memref_slice %arg14[%dma_start3A_173, %dma_start3A_174] : memref<80x128xf32, #tpu.memory_space<vmem>> -> memref<4x128xf32, #tpu.memory_space<vmem>>
        %dma_start3A_176 = arith.constant 17 : i32
        %dma_start3A_177 = arith.constant 0 : i32
        %dma_start3A_178 = tpu.memref_slice %arg14[%dma_start3A_176, %dma_start3A_177] : memref<80x128xf32, #tpu.memory_space<vmem>> -> memref<4x128xf32, #tpu.memory_space<vmem>>
        tpu.enqueue_dma source(%arg8 : memref<4x128xf32, #tpu.memory_space<hbm>>) target(%dma_start3A_178 : memref<4x128xf32, #tpu.memory_space<vmem>>) target_semaphore(%run_scoped3A : memref<!tpu.dma_semaphore, #tpu.memory_space<semaphore_mem>>)
        %dma_wait3A_179 = arith.constant 17 : i32
        %dma_wait3A_180 = arith.constant 0 : i32
        %dma_wait3A_181 = tpu.memref_slice %arg14[%dma_wait3A_179, %dma_wait3A_180] : memref<80x128xf32, #tpu.memory_space<vmem>> -> memref<4x128xf32, #tpu.memory_space<vmem>>
        %dma_wait3A_182 = arith.constant 17 : i32
        %dma_wait3A_183 = arith.constant 0 : i32
        %dma_wait3A_184 = tpu.memref_slice %arg14[%dma_wait3A_182, %dma_wait3A_183] : memref<80x128xf32, #tpu.memory_space<vmem>> -> memref<4x128xf32, #tpu.memory_space<vmem>>
        tpu.wait_dma2 semaphore(%run_scoped3A : memref<!tpu.dma_semaphore, #tpu.memory_space<semaphore_mem>>) src(%arg8 : memref<4x128xf32, #tpu.memory_space<hbm>>) dst(%dma_wait3A_184 : memref<4x128xf32, #tpu.memory_space<vmem>>)
        tpu.yield
      }) : () -> ()
      %scan3A_167 = arith.constant 0 : i32
      %scan3A_168 = arith.constant 0 : i32
      %scan3A_169 = arith.constant 17 : i32
      %scan3A_170 = arith.addi %scan3A_168, %scan3A_169 : i32
      %scan3A_171 = arith.constant 1 : i32
      scf.for %scan3A_173 = %scan3A_168 to %scan3A_170 step %scan3A_171  : i32 {
        %get3A = arith.index_cast %scan3A_173 : i32 to index
        %get3A_174 = arith.constant 0 : index
        %get3A_175 = tpu.vector_load %arg14[%get3A, %get3A_174] {strides = array<i32>} : memref<80x128xf32, #tpu.memory_space<vmem>>, vector<1x16xf32>,
        %get3A_176 = vector.shape_cast %get3A_175 : vector<1x16xf32> to vector<16xf32>
        %get3A_177 = arith.constant 17 : i32
        %get3A_178 = arith.index_cast %get3A_177 : i32 to index
        %get3A_179 = arith.constant 0 : index
        %get3A_180 = tpu.vector_load %arg14[%get3A_178, %get3A_179] {strides = array<i32>} : memref<80x128xf32, #tpu.memory_space<vmem>>, vector<1x16xf32>,
        %get3A_181 = vector.shape_cast %get3A_180 : vector<1x16xf32> to vector<16xf32>
        %add3A_182 = arith.addf %get3A_176, %get3A_181 : vector<16xf32>
        %mul3A_183 = arith.constant 4 : i32
        %mul3A_184 = arith.muli %scan3A_173, %mul3A_183 : i32
        %add3A_185 = arith.constant 0 : i32
        %add3A_186 = arith.addi %mul3A_184, %add3A_185 : i32
        %swap3A = arith.index_cast %add3A_186 : i32 to index
        %swap3A_187 = arith.constant 0 : index
        %swap3A_188 = tpu.vector_load %arg17[%swap3A, %swap3A_187] {strides = array<i32>} : memref<80x128xf32, #tpu.memory_space<vmem>>, vector<1x16xf32>,
        %swap3A_189 = vector.shape_cast %swap3A_188 : vector<1x16xf32> to vector<16xf32>
        %swap3A_190 = vector.shape_cast %add3A_182 : vector<16xf32> to vector<1x16xf32>
        tpu.vector_store %arg17[%swap3A, %swap3A_187], %swap3A_190 {strides = array<i32>} : memref<80x128xf32, #tpu.memory_space<vmem>>, vector<1x16xf32>,
        %get3A_191 = arith.index_cast %scan3A_173 : i32 to index
        %get3A_192 = arith.constant 16 : index
        %get3A_193 = tpu.vector_load %arg14[%get3A_191, %get3A_192] {strides = array<i32>} : memref<80x128xf32, #tpu.memory_space<vmem>>, vector<1x16xf32>,
        %get3A_194 = vector.shape_cast %get3A_193 : vector<1x16xf32> to vector<16xf32>
        %get3A_195 = arith.constant 17 : i32
        %get3A_196 = arith.index_cast %get3A_195 : i32 to index
        %get3A_197 = arith.constant 16 : index
        %get3A_198 = tpu.vector_load %arg14[%get3A_196, %get3A_197] {strides = array<i32>} : memref<80x128xf32, #tpu.memory_space<vmem>>, vector<1x16xf32>,
        %get3A_199 = vector.shape_cast %get3A_198 : vector<1x16xf32> to vector<16xf32>
        %add3A_200 = arith.addf %get3A_194, %get3A_199 : vector<16xf32>
        %mul3A_201 = arith.constant 4 : i32
        %mul3A_202 = arith.muli %scan3A_173, %mul3A_201 : i32
        %add3A_203 = arith.constant 0 : i32
        %add3A_204 = arith.addi %mul3A_202, %add3A_203 : i32
        %swap3A_205 = arith.index_cast %add3A_204 : i32 to index
        %swap3A_206 = arith.constant 16 : index
        %swap3A_207 = tpu.vector_load %arg17[%swap3A_205, %swap3A_206] {strides = array<i32>} : memref<80x128xf32, #tpu.memory_space<vmem>>, vector<1x16xf32>,
        %swap3A_208 = vector.shape_cast %swap3A_207 : vector<1x16xf32> to vector<16xf32>
        %swap3A_209 = vector.shape_cast %add3A_200 : vector<16xf32> to vector<1x16xf32>
        tpu.vector_store %arg17[%swap3A_205, %swap3A_206], %swap3A_209 {strides = array<i32>} : memref<80x128xf32, #tpu.memory_space<vmem>>, vector<1x16xf32>,
        %get3A_210 = arith.index_cast %scan3A_173 : i32 to index
        %get3A_211 = arith.constant 32 : index
        %get3A_212 = tpu.vector_load %arg14[%get3A_210, %get3A_211] {strides = array<i32>} : memref<80x128xf32, #tpu.memory_space<vmem>>, vector<1x16xf32>,
        %get3A_213 = vector.shape_cast %get3A_212 : vector<1x16xf32> to vector<16xf32>
        %get3A_214 = arith.constant 17 : i32
        %get3A_215 = arith.index_cast %get3A_214 : i32 to index
        %get3A_216 = arith.constant 32 : index
        %get3A_217 = tpu.vector_load %arg14[%get3A_215, %get3A_216] {strides = array<i32>} : memref<80x128xf32, #tpu.memory_space<vmem>>, vector<1x16xf32>,
        %get3A_218 = vector.shape_cast %get3A_217 : vector<1x16xf32> to vector<16xf32>
        %add3A_219 = arith.addf %get3A_213, %get3A_218 : vector<16xf32>
        %mul3A_220 = arith.constant 4 : i32
        %mul3A_221 = arith.muli %scan3A_173, %mul3A_220 : i32
        %add3A_222 = arith.constant 0 : i32
        %add3A_223 = arith.addi %mul3A_221, %add3A_222 : i32
        %swap3A_224 = arith.index_cast %add3A_223 : i32 to index
        %swap3A_225 = arith.constant 32 : index
        %swap3A_226 = tpu.vector_load %arg17[%swap3A_224, %swap3A_225] {strides = array<i32>} : memref<80x128xf32, #tpu.memory_space<vmem>>, vector<1x16xf32>,
        %swap3A_227 = vector.shape_cast %swap3A_226 : vector<1x16xf32> to vector<16xf32>
        %swap3A_228 = vector.shape_cast %add3A_219 : vector<16xf32> to vector<1x16xf32>
        tpu.vector_store %arg17[%swap3A_224, %swap3A_225], %swap3A_228 {strides = array<i32>} : memref<80x128xf32, #tpu.memory_space<vmem>>, vector<1x16xf32>,
        %get3A_229 = arith.index_cast %scan3A_173 : i32 to index
        %get3A_230 = arith.constant 48 : index
        %get3A_231 = tpu.vector_load %arg14[%get3A_229, %get3A_230] {strides = array<i32>} : memref<80x128xf32, #tpu.memory_space<vmem>>, vector<1x16xf32>,
        %get3A_232 = vector.shape_cast %get3A_231 : vector<1x16xf32> to vector<16xf32>
        %get3A_233 = arith.constant 17 : i32
        %get3A_234 = arith.index_cast %get3A_233 : i32 to index
        %get3A_235 = arith.constant 48 : index
        %get3A_236 = tpu.vector_load %arg14[%get3A_234, %get3A_235] {strides = array<i32>} : memref<80x128xf32, #tpu.memory_space<vmem>>, vector<1x16xf32>,
        %get3A_237 = vector.shape_cast %get3A_236 : vector<1x16xf32> to vector<16xf32>
        %add3A_238 = arith.addf %get3A_232, %get3A_237 : vector<16xf32>
        %mul3A_239 = arith.constant 4 : i32
        %mul3A_240 = arith.muli %scan3A_173, %mul3A_239 : i32
        %add3A_241 = arith.constant 0 : i32
        %add3A_242 = arith.addi %mul3A_240, %add3A_241 : i32
        %swap3A_243 = arith.index_cast %add3A_242 : i32 to index
        %swap3A_244 = arith.constant 48 : index
        %swap3A_245 = tpu.vector_load %arg17[%swap3A_243, %swap3A_244] {strides = array<i32>} : memref<80x128xf32, #tpu.memory_space<vmem>>, vector<1x16xf32>,
        %swap3A_246 = vector.shape_cast %swap3A_245 : vector<1x16xf32> to vector<16xf32>
        %swap3A_247 = vector.shape_cast %add3A_238 : vector<16xf32> to vector<1x16xf32>
        tpu.vector_store %arg17[%swap3A_243, %swap3A_244], %swap3A_247 {strides = array<i32>} : memref<80x128xf32, #tpu.memory_space<vmem>>, vector<1x16xf32>,
        %get3A_248 = arith.index_cast %scan3A_173 : i32 to index
        %get3A_249 = arith.constant 64 : index
        %get3A_250 = tpu.vector_load %arg14[%get3A_248, %get3A_249] {strides = array<i32>} : memref<80x128xf32, #tpu.memory_space<vmem>>, vector<1x16xf32>,
        %get3A_251 = vector.shape_cast %get3A_250 : vector<1x16xf32> to vector<16xf32>
        %get3A_252 = arith.constant 17 : i32
        %get3A_253 = arith.index_cast %get3A_252 : i32 to index
        %get3A_254 = arith.constant 64 : index
        %get3A_255 = tpu.vector_load %arg14[%get3A_253, %get3A_254] {strides = array<i32>} : memref<80x128xf32, #tpu.memory_space<vmem>>, vector<1x16xf32>,
        %get3A_256 = vector.shape_cast %get3A_255 : vector<1x16xf32> to vector<16xf32>
        %add3A_257 = arith.addf %get3A_251, %get3A_256 : vector<16xf32>
        %mul3A_258 = arith.constant 4 : i32
        %mul3A_259 = arith.muli %scan3A_173, %mul3A_258 : i32
        %add3A_260 = arith.constant 0 : i32
        %add3A_261 = arith.addi %mul3A_259, %add3A_260 : i32
        %swap3A_262 = arith.index_cast %add3A_261 : i32 to index
        %swap3A_263 = arith.constant 64 : index
        %swap3A_264 = tpu.vector_load %arg17[%swap3A_262, %swap3A_263] {strides = array<i32>} : memref<80x128xf32, #tpu.memory_space<vmem>>, vector<1x16xf32>,
        %swap3A_265 = vector.shape_cast %swap3A_264 : vector<1x16xf32> to vector<16xf32>
        %swap3A_266 = vector.shape_cast %add3A_257 : vector<16xf32> to vector<1x16xf32>
        tpu.vector_store %arg17[%swap3A_262, %swap3A_263], %swap3A_266 {strides = array<i32>} : memref<80x128xf32, #tpu.memory_space<vmem>>, vector<1x16xf32>,
        %get3A_267 = arith.index_cast %scan3A_173 : i32 to index
        %get3A_268 = arith.constant 80 : index
        %get3A_269 = tpu.vector_load %arg14[%get3A_267, %get3A_268] {strides = array<i32>} : memref<80x128xf32, #tpu.memory_space<vmem>>, vector<1x16xf32>,
        %get3A_270 = vector.shape_cast %get3A_269 : vector<1x16xf32> to vector<16xf32>
        %get3A_271 = arith.constant 17 : i32
        %get3A_272 = arith.index_cast %get3A_271 : i32 to index
        %get3A_273 = arith.constant 80 : index
        %get3A_274 = tpu.vector_load %arg14[%get3A_272, %get3A_273] {strides = array<i32>} : memref<80x128xf32, #tpu.memory_space<vmem>>, vector<1x16xf32>,
        %get3A_275 = vector.shape_cast %get3A_274 : vector<1x16xf32> to vector<16xf32>
        %add3A_276 = arith.addf %get3A_270, %get3A_275 : vector<16xf32>
        %mul3A_277 = arith.constant 4 : i32
        %mul3A_278 = arith.muli %scan3A_173, %mul3A_277 : i32
        %add3A_279 = arith.constant 0 : i32
        %add3A_280 = arith.addi %mul3A_278, %add3A_279 : i32
        %swap3A_281 = arith.index_cast %add3A_280 : i32 to index
        %swap3A_282 = arith.constant 80 : index
        %swap3A_283 = tpu.vector_load %arg17[%swap3A_281, %swap3A_282] {strides = array<i32>} : memref<80x128xf32, #tpu.memory_space<vmem>>, vector<1x16xf32>,
        %swap3A_284 = vector.shape_cast %swap3A_283 : vector<1x16xf32> to vector<16xf32>
        %swap3A_285 = vector.shape_cast %add3A_276 : vector<16xf32> to vector<1x16xf32>
        tpu.vector_store %arg17[%swap3A_281, %swap3A_282], %swap3A_285 {strides = array<i32>} : memref<80x128xf32, #tpu.memory_space<vmem>>, vector<1x16xf32>,
        %get3A_286 = arith.index_cast %scan3A_173 : i32 to index
        %get3A_287 = arith.constant 96 : index
        %get3A_288 = tpu.vector_load %arg14[%get3A_286, %get3A_287] {strides = array<i32>} : memref<80x128xf32, #tpu.memory_space<vmem>>, vector<1x16xf32>,
        %get3A_289 = vector.shape_cast %get3A_288 : vector<1x16xf32> to vector<16xf32>
        %get3A_290 = arith.constant 17 : i32
        %get3A_291 = arith.index_cast %get3A_290 : i32 to index
        %get3A_292 = arith.constant 96 : index
        %get3A_293 = tpu.vector_load %arg14[%get3A_291, %get3A_292] {strides = array<i32>} : memref<80x128xf32, #tpu.memory_space<vmem>>, vector<1x16xf32>,
        %get3A_294 = vector.shape_cast %get3A_293 : vector<1x16xf32> to vector<16xf32>
        %add3A_295 = arith.addf %get3A_289, %get3A_294 : vector<16xf32>
        %mul3A_296 = arith.constant 4 : i32
        %mul3A_297 = arith.muli %scan3A_173, %mul3A_296 : i32
        %add3A_298 = arith.constant 0 : i32
        %add3A_299 = arith.addi %mul3A_297, %add3A_298 : i32
        %swap3A_300 = arith.index_cast %add3A_299 : i32 to index
        %swap3A_301 = arith.constant 96 : index
        %swap3A_302 = tpu.vector_load %arg17[%swap3A_300, %swap3A_301] {strides = array<i32>} : memref<80x128xf32, #tpu.memory_space<vmem>>, vector<1x16xf32>,
        %swap3A_303 = vector.shape_cast %swap3A_302 : vector<1x16xf32> to vector<16xf32>
        %swap3A_304 = vector.shape_cast %add3A_295 : vector<16xf32> to vector<1x16xf32>
        tpu.vector_store %arg17[%swap3A_300, %swap3A_301], %swap3A_304 {strides = array<i32>} : memref<80x128xf32, #tpu.memory_space<vmem>>, vector<1x16xf32>,
        %get3A_305 = arith.index_cast %scan3A_173 : i32 to index
        %get3A_306 = arith.constant 112 : index
        %get3A_307 = tpu.vector_load %arg14[%get3A_305, %get3A_306] {strides = array<i32>} : memref<80x128xf32, #tpu.memory_space<vmem>>, vector<1x16xf32>,
        %get3A_308 = vector.shape_cast %get3A_307 : vector<1x16xf32> to vector<16xf32>
        %get3A_309 = arith.constant 17 : i32
        %get3A_310 = arith.index_cast %get3A_309 : i32 to index
        %get3A_311 = arith.constant 112 : index
        %get3A_312 = tpu.vector_load %arg14[%get3A_310, %get3A_311] {strides = array<i32>} : memref<80x128xf32, #tpu.memory_space<vmem>>, vector<1x16xf32>,
        %get3A_313 = vector.shape_cast %get3A_312 : vector<1x16xf32> to vector<16xf32>
        %add3A_314 = arith.addf %get3A_308, %get3A_313 : vector<16xf32>
        %mul3A_315 = arith.constant 4 : i32
        %mul3A_316 = arith.muli %scan3A_173, %mul3A_315 : i32
        %add3A_317 = arith.constant 0 : i32
        %add3A_318 = arith.addi %mul3A_316, %add3A_317 : i32
        %swap3A_319 = arith.index_cast %add3A_318 : i32 to index
        %swap3A_320 = arith.constant 112 : index
        %swap3A_321 = tpu.vector_load %arg17[%swap3A_319, %swap3A_320] {strides = array<i32>} : memref<80x128xf32, #tpu.memory_space<vmem>>, vector<1x16xf32>,
        %swap3A_322 = vector.shape_cast %swap3A_321 : vector<1x16xf32> to vector<16xf32>
        %swap3A_323 = vector.shape_cast %add3A_314 : vector<16xf32> to vector<1x16xf32>
        tpu.vector_store %arg17[%swap3A_319, %swap3A_320], %swap3A_323 {strides = array<i32>} : memref<80x128xf32, #tpu.memory_space<vmem>>, vector<1x16xf32>,
        %get3A_324 = arith.index_cast %scan3A_173 : i32 to index
        %get3A_325 = arith.constant 0 : index
        %get3A_326 = tpu.vector_load %arg14[%get3A_324, %get3A_325] {strides = array<i32>} : memref<80x128xf32, #tpu.memory_space<vmem>>, vector<1x16xf32>,
        %get3A_327 = vector.shape_cast %get3A_326 : vector<1x16xf32> to vector<16xf32>
        %get3A_328 = arith.constant 18 : i32
        %get3A_329 = arith.index_cast %get3A_328 : i32 to index
        %get3A_330 = arith.constant 0 : index
        %get3A_331 = tpu.vector_load %arg14[%get3A_329, %get3A_330] {strides = array<i32>} : memref<80x128xf32, #tpu.memory_space<vmem>>, vector<1x16xf32>,
        %get3A_332 = vector.shape_cast %get3A_331 : vector<1x16xf32> to vector<16xf32>
        %add3A_333 = arith.addf %get3A_327, %get3A_332 : vector<16xf32>
        %mul3A_334 = arith.constant 4 : i32
        %mul3A_335 = arith.muli %scan3A_173, %mul3A_334 : i32
        %add3A_336 = arith.constant 1 : i32
        %add3A_337 = arith.addi %mul3A_335, %add3A_336 : i32
        %swap3A_338 = arith.index_cast %add3A_337 : i32 to index
        %swap3A_339 = arith.constant 0 : index
        %swap3A_340 = tpu.vector_load %arg17[%swap3A_338, %swap3A_339] {strides = array<i32>} : memref<80x128xf32, #tpu.memory_space<vmem>>, vector<1x16xf32>,
        %swap3A_341 = vector.shape_cast %swap3A_340 : vector<1x16xf32> to vector<16xf32>
        %swap3A_342 = vector.shape_cast %add3A_333 : vector<16xf32> to vector<1x16xf32>
        tpu.vector_store %arg17[%swap3A_338, %swap3A_339], %swap3A_342 {strides = array<i32>} : memref<80x128xf32, #tpu.memory_space<vmem>>, vector<1x16xf32>,
        %get3A_343 = arith.index_cast %scan3A_173 : i32 to index
        %get3A_344 = arith.constant 16 : index
        %get3A_345 = tpu.vector_load %arg14[%get3A_343, %get3A_344] {strides = array<i32>} : memref<80x128xf32, #tpu.memory_space<vmem>>, vector<1x16xf32>,
        %get3A_346 = vector.shape_cast %get3A_345 : vector<1x16xf32> to vector<16xf32>
        %get3A_347 = arith.constant 18 : i32
        %get3A_348 = arith.index_cast %get3A_347 : i32 to index
        %get3A_349 = arith.constant 16 : index
        %get3A_350 = tpu.vector_load %arg14[%get3A_348, %get3A_349] {strides = array<i32>} : memref<80x128xf32, #tpu.memory_space<vmem>>, vector<1x16xf32>,
        %get3A_351 = vector.shape_cast %get3A_350 : vector<1x16xf32> to vector<16xf32>
        %add3A_352 = arith.addf %get3A_346, %get3A_351 : vector<16xf32>
        %mul3A_353 = arith.constant 4 : i32
        %mul3A_354 = arith.muli %scan3A_173, %mul3A_353 : i32
        %add3A_355 = arith.constant 1 : i32
        %add3A_356 = arith.addi %mul3A_354, %add3A_355 : i32
        %swap3A_357 = arith.index_cast %add3A_356 : i32 to index
        %swap3A_358 = arith.constant 16 : index
        %swap3A_359 = tpu.vector_load %arg17[%swap3A_357, %swap3A_358] {strides = array<i32>} : memref<80x128xf32, #tpu.memory_space<vmem>>, vector<1x16xf32>,
        %swap3A_360 = vector.shape_cast %swap3A_359 : vector<1x16xf32> to vector<16xf32>
        %swap3A_361 = vector.shape_cast %add3A_352 : vector<16xf32> to vector<1x16xf32>
        tpu.vector_store %arg17[%swap3A_357, %swap3A_358], %swap3A_361 {strides = array<i32>} : memref<80x128xf32, #tpu.memory_space<vmem>>, vector<1x16xf32>,
        %get3A_362 = arith.index_cast %scan3A_173 : i32 to index
        %get3A_363 = arith.constant 32 : index
        %get3A_364 = tpu.vector_load %arg14[%get3A_362, %get3A_363] {strides = array<i32>} : memref<80x128xf32, #tpu.memory_space<vmem>>, vector<1x16xf32>,
        %get3A_365 = vector.shape_cast %get3A_364 : vector<1x16xf32> to vector<16xf32>
        %get3A_366 = arith.constant 18 : i32
        %get3A_367 = arith.index_cast %get3A_366 : i32 to index
        %get3A_368 = arith.constant 32 : index
        %get3A_369 = tpu.vector_load %arg14[%get3A_367, %get3A_368] {strides = array<i32>} : memref<80x128xf32, #tpu.memory_space<vmem>>, vector<1x16xf32>,
        %get3A_370 = vector.shape_cast %get3A_369 : vector<1x16xf32> to vector<16xf32>
        %add3A_371 = arith.addf %get3A_365, %get3A_370 : vector<16xf32>
        %mul3A_372 = arith.constant 4 : i32
        %mul3A_373 = arith.muli %scan3A_173, %mul3A_372 : i32
        %add3A_374 = arith.constant 1 : i32
        %add3A_375 = arith.addi %mul3A_373, %add3A_374 : i32
        %swap3A_376 = arith.index_cast %add3A_375 : i32 to index
        %swap3A_377 = arith.constant 32 : index
        %swap3A_378 = tpu.vector_load %arg17[%swap3A_376, %swap3A_377] {strides = array<i32>} : memref<80x128xf32, #tpu.memory_space<vmem>>, vector<1x16xf32>,
        %swap3A_379 = vector.shape_cast %swap3A_378 : vector<1x16xf32> to vector<16xf32>
        %swap3A_380 = vector.shape_cast %add3A_371 : vector<16xf32> to vector<1x16xf32>
        tpu.vector_store %arg17[%swap3A_376, %swap3A_377], %swap3A_380 {strides = array<i32>} : memref<80x128xf32, #tpu.memory_space<vmem>>, vector<1x16xf32>,
        %get3A_381 = arith.index_cast %scan3A_173 : i32 to index
        %get3A_382 = arith.constant 48 : index
        %get3A_383 = tpu.vector_load %arg14[%get3A_381, %get3A_382] {strides = array<i32>} : memref<80x128xf32, #tpu.memory_space<vmem>>, vector<1x16xf32>,
        %get3A_384 = vector.shape_cast %get3A_383 : vector<1x16xf32> to vector<16xf32>
        %get3A_385 = arith.constant 18 : i32
        %get3A_386 = arith.index_cast %get3A_385 : i32 to index
        %get3A_387 = arith.constant 48 : index
        %get3A_388 = tpu.vector_load %arg14[%get3A_386, %get3A_387] {strides = array<i32>} : memref<80x128xf32, #tpu.memory_space<vmem>>, vector<1x16xf32>,
        %get3A_389 = vector.shape_cast %get3A_388 : vector<1x16xf32> to vector<16xf32>
        %add3A_390 = arith.addf %get3A_384, %get3A_389 : vector<16xf32>
        %mul3A_391 = arith.constant 4 : i32
        %mul3A_392 = arith.muli %scan3A_173, %mul3A_391 : i32
        %add3A_393 = arith.constant 1 : i32
        %add3A_394 = arith.addi %mul3A_392, %add3A_393 : i32
        %swap3A_395 = arith.index_cast %add3A_394 : i32 to index
        %swap3A_396 = arith.constant 48 : index
        %swap3A_397 = tpu.vector_load %arg17[%swap3A_395, %swap3A_396] {strides = array<i32>} : memref<80x128xf32, #tpu.memory_space<vmem>>, vector<1x16xf32>,
        %swap3A_398 = vector.shape_cast %swap3A_397 : vector<1x16xf32> to vector<16xf32>
        %swap3A_399 = vector.shape_cast %add3A_390 : vector<16xf32> to vector<1x16xf32>
        tpu.vector_store %arg17[%swap3A_395, %swap3A_396], %swap3A_399 {strides = array<i32>} : memref<80x128xf32, #tpu.memory_space<vmem>>, vector<1x16xf32>,
        %get3A_400 = arith.index_cast %scan3A_173 : i32 to index
        %get3A_401 = arith.constant 64 : index
        %get3A_402 = tpu.vector_load %arg14[%get3A_400, %get3A_401] {strides = array<i32>} : memref<80x128xf32, #tpu.memory_space<vmem>>, vector<1x16xf32>,
        %get3A_403 = vector.shape_cast %get3A_402 : vector<1x16xf32> to vector<16xf32>
        %get3A_404 = arith.constant 18 : i32
        %get3A_405 = arith.index_cast %get3A_404 : i32 to index
        %get3A_406 = arith.constant 64 : index
        %get3A_407 = tpu.vector_load %arg14[%get3A_405, %get3A_406] {strides = array<i32>} : memref<80x128xf32, #tpu.memory_space<vmem>>, vector<1x16xf32>,
        %get3A_408 = vector.shape_cast %get3A_407 : vector<1x16xf32> to vector<16xf32>
        %add3A_409 = arith.addf %get3A_403, %get3A_408 : vector<16xf32>
        %mul3A_410 = arith.constant 4 : i32
        %mul3A_411 = arith.muli %scan3A_173, %mul3A_410 : i32
        %add3A_412 = arith.constant 1 : i32
        %add3A_413 = arith.addi %mul3A_411, %add3A_412 : i32
        %swap3A_414 = arith.index_cast %add3A_413 : i32 to index
        %swap3A_415 = arith.constant 64 : index
        %swap3A_416 = tpu.vector_load %arg17[%swap3A_414, %swap3A_415] {strides = array<i32>} : memref<80x128xf32, #tpu.memory_space<vmem>>, vector<1x16xf32>,
        %swap3A_417 = vector.shape_cast %swap3A_416 : vector<1x16xf32> to vector<16xf32>
        %swap3A_418 = vector.shape_cast %add3A_409 : vector<16xf32> to vector<1x16xf32>
        tpu.vector_store %arg17[%swap3A_414, %swap3A_415], %swap3A_418 {strides = array<i32>} : memref<80x128xf32, #tpu.memory_space<vmem>>, vector<1x16xf32>,
        %get3A_419 = arith.index_cast %scan3A_173 : i32 to index
        %get3A_420 = arith.constant 80 : index
        %get3A_421 = tpu.vector_load %arg14[%get3A_419, %get3A_420] {strides = array<i32>} : memref<80x128xf32, #tpu.memory_space<vmem>>, vector<1x16xf32>,
        %get3A_422 = vector.shape_cast %get3A_421 : vector<1x16xf32> to vector<16xf32>
        %get3A_423 = arith.constant 18 : i32
        %get3A_424 = arith.index_cast %get3A_423 : i32 to index
        %get3A_425 = arith.constant 80 : index
        %get3A_426 = tpu.vector_load %arg14[%get3A_424, %get3A_425] {strides = array<i32>} : memref<80x128xf32, #tpu.memory_space<vmem>>, vector<1x16xf32>,
        %get3A_427 = vector.shape_cast %get3A_426 : vector<1x16xf32> to vector<16xf32>
        %add3A_428 = arith.addf %get3A_422, %get3A_427 : vector<16xf32>
        %mul3A_429 = arith.constant 4 : i32
        %mul3A_430 = arith.muli %scan3A_173, %mul3A_429 : i32
        %add3A_431 = arith.constant 1 : i32
        %add3A_432 = arith.addi %mul3A_430, %add3A_431 : i32
        %swap3A_433 = arith.index_cast %add3A_432 : i32 to index
        %swap3A_434 = arith.constant 80 : index
        %swap3A_435 = tpu.vector_load %arg17[%swap3A_433, %swap3A_434] {strides = array<i32>} : memref<80x128xf32, #tpu.memory_space<vmem>>, vector<1x16xf32>,
        %swap3A_436 = vector.shape_cast %swap3A_435 : vector<1x16xf32> to vector<16xf32>
        %swap3A_437 = vector.shape_cast %add3A_428 : vector<16xf32> to vector<1x16xf32>
        tpu.vector_store %arg17[%swap3A_433, %swap3A_434], %swap3A_437 {strides = array<i32>} : memref<80x128xf32, #tpu.memory_space<vmem>>, vector<1x16xf32>,
        %get3A_438 = arith.index_cast %scan3A_173 : i32 to index
        %get3A_439 = arith.constant 96 : index
        %get3A_440 = tpu.vector_load %arg14[%get3A_438, %get3A_439] {strides = array<i32>} : memref<80x128xf32, #tpu.memory_space<vmem>>, vector<1x16xf32>,
        %get3A_441 = vector.shape_cast %get3A_440 : vector<1x16xf32> to vector<16xf32>
        %get3A_442 = arith.constant 18 : i32
        %get3A_443 = arith.index_cast %get3A_442 : i32 to index
        %get3A_444 = arith.constant 96 : index
        %get3A_445 = tpu.vector_load %arg14[%get3A_443, %get3A_444] {strides = array<i32>} : memref<80x128xf32, #tpu.memory_space<vmem>>, vector<1x16xf32>,
        %get3A_446 = vector.shape_cast %get3A_445 : vector<1x16xf32> to vector<16xf32>
        %add3A_447 = arith.addf %get3A_441, %get3A_446 : vector<16xf32>
        %mul3A_448 = arith.constant 4 : i32
        %mul3A_449 = arith.muli %scan3A_173, %mul3A_448 : i32
        %add3A_450 = arith.constant 1 : i32
        %add3A_451 = arith.addi %mul3A_449, %add3A_450 : i32
        %swap3A_452 = arith.index_cast %add3A_451 : i32 to index
        %swap3A_453 = arith.constant 96 : index
        %swap3A_454 = tpu.vector_load %arg17[%swap3A_452, %swap3A_453] {strides = array<i32>} : memref<80x128xf32, #tpu.memory_space<vmem>>, vector<1x16xf32>,
        %swap3A_455 = vector.shape_cast %swap3A_454 : vector<1x16xf32> to vector<16xf32>
        %swap3A_456 = vector.shape_cast %add3A_447 : vector<16xf32> to vector<1x16xf32>
        tpu.vector_store %arg17[%swap3A_452, %swap3A_453], %swap3A_456 {strides = array<i32>} : memref<80x128xf32, #tpu.memory_space<vmem>>, vector<1x16xf32>,
        %get3A_457 = arith.index_cast %scan3A_173 : i32 to index
        %get3A_458 = arith.constant 112 : index
        %get3A_459 = tpu.vector_load %arg14[%get3A_457, %get3A_458] {strides = array<i32>} : memref<80x128xf32, #tpu.memory_space<vmem>>, vector<1x16xf32>,
        %get3A_460 = vector.shape_cast %get3A_459 : vector<1x16xf32> to vector<16xf32>
        %get3A_461 = arith.constant 18 : i32
        %get3A_462 = arith.index_cast %get3A_461 : i32 to index
        %get3A_463 = arith.constant 112 : index
        %get3A_464 = tpu.vector_load %arg14[%get3A_462, %get3A_463] {strides = array<i32>} : memref<80x128xf32, #tpu.memory_space<vmem>>, vector<1x16xf32>,
        %get3A_465 = vector.shape_cast %get3A_464 : vector<1x16xf32> to vector<16xf32>
        %add3A_466 = arith.addf %get3A_460, %get3A_465 : vector<16xf32>
        %mul3A_467 = arith.constant 4 : i32
        %mul3A_468 = arith.muli %scan3A_173, %mul3A_467 : i32
        %add3A_469 = arith.constant 1 : i32
        %add3A_470 = arith.addi %mul3A_468, %add3A_469 : i32
        %swap3A_471 = arith.index_cast %add3A_470 : i32 to index
        %swap3A_472 = arith.constant 112 : index
        %swap3A_473 = tpu.vector_load %arg17[%swap3A_471, %swap3A_472] {strides = array<i32>} : memref<80x128xf32, #tpu.memory_space<vmem>>, vector<1x16xf32>,
        %swap3A_474 = vector.shape_cast %swap3A_473 : vector<1x16xf32> to vector<16xf32>
        %swap3A_475 = vector.shape_cast %add3A_466 : vector<16xf32> to vector<1x16xf32>
        tpu.vector_store %arg17[%swap3A_471, %swap3A_472], %swap3A_475 {strides = array<i32>} : memref<80x128xf32, #tpu.memory_space<vmem>>, vector<1x16xf32>,
        %get3A_476 = arith.index_cast %scan3A_173 : i32 to index
        %get3A_477 = arith.constant 0 : index
        %get3A_478 = tpu.vector_load %arg14[%get3A_476, %get3A_477] {strides = array<i32>} : memref<80x128xf32, #tpu.memory_space<vmem>>, vector<1x16xf32>,
        %get3A_479 = vector.shape_cast %get3A_478 : vector<1x16xf32> to vector<16xf32>
        %get3A_480 = arith.constant 19 : i32
        %get3A_481 = arith.index_cast %get3A_480 : i32 to index
        %get3A_482 = arith.constant 0 : index
        %get3A_483 = tpu.vector_load %arg14[%get3A_481, %get3A_482] {strides = array<i32>} : memref<80x128xf32, #tpu.memory_space<vmem>>, vector<1x16xf32>,
        %get3A_484 = vector.shape_cast %get3A_483 : vector<1x16xf32> to vector<16xf32>
        %add3A_485 = arith.addf %get3A_479, %get3A_484 : vector<16xf32>
        %mul3A_486 = arith.constant 4 : i32
        %mul3A_487 = arith.muli %scan3A_173, %mul3A_486 : i32
        %add3A_488 = arith.constant 2 : i32
        %add3A_489 = arith.addi %mul3A_487, %add3A_488 : i32
        %swap3A_490 = arith.index_cast %add3A_489 : i32 to index
        %swap3A_491 = arith.constant 0 : index
        %swap3A_492 = tpu.vector_load %arg17[%swap3A_490, %swap3A_491] {strides = array<i32>} : memref<80x128xf32, #tpu.memory_space<vmem>>, vector<1x16xf32>,
        %swap3A_493 = vector.shape_cast %swap3A_492 : vector<1x16xf32> to vector<16xf32>
        %swap3A_494 = vector.shape_cast %add3A_485 : vector<16xf32> to vector<1x16xf32>
        tpu.vector_store %arg17[%swap3A_490, %swap3A_491], %swap3A_494 {strides = array<i32>} : memref<80x128xf32, #tpu.memory_space<vmem>>, vector<1x16xf32>,
        %get3A_495 = arith.index_cast %scan3A_173 : i32 to index
        %get3A_496 = arith.constant 16 : index
        %get3A_497 = tpu.vector_load %arg14[%get3A_495, %get3A_496] {strides = array<i32>} : memref<80x128xf32, #tpu.memory_space<vmem>>, vector<1x16xf32>,
        %get3A_498 = vector.shape_cast %get3A_497 : vector<1x16xf32> to vector<16xf32>
        %get3A_499 = arith.constant 19 : i32
        %get3A_500 = arith.index_cast %get3A_499 : i32 to index
        %get3A_501 = arith.constant 16 : index
        %get3A_502 = tpu.vector_load %arg14[%get3A_500, %get3A_501] {strides = array<i32>} : memref<80x128xf32, #tpu.memory_space<vmem>>, vector<1x16xf32>,
        %get3A_503 = vector.shape_cast %get3A_502 : vector<1x16xf32> to vector<16xf32>
        %add3A_504 = arith.addf %get3A_498, %get3A_503 : vector<16xf32>
        %mul3A_505 = arith.constant 4 : i32
        %mul3A_506 = arith.muli %scan3A_173, %mul3A_505 : i32
        %add3A_507 = arith.constant 2 : i32
        %add3A_508 = arith.addi %mul3A_506, %add3A_507 : i32
        %swap3A_509 = arith.index_cast %add3A_508 : i32 to index
        %swap3A_510 = arith.constant 16 : index
        %swap3A_511 = tpu.vector_load %arg17[%swap3A_509, %swap3A_510] {strides = array<i32>} : memref<80x128xf32, #tpu.memory_space<vmem>>, vector<1x16xf32>,
        %swap3A_512 = vector.shape_cast %swap3A_511 : vector<1x16xf32> to vector<16xf32>
        %swap3A_513 = vector.shape_cast %add3A_504 : vector<16xf32> to vector<1x16xf32>
        tpu.vector_store %arg17[%swap3A_509, %swap3A_510], %swap3A_513 {strides = array<i32>} : memref<80x128xf32, #tpu.memory_space<vmem>>, vector<1x16xf32>,
        %get3A_514 = arith.index_cast %scan3A_173 : i32 to index
        %get3A_515 = arith.constant 32 : index
        %get3A_516 = tpu.vector_load %arg14[%get3A_514, %get3A_515] {strides = array<i32>} : memref<80x128xf32, #tpu.memory_space<vmem>>, vector<1x16xf32>,
        %get3A_517 = vector.shape_cast %get3A_516 : vector<1x16xf32> to vector<16xf32>
        %get3A_518 = arith.constant 19 : i32
        %get3A_519 = arith.index_cast %get3A_518 : i32 to index
        %get3A_520 = arith.constant 32 : index
        %get3A_521 = tpu.vector_load %arg14[%get3A_519, %get3A_520] {strides = array<i32>} : memref<80x128xf32, #tpu.memory_space<vmem>>, vector<1x16xf32>,
        %get3A_522 = vector.shape_cast %get3A_521 : vector<1x16xf32> to vector<16xf32>
        %add3A_523 = arith.addf %get3A_517, %get3A_522 : vector<16xf32>
        %mul3A_524 = arith.constant 4 : i32
        %mul3A_525 = arith.muli %scan3A_173, %mul3A_524 : i32
        %add3A_526 = arith.constant 2 : i32
        %add3A_527 = arith.addi %mul3A_525, %add3A_526 : i32
        %swap3A_528 = arith.index_cast %add3A_527 : i32 to index
        %swap3A_529 = arith.constant 32 : index
        %swap3A_530 = tpu.vector_load %arg17[%swap3A_528, %swap3A_529] {strides = array<i32>} : memref<80x128xf32, #tpu.memory_space<vmem>>, vector<1x16xf32>,
        %swap3A_531 = vector.shape_cast %swap3A_530 : vector<1x16xf32> to vector<16xf32>
        %swap3A_532 = vector.shape_cast %add3A_523 : vector<16xf32> to vector<1x16xf32>
        tpu.vector_store %arg17[%swap3A_528, %swap3A_529], %swap3A_532 {strides = array<i32>} : memref<80x128xf32, #tpu.memory_space<vmem>>, vector<1x16xf32>,
        %get3A_533 = arith.index_cast %scan3A_173 : i32 to index
        %get3A_534 = arith.constant 48 : index
        %get3A_535 = tpu.vector_load %arg14[%get3A_533, %get3A_534] {strides = array<i32>} : memref<80x128xf32, #tpu.memory_space<vmem>>, vector<1x16xf32>,
        %get3A_536 = vector.shape_cast %get3A_535 : vector<1x16xf32> to vector<16xf32>
        %get3A_537 = arith.constant 19 : i32
        %get3A_538 = arith.index_cast %get3A_537 : i32 to index
        %get3A_539 = arith.constant 48 : index
        %get3A_540 = tpu.vector_load %arg14[%get3A_538, %get3A_539] {strides = array<i32>} : memref<80x128xf32, #tpu.memory_space<vmem>>, vector<1x16xf32>,
        %get3A_541 = vector.shape_cast %get3A_540 : vector<1x16xf32> to vector<16xf32>
        %add3A_542 = arith.addf %get3A_536, %get3A_541 : vector<16xf32>
        %mul3A_543 = arith.constant 4 : i32
        %mul3A_544 = arith.muli %scan3A_173, %mul3A_543 : i32
        %add3A_545 = arith.constant 2 : i32
        %add3A_546 = arith.addi %mul3A_544, %add3A_545 : i32
        %swap3A_547 = arith.index_cast %add3A_546 : i32 to index
        %swap3A_548 = arith.constant 48 : index
        %swap3A_549 = tpu.vector_load %arg17[%swap3A_547, %swap3A_548] {strides = array<i32>} : memref<80x128xf32, #tpu.memory_space<vmem>>, vector<1x16xf32>,
        %swap3A_550 = vector.shape_cast %swap3A_549 : vector<1x16xf32> to vector<16xf32>
        %swap3A_551 = vector.shape_cast %add3A_542 : vector<16xf32> to vector<1x16xf32>
        tpu.vector_store %arg17[%swap3A_547, %swap3A_548], %swap3A_551 {strides = array<i32>} : memref<80x128xf32, #tpu.memory_space<vmem>>, vector<1x16xf32>,
        %get3A_552 = arith.index_cast %scan3A_173 : i32 to index
        %get3A_553 = arith.constant 64 : index
        %get3A_554 = tpu.vector_load %arg14[%get3A_552, %get3A_553] {strides = array<i32>} : memref<80x128xf32, #tpu.memory_space<vmem>>, vector<1x16xf32>,
        %get3A_555 = vector.shape_cast %get3A_554 : vector<1x16xf32> to vector<16xf32>
        %get3A_556 = arith.constant 19 : i32
        %get3A_557 = arith.index_cast %get3A_556 : i32 to index
        %get3A_558 = arith.constant 64 : index
        %get3A_559 = tpu.vector_load %arg14[%get3A_557, %get3A_558] {strides = array<i32>} : memref<80x128xf32, #tpu.memory_space<vmem>>, vector<1x16xf32>,
        %get3A_560 = vector.shape_cast %get3A_559 : vector<1x16xf32> to vector<16xf32>
        %add3A_561 = arith.addf %get3A_555, %get3A_560 : vector<16xf32>
        %mul3A_562 = arith.constant 4 : i32
        %mul3A_563 = arith.muli %scan3A_173, %mul3A_562 : i32
        %add3A_564 = arith.constant 2 : i32
        %add3A_565 = arith.addi %mul3A_563, %add3A_564 : i32
        %swap3A_566 = arith.index_cast %add3A_565 : i32 to index
        %swap3A_567 = arith.constant 64 : index
        %swap3A_568 = tpu.vector_load %arg17[%swap3A_566, %swap3A_567] {strides = array<i32>} : memref<80x128xf32, #tpu.memory_space<vmem>>, vector<1x16xf32>,
        %swap3A_569 = vector.shape_cast %swap3A_568 : vector<1x16xf32> to vector<16xf32>
        %swap3A_570 = vector.shape_cast %add3A_561 : vector<16xf32> to vector<1x16xf32>
        tpu.vector_store %arg17[%swap3A_566, %swap3A_567], %swap3A_570 {strides = array<i32>} : memref<80x128xf32, #tpu.memory_space<vmem>>, vector<1x16xf32>,
        %get3A_571 = arith.index_cast %scan3A_173 : i32 to index
        %get3A_572 = arith.constant 80 : index
        %get3A_573 = tpu.vector_load %arg14[%get3A_571, %get3A_572] {strides = array<i32>} : memref<80x128xf32, #tpu.memory_space<vmem>>, vector<1x16xf32>,
        %get3A_574 = vector.shape_cast %get3A_573 : vector<1x16xf32> to vector<16xf32>
        %get3A_575 = arith.constant 19 : i32
        %get3A_576 = arith.index_cast %get3A_575 : i32 to index
        %get3A_577 = arith.constant 80 : index
        %get3A_578 = tpu.vector_load %arg14[%get3A_576, %get3A_577] {strides = array<i32>} : memref<80x128xf32, #tpu.memory_space<vmem>>, vector<1x16xf32>,
        %get3A_579 = vector.shape_cast %get3A_578 : vector<1x16xf32> to vector<16xf32>
        %add3A_580 = arith.addf %get3A_574, %get3A_579 : vector<16xf32>
        %mul3A_581 = arith.constant 4 : i32
        %mul3A_582 = arith.muli %scan3A_173, %mul3A_581 : i32
        %add3A_583 = arith.constant 2 : i32
        %add3A_584 = arith.addi %mul3A_582, %add3A_583 : i32
        %swap3A_585 = arith.index_cast %add3A_584 : i32 to index
        %swap3A_586 = arith.constant 80 : index
        %swap3A_587 = tpu.vector_load %arg17[%swap3A_585, %swap3A_586] {strides = array<i32>} : memref<80x128xf32, #tpu.memory_space<vmem>>, vector<1x16xf32>,
        %swap3A_588 = vector.shape_cast %swap3A_587 : vector<1x16xf32> to vector<16xf32>
        %swap3A_589 = vector.shape_cast %add3A_580 : vector<16xf32> to vector<1x16xf32>
        tpu.vector_store %arg17[%swap3A_585, %swap3A_586], %swap3A_589 {strides = array<i32>} : memref<80x128xf32, #tpu.memory_space<vmem>>, vector<1x16xf32>,
        %get3A_590 = arith.index_cast %scan3A_173 : i32 to index
        %get3A_591 = arith.constant 96 : index
        %get3A_592 = tpu.vector_load %arg14[%get3A_590, %get3A_591] {strides = array<i32>} : memref<80x128xf32, #tpu.memory_space<vmem>>, vector<1x16xf32>,
        %get3A_593 = vector.shape_cast %get3A_592 : vector<1x16xf32> to vector<16xf32>
        %get3A_594 = arith.constant 19 : i32
        %get3A_595 = arith.index_cast %get3A_594 : i32 to index
        %get3A_596 = arith.constant 96 : index
        %get3A_597 = tpu.vector_load %arg14[%get3A_595, %get3A_596] {strides = array<i32>} : memref<80x128xf32, #tpu.memory_space<vmem>>, vector<1x16xf32>,
        %get3A_598 = vector.shape_cast %get3A_597 : vector<1x16xf32> to vector<16xf32>
        %add3A_599 = arith.addf %get3A_593, %get3A_598 : vector<16xf32>
        %mul3A_600 = arith.constant 4 : i32
        %mul3A_601 = arith.muli %scan3A_173, %mul3A_600 : i32
        %add3A_602 = arith.constant 2 : i32
        %add3A_603 = arith.addi %mul3A_601, %add3A_602 : i32
        %swap3A_604 = arith.index_cast %add3A_603 : i32 to index
        %swap3A_605 = arith.constant 96 : index
        %swap3A_606 = tpu.vector_load %arg17[%swap3A_604, %swap3A_605] {strides = array<i32>} : memref<80x128xf32, #tpu.memory_space<vmem>>, vector<1x16xf32>,
        %swap3A_607 = vector.shape_cast %swap3A_606 : vector<1x16xf32> to vector<16xf32>
        %swap3A_608 = vector.shape_cast %add3A_599 : vector<16xf32> to vector<1x16xf32>
        tpu.vector_store %arg17[%swap3A_604, %swap3A_605], %swap3A_608 {strides = array<i32>} : memref<80x128xf32, #tpu.memory_space<vmem>>, vector<1x16xf32>,
        %get3A_609 = arith.index_cast %scan3A_173 : i32 to index
        %get3A_610 = arith.constant 112 : index
        %get3A_611 = tpu.vector_load %arg14[%get3A_609, %get3A_610] {strides = array<i32>} : memref<80x128xf32, #tpu.memory_space<vmem>>, vector<1x16xf32>,
        %get3A_612 = vector.shape_cast %get3A_611 : vector<1x16xf32> to vector<16xf32>
        %get3A_613 = arith.constant 19 : i32
        %get3A_614 = arith.index_cast %get3A_613 : i32 to index
        %get3A_615 = arith.constant 112 : index
        %get3A_616 = tpu.vector_load %arg14[%get3A_614, %get3A_615] {strides = array<i32>} : memref<80x128xf32, #tpu.memory_space<vmem>>, vector<1x16xf32>,
        %get3A_617 = vector.shape_cast %get3A_616 : vector<1x16xf32> to vector<16xf32>
        %add3A_618 = arith.addf %get3A_612, %get3A_617 : vector<16xf32>
        %mul3A_619 = arith.constant 4 : i32
        %mul3A_620 = arith.muli %scan3A_173, %mul3A_619 : i32
        %add3A_621 = arith.constant 2 : i32
        %add3A_622 = arith.addi %mul3A_620, %add3A_621 : i32
        %swap3A_623 = arith.index_cast %add3A_622 : i32 to index
        %swap3A_624 = arith.constant 112 : index
        %swap3A_625 = tpu.vector_load %arg17[%swap3A_623, %swap3A_624] {strides = array<i32>} : memref<80x128xf32, #tpu.memory_space<vmem>>, vector<1x16xf32>,
        %swap3A_626 = vector.shape_cast %swap3A_625 : vector<1x16xf32> to vector<16xf32>
        %swap3A_627 = vector.shape_cast %add3A_618 : vector<16xf32> to vector<1x16xf32>
        tpu.vector_store %arg17[%swap3A_623, %swap3A_624], %swap3A_627 {strides = array<i32>} : memref<80x128xf32, #tpu.memory_space<vmem>>, vector<1x16xf32>,
        %get3A_628 = arith.index_cast %scan3A_173 : i32 to index
        %get3A_629 = arith.constant 0 : index
        %get3A_630 = tpu.vector_load %arg14[%get3A_628, %get3A_629] {strides = array<i32>} : memref<80x128xf32, #tpu.memory_space<vmem>>, vector<1x16xf32>,
        %get3A_631 = vector.shape_cast %get3A_630 : vector<1x16xf32> to vector<16xf32>
        %get3A_632 = arith.constant 20 : i32
        %get3A_633 = arith.index_cast %get3A_632 : i32 to index
        %get3A_634 = arith.constant 0 : index
        %get3A_635 = tpu.vector_load %arg14[%get3A_633, %get3A_634] {strides = array<i32>} : memref<80x128xf32, #tpu.memory_space<vmem>>, vector<1x16xf32>,
        %get3A_636 = vector.shape_cast %get3A_635 : vector<1x16xf32> to vector<16xf32>
        %add3A_637 = arith.addf %get3A_631, %get3A_636 : vector<16xf32>
        %mul3A_638 = arith.constant 4 : i32
        %mul3A_639 = arith.muli %scan3A_173, %mul3A_638 : i32
        %add3A_640 = arith.constant 3 : i32
        %add3A_641 = arith.addi %mul3A_639, %add3A_640 : i32
        %swap3A_642 = arith.index_cast %add3A_641 : i32 to index
        %swap3A_643 = arith.constant 0 : index
        %swap3A_644 = tpu.vector_load %arg17[%swap3A_642, %swap3A_643] {strides = array<i32>} : memref<80x128xf32, #tpu.memory_space<vmem>>, vector<1x16xf32>,
        %swap3A_645 = vector.shape_cast %swap3A_644 : vector<1x16xf32> to vector<16xf32>
        %swap3A_646 = vector.shape_cast %add3A_637 : vector<16xf32> to vector<1x16xf32>
        tpu.vector_store %arg17[%swap3A_642, %swap3A_643], %swap3A_646 {strides = array<i32>} : memref<80x128xf32, #tpu.memory_space<vmem>>, vector<1x16xf32>,
        %get3A_647 = arith.index_cast %scan3A_173 : i32 to index
        %get3A_648 = arith.constant 16 : index
        %get3A_649 = tpu.vector_load %arg14[%get3A_647, %get3A_648] {strides = array<i32>} : memref<80x128xf32, #tpu.memory_space<vmem>>, vector<1x16xf32>,
        %get3A_650 = vector.shape_cast %get3A_649 : vector<1x16xf32> to vector<16xf32>
        %get3A_651 = arith.constant 20 : i32
        %get3A_652 = arith.index_cast %get3A_651 : i32 to index
        %get3A_653 = arith.constant 16 : index
        %get3A_654 = tpu.vector_load %arg14[%get3A_652, %get3A_653] {strides = array<i32>} : memref<80x128xf32, #tpu.memory_space<vmem>>, vector<1x16xf32>,
        %get3A_655 = vector.shape_cast %get3A_654 : vector<1x16xf32> to vector<16xf32>
        %add3A_656 = arith.addf %get3A_650, %get3A_655 : vector<16xf32>
        %mul3A_657 = arith.constant 4 : i32
        %mul3A_658 = arith.muli %scan3A_173, %mul3A_657 : i32
        %add3A_659 = arith.constant 3 : i32
        %add3A_660 = arith.addi %mul3A_658, %add3A_659 : i32
        %swap3A_661 = arith.index_cast %add3A_660 : i32 to index
        %swap3A_662 = arith.constant 16 : index
        %swap3A_663 = tpu.vector_load %arg17[%swap3A_661, %swap3A_662] {strides = array<i32>} : memref<80x128xf32, #tpu.memory_space<vmem>>, vector<1x16xf32>,
        %swap3A_664 = vector.shape_cast %swap3A_663 : vector<1x16xf32> to vector<16xf32>
        %swap3A_665 = vector.shape_cast %add3A_656 : vector<16xf32> to vector<1x16xf32>
        tpu.vector_store %arg17[%swap3A_661, %swap3A_662], %swap3A_665 {strides = array<i32>} : memref<80x128xf32, #tpu.memory_space<vmem>>, vector<1x16xf32>,
        %get3A_666 = arith.index_cast %scan3A_173 : i32 to index
        %get3A_667 = arith.constant 32 : index
        %get3A_668 = tpu.vector_load %arg14[%get3A_666, %get3A_667] {strides = array<i32>} : memref<80x128xf32, #tpu.memory_space<vmem>>, vector<1x16xf32>,
        %get3A_669 = vector.shape_cast %get3A_668 : vector<1x16xf32> to vector<16xf32>
        %get3A_670 = arith.constant 20 : i32
        %get3A_671 = arith.index_cast %get3A_670 : i32 to index
        %get3A_672 = arith.constant 32 : index
        %get3A_673 = tpu.vector_load %arg14[%get3A_671, %get3A_672] {strides = array<i32>} : memref<80x128xf32, #tpu.memory_space<vmem>>, vector<1x16xf32>,
        %get3A_674 = vector.shape_cast %get3A_673 : vector<1x16xf32> to vector<16xf32>
        %add3A_675 = arith.addf %get3A_669, %get3A_674 : vector<16xf32>
        %mul3A_676 = arith.constant 4 : i32
        %mul3A_677 = arith.muli %scan3A_173, %mul3A_676 : i32
        %add3A_678 = arith.constant 3 : i32
        %add3A_679 = arith.addi %mul3A_677, %add3A_678 : i32
        %swap3A_680 = arith.index_cast %add3A_679 : i32 to index
        %swap3A_681 = arith.constant 32 : index
        %swap3A_682 = tpu.vector_load %arg17[%swap3A_680, %swap3A_681] {strides = array<i32>} : memref<80x128xf32, #tpu.memory_space<vmem>>, vector<1x16xf32>,
        %swap3A_683 = vector.shape_cast %swap3A_682 : vector<1x16xf32> to vector<16xf32>
        %swap3A_684 = vector.shape_cast %add3A_675 : vector<16xf32> to vector<1x16xf32>
        tpu.vector_store %arg17[%swap3A_680, %swap3A_681], %swap3A_684 {strides = array<i32>} : memref<80x128xf32, #tpu.memory_space<vmem>>, vector<1x16xf32>,
        %get3A_685 = arith.index_cast %scan3A_173 : i32 to index
        %get3A_686 = arith.constant 48 : index
        %get3A_687 = tpu.vector_load %arg14[%get3A_685, %get3A_686] {strides = array<i32>} : memref<80x128xf32, #tpu.memory_space<vmem>>, vector<1x16xf32>,
        %get3A_688 = vector.shape_cast %get3A_687 : vector<1x16xf32> to vector<16xf32>
        %get3A_689 = arith.constant 20 : i32
        %get3A_690 = arith.index_cast %get3A_689 : i32 to index
        %get3A_691 = arith.constant 48 : index
        %get3A_692 = tpu.vector_load %arg14[%get3A_690, %get3A_691] {strides = array<i32>} : memref<80x128xf32, #tpu.memory_space<vmem>>, vector<1x16xf32>,
        %get3A_693 = vector.shape_cast %get3A_692 : vector<1x16xf32> to vector<16xf32>
        %add3A_694 = arith.addf %get3A_688, %get3A_693 : vector<16xf32>
        %mul3A_695 = arith.constant 4 : i32
        %mul3A_696 = arith.muli %scan3A_173, %mul3A_695 : i32
        %add3A_697 = arith.constant 3 : i32
        %add3A_698 = arith.addi %mul3A_696, %add3A_697 : i32
        %swap3A_699 = arith.index_cast %add3A_698 : i32 to index
        %swap3A_700 = arith.constant 48 : index
        %swap3A_701 = tpu.vector_load %arg17[%swap3A_699, %swap3A_700] {strides = array<i32>} : memref<80x128xf32, #tpu.memory_space<vmem>>, vector<1x16xf32>,
        %swap3A_702 = vector.shape_cast %swap3A_701 : vector<1x16xf32> to vector<16xf32>
        %swap3A_703 = vector.shape_cast %add3A_694 : vector<16xf32> to vector<1x16xf32>
        tpu.vector_store %arg17[%swap3A_699, %swap3A_700], %swap3A_703 {strides = array<i32>} : memref<80x128xf32, #tpu.memory_space<vmem>>, vector<1x16xf32>,
        %get3A_704 = arith.index_cast %scan3A_173 : i32 to index
        %get3A_705 = arith.constant 64 : index
        %get3A_706 = tpu.vector_load %arg14[%get3A_704, %get3A_705] {strides = array<i32>} : memref<80x128xf32, #tpu.memory_space<vmem>>, vector<1x16xf32>,
        %get3A_707 = vector.shape_cast %get3A_706 : vector<1x16xf32> to vector<16xf32>
        %get3A_708 = arith.constant 20 : i32
        %get3A_709 = arith.index_cast %get3A_708 : i32 to index
        %get3A_710 = arith.constant 64 : index
        %get3A_711 = tpu.vector_load %arg14[%get3A_709, %get3A_710] {strides = array<i32>} : memref<80x128xf32, #tpu.memory_space<vmem>>, vector<1x16xf32>,
        %get3A_712 = vector.shape_cast %get3A_711 : vector<1x16xf32> to vector<16xf32>
        %add3A_713 = arith.addf %get3A_707, %get3A_712 : vector<16xf32>
        %mul3A_714 = arith.constant 4 : i32
        %mul3A_715 = arith.muli %scan3A_173, %mul3A_714 : i32
        %add3A_716 = arith.constant 3 : i32
        %add3A_717 = arith.addi %mul3A_715, %add3A_716 : i32
        %swap3A_718 = arith.index_cast %add3A_717 : i32 to index
        %swap3A_719 = arith.constant 64 : index
        %swap3A_720 = tpu.vector_load %arg17[%swap3A_718, %swap3A_719] {strides = array<i32>} : memref<80x128xf32, #tpu.memory_space<vmem>>, vector<1x16xf32>,
        %swap3A_721 = vector.shape_cast %swap3A_720 : vector<1x16xf32> to vector<16xf32>
        %swap3A_722 = vector.shape_cast %add3A_713 : vector<16xf32> to vector<1x16xf32>
        tpu.vector_store %arg17[%swap3A_718, %swap3A_719], %swap3A_722 {strides = array<i32>} : memref<80x128xf32, #tpu.memory_space<vmem>>, vector<1x16xf32>,
        %get3A_723 = arith.index_cast %scan3A_173 : i32 to index
        %get3A_724 = arith.constant 80 : index
        %get3A_725 = tpu.vector_load %arg14[%get3A_723, %get3A_724] {strides = array<i32>} : memref<80x128xf32, #tpu.memory_space<vmem>>, vector<1x16xf32>,
        %get3A_726 = vector.shape_cast %get3A_725 : vector<1x16xf32> to vector<16xf32>
        %get3A_727 = arith.constant 20 : i32
        %get3A_728 = arith.index_cast %get3A_727 : i32 to index
        %get3A_729 = arith.constant 80 : index
        %get3A_730 = tpu.vector_load %arg14[%get3A_728, %get3A_729] {strides = array<i32>} : memref<80x128xf32, #tpu.memory_space<vmem>>, vector<1x16xf32>,
        %get3A_731 = vector.shape_cast %get3A_730 : vector<1x16xf32> to vector<16xf32>
        %add3A_732 = arith.addf %get3A_726, %get3A_731 : vector<16xf32>
        %mul3A_733 = arith.constant 4 : i32
        %mul3A_734 = arith.muli %scan3A_173, %mul3A_733 : i32
        %add3A_735 = arith.constant 3 : i32
        %add3A_736 = arith.addi %mul3A_734, %add3A_735 : i32
        %swap3A_737 = arith.index_cast %add3A_736 : i32 to index
        %swap3A_738 = arith.constant 80 : index
        %swap3A_739 = tpu.vector_load %arg17[%swap3A_737, %swap3A_738] {strides = array<i32>} : memref<80x128xf32, #tpu.memory_space<vmem>>, vector<1x16xf32>,
        %swap3A_740 = vector.shape_cast %swap3A_739 : vector<1x16xf32> to vector<16xf32>
        %swap3A_741 = vector.shape_cast %add3A_732 : vector<16xf32> to vector<1x16xf32>
        tpu.vector_store %arg17[%swap3A_737, %swap3A_738], %swap3A_741 {strides = array<i32>} : memref<80x128xf32, #tpu.memory_space<vmem>>, vector<1x16xf32>,
        %get3A_742 = arith.index_cast %scan3A_173 : i32 to index
        %get3A_743 = arith.constant 96 : index
        %get3A_744 = tpu.vector_load %arg14[%get3A_742, %get3A_743] {strides = array<i32>} : memref<80x128xf32, #tpu.memory_space<vmem>>, vector<1x16xf32>,
        %get3A_745 = vector.shape_cast %get3A_744 : vector<1x16xf32> to vector<16xf32>
        %get3A_746 = arith.constant 20 : i32
        %get3A_747 = arith.index_cast %get3A_746 : i32 to index
        %get3A_748 = arith.constant 96 : index
        %get3A_749 = tpu.vector_load %arg14[%get3A_747, %get3A_748] {strides = array<i32>} : memref<80x128xf32, #tpu.memory_space<vmem>>, vector<1x16xf32>,
        %get3A_750 = vector.shape_cast %get3A_749 : vector<1x16xf32> to vector<16xf32>
        %add3A_751 = arith.addf %get3A_745, %get3A_750 : vector<16xf32>
        %mul3A_752 = arith.constant 4 : i32
        %mul3A_753 = arith.muli %scan3A_173, %mul3A_752 : i32
        %add3A_754 = arith.constant 3 : i32
        %add3A_755 = arith.addi %mul3A_753, %add3A_754 : i32
        %swap3A_756 = arith.index_cast %add3A_755 : i32 to index
        %swap3A_757 = arith.constant 96 : index
        %swap3A_758 = tpu.vector_load %arg17[%swap3A_756, %swap3A_757] {strides = array<i32>} : memref<80x128xf32, #tpu.memory_space<vmem>>, vector<1x16xf32>,
        %swap3A_759 = vector.shape_cast %swap3A_758 : vector<1x16xf32> to vector<16xf32>
        %swap3A_760 = vector.shape_cast %add3A_751 : vector<16xf32> to vector<1x16xf32>
        tpu.vector_store %arg17[%swap3A_756, %swap3A_757], %swap3A_760 {strides = array<i32>} : memref<80x128xf32, #tpu.memory_space<vmem>>, vector<1x16xf32>,
        %get3A_761 = arith.index_cast %scan3A_173 : i32 to index
        %get3A_762 = arith.constant 112 : index
        %get3A_763 = tpu.vector_load %arg14[%get3A_761, %get3A_762] {strides = array<i32>} : memref<80x128xf32, #tpu.memory_space<vmem>>, vector<1x16xf32>,
        %get3A_764 = vector.shape_cast %get3A_763 : vector<1x16xf32> to vector<16xf32>
        %get3A_765 = arith.constant 20 : i32
        %get3A_766 = arith.index_cast %get3A_765 : i32 to index
        %get3A_767 = arith.constant 112 : index
        %get3A_768 = tpu.vector_load %arg14[%get3A_766, %get3A_767] {strides = array<i32>} : memref<80x128xf32, #tpu.memory_space<vmem>>, vector<1x16xf32>,
        %get3A_769 = vector.shape_cast %get3A_768 : vector<1x16xf32> to vector<16xf32>
        %add3A_770 = arith.addf %get3A_764, %get3A_769 : vector<16xf32>
        %mul3A_771 = arith.constant 4 : i32
        %mul3A_772 = arith.muli %scan3A_173, %mul3A_771 : i32
        %add3A_773 = arith.constant 3 : i32
        %add3A_774 = arith.addi %mul3A_772, %add3A_773 : i32
        %swap3A_775 = arith.index_cast %add3A_774 : i32 to index
        %swap3A_776 = arith.constant 112 : index
        %swap3A_777 = tpu.vector_load %arg17[%swap3A_775, %swap3A_776] {strides = array<i32>} : memref<80x128xf32, #tpu.memory_space<vmem>>, vector<1x16xf32>,
        %swap3A_778 = vector.shape_cast %swap3A_777 : vector<1x16xf32> to vector<16xf32>
        %swap3A_779 = vector.shape_cast %add3A_770 : vector<16xf32> to vector<1x16xf32>
        tpu.vector_store %arg17[%swap3A_775, %swap3A_776], %swap3A_779 {strides = array<i32>} : memref<80x128xf32, #tpu.memory_space<vmem>>, vector<1x16xf32>,
      }
      %scan3A_172 = arith.constant 17 : i32
      "tpu.region"() ({
        %run_scoped3A = tpu.sem_alloc : memref<!tpu.dma_semaphore, #tpu.memory_space<semaphore_mem>>
        %dma_start3A_173 = arith.constant 0 : i32
        %dma_start3A_174 = arith.constant 0 : i32
        %dma_start3A_175 = tpu.memref_slice %arg17[%dma_start3A_173, %dma_start3A_174] : memref<80x128xf32, #tpu.memory_space<vmem>> -> memref<68x128xf32, #tpu.memory_space<vmem>>
        %dma_start3A_176 = arith.constant 0 : i32
        %dma_start3A_177 = arith.constant 0 : i32
        %dma_start3A_178 = tpu.memref_slice %arg17[%dma_start3A_176, %dma_start3A_177] : memref<80x128xf32, #tpu.memory_space<vmem>> -> memref<68x128xf32, #tpu.memory_space<vmem>>
        tpu.enqueue_dma source(%dma_start3A_178 : memref<68x128xf32, #tpu.memory_space<vmem>>) target(%arg23 : memref<68x128xf32, #tpu.memory_space<hbm>>) target_semaphore(%run_scoped3A : memref<!tpu.dma_semaphore, #tpu.memory_space<semaphore_mem>>)
        %dma_wait3A_179 = arith.constant 0 : i32
        %dma_wait3A_180 = arith.constant 0 : i32
        %dma_wait3A_181 = tpu.memref_slice %arg17[%dma_wait3A_179, %dma_wait3A_180] : memref<80x128xf32, #tpu.memory_space<vmem>> -> memref<68x128xf32, #tpu.memory_space<vmem>>
        %dma_wait3A_182 = arith.constant 0 : i32
        %dma_wait3A_183 = arith.constant 0 : i32
        %dma_wait3A_184 = tpu.memref_slice %arg17[%dma_wait3A_182, %dma_wait3A_183] : memref<80x128xf32, #tpu.memory_space<vmem>> -> memref<68x128xf32, #tpu.memory_space<vmem>>
        tpu.wait_dma2 semaphore(%run_scoped3A : memref<!tpu.dma_semaphore, #tpu.memory_space<semaphore_mem>>) src(%dma_wait3A_184 : memref<68x128xf32, #tpu.memory_space<vmem>>) dst(%arg23 : memref<68x128xf32, #tpu.memory_space<hbm>>)
        tpu.yield
      }) : () -> ()
    } else {
    }
    "tpu.region"() ({
      %run_scoped3A = tpu.sem_alloc : memref<!tpu.dma_semaphore, #tpu.memory_space<semaphore_mem>>
      %dma_start3A_167 = arith.constant 0 : i32
      %dma_start3A_168 = arith.constant 0 : i32
      %dma_start3A_169 = tpu.memref_slice %arg2[%add3A, %dma_start3A_167, %dma_start3A_168] : memref<32x80x80xi32, #tpu.memory_space<hbm>> -> memref<1x80x80xi32, #tpu.memory_space<hbm>>
      %dma_start3A_170 = tpu.memref_squeeze %dma_start3A_169 : memref<1x80x80xi32, #tpu.memory_space<hbm>> -> memref<80x80xi32, #tpu.memory_space<hbm>>
      %dma_start3A_171 = arith.constant 0 : i32
      %dma_start3A_172 = arith.constant 0 : i32
      %dma_start3A_173 = tpu.memref_slice %arg2[%add3A, %dma_start3A_171, %dma_start3A_172] : memref<32x80x80xi32, #tpu.memory_space<hbm>> -> memref<1x80x80xi32, #tpu.memory_space<hbm>>
      %dma_start3A_174 = tpu.memref_squeeze %dma_start3A_173 : memref<1x80x80xi32, #tpu.memory_space<hbm>> -> memref<80x80xi32, #tpu.memory_space<hbm>>
      tpu.enqueue_dma source(%dma_start3A_174 : memref<80x80xi32, #tpu.memory_space<hbm>>) target(%arg11 : memref<80x80xi32, #tpu.memory_space<vmem>>) target_semaphore(%run_scoped3A : memref<!tpu.dma_semaphore, #tpu.memory_space<semaphore_mem>>)
      %dma_wait3A_175 = arith.constant 0 : i32
      %dma_wait3A_176 = arith.constant 0 : i32
      %dma_wait3A_177 = tpu.memref_slice %arg2[%add3A, %dma_wait3A_175, %dma_wait3A_176] : memref<32x80x80xi32, #tpu.memory_space<hbm>> -> memref<1x80x80xi32, #tpu.memory_space<hbm>>
      %dma_wait3A_178 = tpu.memref_squeeze %dma_wait3A_177 : memref<1x80x80xi32, #tpu.memory_space<hbm>> -> memref<80x80xi32, #tpu.memory_space<hbm>>
      %dma_wait3A_179 = arith.constant 0 : i32
      %dma_wait3A_180 = arith.constant 0 : i32
      %dma_wait3A_181 = tpu.memref_slice %arg2[%add3A, %dma_wait3A_179, %dma_wait3A_180] : memref<32x80x80xi32, #tpu.memory_space<hbm>> -> memref<1x80x80xi32, #tpu.memory_space<hbm>>
      %dma_wait3A_182 = tpu.memref_squeeze %dma_wait3A_181 : memref<1x80x80xi32, #tpu.memory_space<hbm>> -> memref<80x80xi32, #tpu.memory_space<hbm>>
      tpu.wait_dma2 semaphore(%run_scoped3A : memref<!tpu.dma_semaphore, #tpu.memory_space<semaphore_mem>>) src(%dma_wait3A_182 : memref<80x80xi32, #tpu.memory_space<hbm>>) dst(%arg11 : memref<80x80xi32, #tpu.memory_space<vmem>>)
      tpu.yield
    }) : () -> ()
    "tpu.region"() ({
      %run_scoped3A = tpu.sem_alloc : memref<!tpu.dma_semaphore, #tpu.memory_space<semaphore_mem>>
      %dma_start3A_167 = arith.constant 0 : i32
      %dma_start3A_168 = arith.constant 0 : i32
      %dma_start3A_169 = tpu.memref_slice %arg3[%add3A, %dma_start3A_167, %dma_start3A_168] : memref<32x80x80xi32, #tpu.memory_space<hbm>> -> memref<1x80x80xi32, #tpu.memory_space<hbm>>
      %dma_start3A_170 = tpu.memref_squeeze %dma_start3A_169 : memref<1x80x80xi32, #tpu.memory_space<hbm>> -> memref<80x80xi32, #tpu.memory_space<hbm>>
      %dma_start3A_171 = arith.constant 0 : i32
      %dma_start3A_172 = arith.constant 0 : i32
      %dma_start3A_173 = tpu.memref_slice %arg3[%add3A, %dma_start3A_171, %dma_start3A_172] : memref<32x80x80xi32, #tpu.memory_space<hbm>> -> memref<1x80x80xi32, #tpu.memory_space<hbm>>
      %dma_start3A_174 = tpu.memref_squeeze %dma_start3A_173 : memref<1x80x80xi32, #tpu.memory_space<hbm>> -> memref<80x80xi32, #tpu.memory_space<hbm>>
      tpu.enqueue_dma source(%dma_start3A_174 : memref<80x80xi32, #tpu.memory_space<hbm>>) target(%arg12 : memref<80x80xi32, #tpu.memory_space<vmem>>) target_semaphore(%run_scoped3A : memref<!tpu.dma_semaphore, #tpu.memory_space<semaphore_mem>>)
      %dma_wait3A_175 = arith.constant 0 : i32
      %dma_wait3A_176 = arith.constant 0 : i32
      %dma_wait3A_177 = tpu.memref_slice %arg3[%add3A, %dma_wait3A_175, %dma_wait3A_176] : memref<32x80x80xi32, #tpu.memory_space<hbm>> -> memref<1x80x80xi32, #tpu.memory_space<hbm>>
      %dma_wait3A_178 = tpu.memref_squeeze %dma_wait3A_177 : memref<1x80x80xi32, #tpu.memory_space<hbm>> -> memref<80x80xi32, #tpu.memory_space<hbm>>
      %dma_wait3A_179 = arith.constant 0 : i32
      %dma_wait3A_180 = arith.constant 0 : i32
      %dma_wait3A_181 = tpu.memref_slice %arg3[%add3A, %dma_wait3A_179, %dma_wait3A_180] : memref<32x80x80xi32, #tpu.memory_space<hbm>> -> memref<1x80x80xi32, #tpu.memory_space<hbm>>
      %dma_wait3A_182 = tpu.memref_squeeze %dma_wait3A_181 : memref<1x80x80xi32, #tpu.memory_space<hbm>> -> memref<80x80xi32, #tpu.memory_space<hbm>>
      tpu.wait_dma2 semaphore(%run_scoped3A : memref<!tpu.dma_semaphore, #tpu.memory_space<semaphore_mem>>) src(%dma_wait3A_182 : memref<80x80xi32, #tpu.memory_space<hbm>>) dst(%arg12 : memref<80x80xi32, #tpu.memory_space<vmem>>)
      tpu.yield
    }) : () -> ()
    "tpu.region"() ({
      %run_scoped3A = tpu.sem_alloc : memref<!tpu.dma_semaphore, #tpu.memory_space<semaphore_mem>>
      %dma_start3A_167 = arith.constant 0 : i32
      %dma_start3A_168 = arith.constant 0 : i32
      %dma_start3A_169 = tpu.memref_slice %arg4[%add3A, %dma_start3A_167, %dma_start3A_168] : memref<32x80x80xi32, #tpu.memory_space<hbm>> -> memref<1x80x80xi32, #tpu.memory_space<hbm>>
      %dma_start3A_170 = tpu.memref_squeeze %dma_start3A_169 : memref<1x80x80xi32, #tpu.memory_space<hbm>> -> memref<80x80xi32, #tpu.memory_space<hbm>>
      %dma_start3A_171 = arith.constant 0 : i32
      %dma_start3A_172 = arith.constant 0 : i32
      %dma_start3A_173 = tpu.memref_slice %arg4[%add3A, %dma_start3A_171, %dma_start3A_172] : memref<32x80x80xi32, #tpu.memory_space<hbm>> -> memref<1x80x80xi32, #tpu.memory_space<hbm>>
      %dma_start3A_174 = tpu.memref_squeeze %dma_start3A_173 : memref<1x80x80xi32, #tpu.memory_space<hbm>> -> memref<80x80xi32, #tpu.memory_space<hbm>>
      tpu.enqueue_dma source(%dma_start3A_174 : memref<80x80xi32, #tpu.memory_space<hbm>>) target(%arg13 : memref<80x80xi32, #tpu.memory_space<vmem>>) target_semaphore(%run_scoped3A : memref<!tpu.dma_semaphore, #tpu.memory_space<semaphore_mem>>)
      %dma_wait3A_175 = arith.constant 0 : i32
      %dma_wait3A_176 = arith.constant 0 : i32
      %dma_wait3A_177 = tpu.memref_slice %arg4[%add3A, %dma_wait3A_175, %dma_wait3A_176] : memref<32x80x80xi32, #tpu.memory_space<hbm>> -> memref<1x80x80xi32, #tpu.memory_space<hbm>>
      %dma_wait3A_178 = tpu.memref_squeeze %dma_wait3A_177 : memref<1x80x80xi32, #tpu.memory_space<hbm>> -> memref<80x80xi32, #tpu.memory_space<hbm>>
      %dma_wait3A_179 = arith.constant 0 : i32
      %dma_wait3A_180 = arith.constant 0 : i32
      %dma_wait3A_181 = tpu.memref_slice %arg4[%add3A, %dma_wait3A_179, %dma_wait3A_180] : memref<32x80x80xi32, #tpu.memory_space<hbm>> -> memref<1x80x80xi32, #tpu.memory_space<hbm>>
      %dma_wait3A_182 = tpu.memref_squeeze %dma_wait3A_181 : memref<1x80x80xi32, #tpu.memory_space<hbm>> -> memref<80x80xi32, #tpu.memory_space<hbm>>
      tpu.wait_dma2 semaphore(%run_scoped3A : memref<!tpu.dma_semaphore, #tpu.memory_space<semaphore_mem>>) src(%dma_wait3A_182 : memref<80x80xi32, #tpu.memory_space<hbm>>) dst(%arg13 : memref<80x80xi32, #tpu.memory_space<vmem>>)
      tpu.yield
    }) : () -> ()
    %barrier3A = arith.constant 0 : index
    tpu.barrier barrier_id(%barrier3A)
    %dma_start3A = arith.constant 0 : i32
    %dma_start3A_3 = arith.constant 0 : i32
    %dma_start3A_4 = tpu.memref_slice %arg11[%dma_start3A, %dma_start3A_3] : memref<80x80xi32, #tpu.memory_space<vmem>> -> memref<1x80xi32, #tpu.memory_space<vmem>>
    %dma_start3A_5 = tpu.memref_squeeze %dma_start3A_4 : memref<1x80xi32, #tpu.memory_space<vmem>> -> memref<80xi32, #tpu.memory_space<vmem>>
    %dma_start3A_6 = arith.constant 0 : i32
    %dma_start3A_7 = arith.constant 0 : i32
    %dma_start3A_8 = tpu.memref_slice %arg5[%dma_start3A_6, %dma_start3A_7] : memref<100000x128xf32, #tpu.memory_space<hbm>> -> memref<100000x128xf32, #tpu.memory_space<hbm>>
    tpu.enqueue_indirect_dma source(%dma_start3A_8 : memref<100000x128xf32, #tpu.memory_space<hbm>>) target(%arg14 : memref<80x128xf32, #tpu.memory_space<vmem>>) offsets(%dma_start3A_5 : memref<80xi32, #tpu.memory_space<vmem>>) semaphore(%arg24 : memref<!tpu.dma_semaphore, #tpu.memory_space<semaphore_mem>>)
    %dma_start3A_9 = arith.constant 0 : i32
    %dma_start3A_10 = arith.constant 0 : i32
    %dma_start3A_11 = tpu.memref_slice %arg12[%dma_start3A_9, %dma_start3A_10] : memref<80x80xi32, #tpu.memory_space<vmem>> -> memref<1x80xi32, #tpu.memory_space<vmem>>
    %dma_start3A_12 = tpu.memref_squeeze %dma_start3A_11 : memref<1x80xi32, #tpu.memory_space<vmem>> -> memref<80xi32, #tpu.memory_space<vmem>>
    %dma_start3A_13 = arith.constant 0 : i32
    %dma_start3A_14 = arith.constant 0 : i32
    %dma_start3A_15 = tpu.memref_slice %arg6[%dma_start3A_13, %dma_start3A_14] : memref<1000x128xf32, #tpu.memory_space<hbm>> -> memref<1000x128xf32, #tpu.memory_space<hbm>>
    tpu.enqueue_indirect_dma source(%dma_start3A_15 : memref<1000x128xf32, #tpu.memory_space<hbm>>) target(%arg17 : memref<80x128xf32, #tpu.memory_space<vmem>>) offsets(%dma_start3A_12 : memref<80xi32, #tpu.memory_space<vmem>>) semaphore(%arg24 : memref<!tpu.dma_semaphore, #tpu.memory_space<semaphore_mem>>)
    %dma_start3A_16 = arith.constant 0 : i32
    %dma_start3A_17 = arith.constant 0 : i32
    %dma_start3A_18 = tpu.memref_slice %arg13[%dma_start3A_16, %dma_start3A_17] : memref<80x80xi32, #tpu.memory_space<vmem>> -> memref<1x80xi32, #tpu.memory_space<vmem>>
    %dma_start3A_19 = tpu.memref_squeeze %dma_start3A_18 : memref<1x80xi32, #tpu.memory_space<vmem>> -> memref<80xi32, #tpu.memory_space<vmem>>
    %dma_start3A_20 = arith.constant 0 : i32
    %dma_start3A_21 = arith.constant 0 : i32
    %dma_start3A_22 = tpu.memref_slice %arg23[%dma_start3A_20, %dma_start3A_21] : memref<68x128xf32, #tpu.memory_space<hbm>> -> memref<68x128xf32, #tpu.memory_space<hbm>>
    tpu.enqueue_indirect_dma source(%dma_start3A_22 : memref<68x128xf32, #tpu.memory_space<hbm>>) target(%arg20 : memref<80x128xf32, #tpu.memory_space<vmem>>) offsets(%dma_start3A_19 : memref<80xi32, #tpu.memory_space<vmem>>) semaphore(%arg24 : memref<!tpu.dma_semaphore, #tpu.memory_space<semaphore_mem>>)
    %scan3A = arith.constant 0 : i32
    %scan3A_23 = arith.constant 0 : i32
    %scan3A_24 = arith.constant 26 : i32
    %scan3A_25 = arith.addi %scan3A_23, %scan3A_24 : i32
    %scan3A_26 = arith.constant 1 : i32
    scf.for %scan3A_167 = %scan3A_23 to %scan3A_25 step %scan3A_26  : i32 {
      %mul3A_168 = arith.constant 3 : i32
      %mul3A_169 = arith.muli %mul3A_168, %scan3A_167 : i32
      %add3A_170 = arith.constant 0 : i32
      %add3A_171 = arith.addi %mul3A_169, %add3A_170 : i32
      %add3A_172 = arith.constant 1 : i32
      %add3A_173 = arith.addi %add3A_171, %add3A_172 : i32
      %lt3A = arith.constant 80 : i32
      %lt3A_174 = arith.cmpi slt, %add3A_173, %lt3A : i32
      %convert_element_type3A_175 = arith.extui %lt3A_174 : i1 to i32
      %cond3A_176 = arith.constant 0 : i32
      %cond3A_177 = arith.cmpi ne, %convert_element_type3A_175, %cond3A_176 : i32
      scf.if %cond3A_177 {
        %ge3A = arith.constant 2 : i32
        %ge3A_302 = arith.cmpi sge, %add3A_171, %ge3A : i32
        %convert_element_type3A_303 = arith.extui %ge3A_302 : i1 to i32
        %cond3A_304 = arith.constant 0 : i32
        %cond3A_305 = arith.cmpi ne, %convert_element_type3A_303, %cond3A_304 : i32
        scf.if %cond3A_305 {
          %sub3A = arith.constant 2 : i32
          %sub3A_326 = arith.subi %add3A_171, %sub3A : i32
          %mul3A_327 = arith.constant 6400 : i32
          %mul3A_328 = arith.muli %add3A, %mul3A_327 : i32
          %mul3A_329 = arith.constant 80 : i32
          %mul3A_330 = arith.muli %sub3A_326, %mul3A_329 : i32
          %add3A_331 = arith.addi %mul3A_328, %mul3A_330 : i32
          %dma_wait3A_332 = arith.constant 0 : i32
          %dma_wait3A_333 = tpu.memref_slice %arg10[%add3A_331, %dma_wait3A_332] : memref<204800x128xf32, #tpu.memory_space<hbm>> -> memref<80x128xf32, #tpu.memory_space<hbm>>
          %dma_wait3A_334 = arith.constant 0 : i32
          %dma_wait3A_335 = tpu.memref_slice %arg10[%add3A_331, %dma_wait3A_334] : memref<204800x128xf32, #tpu.memory_space<hbm>> -> memref<80x128xf32, #tpu.memory_space<hbm>>
          tpu.wait_dma2 semaphore(%arg28 : memref<!tpu.dma_semaphore, #tpu.memory_space<semaphore_mem>>) src(%arg15 : memref<80x128xf32, #tpu.memory_space<vmem>>) dst(%dma_wait3A_335 : memref<80x128xf32, #tpu.memory_space<hbm>>)
          %dma_wait3A_336 = arith.constant 0 : i32
          %dma_wait3A_337 = tpu.memref_slice %arg9[%add3A_331, %dma_wait3A_336] : memref<204800x128xf32, #tpu.memory_space<hbm>> -> memref<80x128xf32, #tpu.memory_space<hbm>>
          %dma_wait3A_338 = arith.constant 0 : i32
          %dma_wait3A_339 = tpu.memref_slice %arg9[%add3A_331, %dma_wait3A_338] : memref<204800x128xf32, #tpu.memory_space<hbm>> -> memref<80x128xf32, #tpu.memory_space<hbm>>
          tpu.wait_dma2 semaphore(%arg28 : memref<!tpu.dma_semaphore, #tpu.memory_space<semaphore_mem>>) src(%arg18 : memref<80x128xf32, #tpu.memory_space<vmem>>) dst(%dma_wait3A_339 : memref<80x128xf32, #tpu.memory_space<hbm>>)
        } else {
        }
        %add3A_306 = arith.constant 1 : i32
        %add3A_307 = arith.addi %add3A_171, %add3A_306 : i32
        %dma_start3A_308 = arith.constant 0 : i32
        %dma_start3A_309 = tpu.memref_slice %arg11[%add3A_307, %dma_start3A_308] : memref<80x80xi32, #tpu.memory_space<vmem>> -> memref<1x80xi32, #tpu.memory_space<vmem>>
        %dma_start3A_310 = tpu.memref_squeeze %dma_start3A_309 : memref<1x80xi32, #tpu.memory_space<vmem>> -> memref<80xi32, #tpu.memory_space<vmem>>
        %dma_start3A_311 = arith.constant 0 : i32
        %dma_start3A_312 = arith.constant 0 : i32
        %dma_start3A_313 = tpu.memref_slice %arg5[%dma_start3A_311, %dma_start3A_312] : memref<100000x128xf32, #tpu.memory_space<hbm>> -> memref<100000x128xf32, #tpu.memory_space<hbm>>
        tpu.enqueue_indirect_dma source(%dma_start3A_313 : memref<100000x128xf32, #tpu.memory_space<hbm>>) target(%arg15 : memref<80x128xf32, #tpu.memory_space<vmem>>) offsets(%dma_start3A_310 : memref<80xi32, #tpu.memory_space<vmem>>) semaphore(%arg25 : memref<!tpu.dma_semaphore, #tpu.memory_space<semaphore_mem>>)
        %dma_start3A_314 = arith.constant 0 : i32
        %dma_start3A_315 = tpu.memref_slice %arg12[%add3A_307, %dma_start3A_314] : memref<80x80xi32, #tpu.memory_space<vmem>> -> memref<1x80xi32, #tpu.memory_space<vmem>>
        %dma_start3A_316 = tpu.memref_squeeze %dma_start3A_315 : memref<1x80xi32, #tpu.memory_space<vmem>> -> memref<80xi32, #tpu.memory_space<vmem>>
        %dma_start3A_317 = arith.constant 0 : i32
        %dma_start3A_318 = arith.constant 0 : i32
        %dma_start3A_319 = tpu.memref_slice %arg6[%dma_start3A_317, %dma_start3A_318] : memref<1000x128xf32, #tpu.memory_space<hbm>> -> memref<1000x128xf32, #tpu.memory_space<hbm>>
        tpu.enqueue_indirect_dma source(%dma_start3A_319 : memref<1000x128xf32, #tpu.memory_space<hbm>>) target(%arg18 : memref<80x128xf32, #tpu.memory_space<vmem>>) offsets(%dma_start3A_316 : memref<80xi32, #tpu.memory_space<vmem>>) semaphore(%arg25 : memref<!tpu.dma_semaphore, #tpu.memory_space<semaphore_mem>>)
        %dma_start3A_320 = arith.constant 0 : i32
        %dma_start3A_321 = tpu.memref_slice %arg13[%add3A_307, %dma_start3A_320] : memref<80x80xi32, #tpu.memory_space<vmem>> -> memref<1x80xi32, #tpu.memory_space<vmem>>
        %dma_start3A_322 = tpu.memref_squeeze %dma_start3A_321 : memref<1x80xi32, #tpu.memory_space<vmem>> -> memref<80xi32, #tpu.memory_space<vmem>>
        %dma_start3A_323 = arith.constant 0 : i32
        %dma_start3A_324 = arith.constant 0 : i32
        %dma_start3A_325 = tpu.memref_slice %arg23[%dma_start3A_323, %dma_start3A_324] : memref<68x128xf32, #tpu.memory_space<hbm>> -> memref<68x128xf32, #tpu.memory_space<hbm>>
        tpu.enqueue_indirect_dma source(%dma_start3A_325 : memref<68x128xf32, #tpu.memory_space<hbm>>) target(%arg21 : memref<80x128xf32, #tpu.memory_space<vmem>>) offsets(%dma_start3A_322 : memref<80xi32, #tpu.memory_space<vmem>>) semaphore(%arg25 : memref<!tpu.dma_semaphore, #tpu.memory_space<semaphore_mem>>)
      } else {
      }
      %dma_wait3A_178 = arith.constant 0 : i32
      %dma_wait3A_179 = tpu.memref_slice %arg11[%add3A_171, %dma_wait3A_178] : memref<80x80xi32, #tpu.memory_space<vmem>> -> memref<1x80xi32, #tpu.memory_space<vmem>>
      %dma_wait3A_180 = tpu.memref_squeeze %dma_wait3A_179 : memref<1x80xi32, #tpu.memory_space<vmem>> -> memref<80xi32, #tpu.memory_space<vmem>>
      %dma_wait3A_181 = arith.constant 0 : i32
      %dma_wait3A_182 = arith.constant 0 : i32
      %dma_wait3A_183 = tpu.memref_slice %arg5[%dma_wait3A_181, %dma_wait3A_182] : memref<100000x128xf32, #tpu.memory_space<hbm>> -> memref<100000x128xf32, #tpu.memory_space<hbm>>
      tpu.wait_indirect_dma semaphore(%arg24 : memref<!tpu.dma_semaphore, #tpu.memory_space<semaphore_mem>>) src(%dma_wait3A_183 : memref<100000x128xf32, #tpu.memory_space<hbm>>) dst(%arg14 : memref<80x128xf32, #tpu.memory_space<vmem>>)
      %dma_wait3A_184 = arith.constant 0 : i32
      %dma_wait3A_185 = tpu.memref_slice %arg12[%add3A_171, %dma_wait3A_184] : memref<80x80xi32, #tpu.memory_space<vmem>> -> memref<1x80xi32, #tpu.memory_space<vmem>>
      %dma_wait3A_186 = tpu.memref_squeeze %dma_wait3A_185 : memref<1x80xi32, #tpu.memory_space<vmem>> -> memref<80xi32, #tpu.memory_space<vmem>>
      %dma_wait3A_187 = arith.constant 0 : i32
      %dma_wait3A_188 = arith.constant 0 : i32
      %dma_wait3A_189 = tpu.memref_slice %arg6[%dma_wait3A_187, %dma_wait3A_188] : memref<1000x128xf32, #tpu.memory_space<hbm>> -> memref<1000x128xf32, #tpu.memory_space<hbm>>
      tpu.wait_indirect_dma semaphore(%arg24 : memref<!tpu.dma_semaphore, #tpu.memory_space<semaphore_mem>>) src(%dma_wait3A_189 : memref<1000x128xf32, #tpu.memory_space<hbm>>) dst(%arg17 : memref<80x128xf32, #tpu.memory_space<vmem>>)
      %dma_wait3A_190 = arith.constant 0 : i32
      %dma_wait3A_191 = tpu.memref_slice %arg13[%add3A_171, %dma_wait3A_190] : memref<80x80xi32, #tpu.memory_space<vmem>> -> memref<1x80xi32, #tpu.memory_space<vmem>>
      %dma_wait3A_192 = tpu.memref_squeeze %dma_wait3A_191 : memref<1x80xi32, #tpu.memory_space<vmem>> -> memref<80xi32, #tpu.memory_space<vmem>>
      %dma_wait3A_193 = arith.constant 0 : i32
      %dma_wait3A_194 = arith.constant 0 : i32
      %dma_wait3A_195 = tpu.memref_slice %arg23[%dma_wait3A_193, %dma_wait3A_194] : memref<68x128xf32, #tpu.memory_space<hbm>> -> memref<68x128xf32, #tpu.memory_space<hbm>>
      tpu.wait_indirect_dma semaphore(%arg24 : memref<!tpu.dma_semaphore, #tpu.memory_space<semaphore_mem>>) src(%dma_wait3A_195 : memref<68x128xf32, #tpu.memory_space<hbm>>) dst(%arg20 : memref<80x128xf32, #tpu.memory_space<vmem>>)
      %parallel_loop3A_196 = arith.constant 0 : i32
      %parallel_loop3A_197 = arith.constant 80 : i32
      %parallel_loop3A_198 = arith.constant 1 : i32
      scf.for %parallel_loop3A_302 = %parallel_loop3A_196 to %parallel_loop3A_197 step %parallel_loop3A_198  : i32 {
        %parallel_loop3A_303 = arith.index_cast %parallel_loop3A_302 : i32 to index
        %parallel_loop3A_304 = arith.constant 0 : index
        %parallel_loop3A_305 = tpu.vector_load %arg14[%parallel_loop3A_303, %parallel_loop3A_304] {strides = array<i32>} : memref<80x128xf32, #tpu.memory_space<vmem>>, vector<1x16xf32>,
        %parallel_loop3A_306 = vector.shape_cast %parallel_loop3A_305 : vector<1x16xf32> to vector<16xf32>
        %parallel_loop3A_307 = arith.index_cast %parallel_loop3A_302 : i32 to index
        %parallel_loop3A_308 = arith.constant 0 : index
        %parallel_loop3A_309 = tpu.vector_load %arg20[%parallel_loop3A_307, %parallel_loop3A_308] {strides = array<i32>} : memref<80x128xf32, #tpu.memory_space<vmem>>, vector<1x16xf32>,
        %parallel_loop3A_310 = vector.shape_cast %parallel_loop3A_309 : vector<1x16xf32> to vector<16xf32>
        %parallel_loop3A_311 = arith.addf %parallel_loop3A_306, %parallel_loop3A_310 : vector<16xf32>
        %parallel_loop3A_312 = arith.index_cast %parallel_loop3A_302 : i32 to index
        %parallel_loop3A_313 = arith.constant 0 : index
        %parallel_loop3A_314 = tpu.vector_load %arg17[%parallel_loop3A_312, %parallel_loop3A_313] {strides = array<i32>} : memref<80x128xf32, #tpu.memory_space<vmem>>, vector<1x16xf32>,
        %parallel_loop3A_315 = vector.shape_cast %parallel_loop3A_314 : vector<1x16xf32> to vector<16xf32>
        %parallel_loop3A_316 = vector.shape_cast %parallel_loop3A_311 : vector<16xf32> to vector<1x16xf32>
        tpu.vector_store %arg17[%parallel_loop3A_312, %parallel_loop3A_313], %parallel_loop3A_316 {add = true, strides = array<i32>} : memref<80x128xf32, #tpu.memory_space<vmem>>, vector<1x16xf32>,
        %parallel_loop3A_317 = arith.index_cast %parallel_loop3A_302 : i32 to index
        %parallel_loop3A_318 = arith.constant 16 : index
        %parallel_loop3A_319 = tpu.vector_load %arg14[%parallel_loop3A_317, %parallel_loop3A_318] {strides = array<i32>} : memref<80x128xf32, #tpu.memory_space<vmem>>, vector<1x16xf32>,
        %parallel_loop3A_320 = vector.shape_cast %parallel_loop3A_319 : vector<1x16xf32> to vector<16xf32>
        %parallel_loop3A_321 = arith.index_cast %parallel_loop3A_302 : i32 to index
        %parallel_loop3A_322 = arith.constant 16 : index
        %parallel_loop3A_323 = tpu.vector_load %arg20[%parallel_loop3A_321, %parallel_loop3A_322] {strides = array<i32>} : memref<80x128xf32, #tpu.memory_space<vmem>>, vector<1x16xf32>,
        %parallel_loop3A_324 = vector.shape_cast %parallel_loop3A_323 : vector<1x16xf32> to vector<16xf32>
        %parallel_loop3A_325 = arith.addf %parallel_loop3A_320, %parallel_loop3A_324 : vector<16xf32>
        %parallel_loop3A_326 = arith.index_cast %parallel_loop3A_302 : i32 to index
        %parallel_loop3A_327 = arith.constant 16 : index
        %parallel_loop3A_328 = tpu.vector_load %arg17[%parallel_loop3A_326, %parallel_loop3A_327] {strides = array<i32>} : memref<80x128xf32, #tpu.memory_space<vmem>>, vector<1x16xf32>,
        %parallel_loop3A_329 = vector.shape_cast %parallel_loop3A_328 : vector<1x16xf32> to vector<16xf32>
        %parallel_loop3A_330 = vector.shape_cast %parallel_loop3A_325 : vector<16xf32> to vector<1x16xf32>
        tpu.vector_store %arg17[%parallel_loop3A_326, %parallel_loop3A_327], %parallel_loop3A_330 {add = true, strides = array<i32>} : memref<80x128xf32, #tpu.memory_space<vmem>>, vector<1x16xf32>,
        %parallel_loop3A_331 = arith.index_cast %parallel_loop3A_302 : i32 to index
        %parallel_loop3A_332 = arith.constant 32 : index
        %parallel_loop3A_333 = tpu.vector_load %arg14[%parallel_loop3A_331, %parallel_loop3A_332] {strides = array<i32>} : memref<80x128xf32, #tpu.memory_space<vmem>>, vector<1x16xf32>,
        %parallel_loop3A_334 = vector.shape_cast %parallel_loop3A_333 : vector<1x16xf32> to vector<16xf32>
        %parallel_loop3A_335 = arith.index_cast %parallel_loop3A_302 : i32 to index
        %parallel_loop3A_336 = arith.constant 32 : index
        %parallel_loop3A_337 = tpu.vector_load %arg20[%parallel_loop3A_335, %parallel_loop3A_336] {strides = array<i32>} : memref<80x128xf32, #tpu.memory_space<vmem>>, vector<1x16xf32>,
        %parallel_loop3A_338 = vector.shape_cast %parallel_loop3A_337 : vector<1x16xf32> to vector<16xf32>
        %parallel_loop3A_339 = arith.addf %parallel_loop3A_334, %parallel_loop3A_338 : vector<16xf32>
        %parallel_loop3A_340 = arith.index_cast %parallel_loop3A_302 : i32 to index
        %parallel_loop3A_341 = arith.constant 32 : index
        %parallel_loop3A_342 = tpu.vector_load %arg17[%parallel_loop3A_340, %parallel_loop3A_341] {strides = array<i32>} : memref<80x128xf32, #tpu.memory_space<vmem>>, vector<1x16xf32>,
        %parallel_loop3A_343 = vector.shape_cast %parallel_loop3A_342 : vector<1x16xf32> to vector<16xf32>
        %parallel_loop3A_344 = vector.shape_cast %parallel_loop3A_339 : vector<16xf32> to vector<1x16xf32>
        tpu.vector_store %arg17[%parallel_loop3A_340, %parallel_loop3A_341], %parallel_loop3A_344 {add = true, strides = array<i32>} : memref<80x128xf32, #tpu.memory_space<vmem>>, vector<1x16xf32>,
        %parallel_loop3A_345 = arith.index_cast %parallel_loop3A_302 : i32 to index
        %parallel_loop3A_346 = arith.constant 48 : index
        %parallel_loop3A_347 = tpu.vector_load %arg14[%parallel_loop3A_345, %parallel_loop3A_346] {strides = array<i32>} : memref<80x128xf32, #tpu.memory_space<vmem>>, vector<1x16xf32>,
        %parallel_loop3A_348 = vector.shape_cast %parallel_loop3A_347 : vector<1x16xf32> to vector<16xf32>
        %parallel_loop3A_349 = arith.index_cast %parallel_loop3A_302 : i32 to index
        %parallel_loop3A_350 = arith.constant 48 : index
        %parallel_loop3A_351 = tpu.vector_load %arg20[%parallel_loop3A_349, %parallel_loop3A_350] {strides = array<i32>} : memref<80x128xf32, #tpu.memory_space<vmem>>, vector<1x16xf32>,
        %parallel_loop3A_352 = vector.shape_cast %parallel_loop3A_351 : vector<1x16xf32> to vector<16xf32>
        %parallel_loop3A_353 = arith.addf %parallel_loop3A_348, %parallel_loop3A_352 : vector<16xf32>
        %parallel_loop3A_354 = arith.index_cast %parallel_loop3A_302 : i32 to index
        %parallel_loop3A_355 = arith.constant 48 : index
        %parallel_loop3A_356 = tpu.vector_load %arg17[%parallel_loop3A_354, %parallel_loop3A_355] {strides = array<i32>} : memref<80x128xf32, #tpu.memory_space<vmem>>, vector<1x16xf32>,
        %parallel_loop3A_357 = vector.shape_cast %parallel_loop3A_356 : vector<1x16xf32> to vector<16xf32>
        %parallel_loop3A_358 = vector.shape_cast %parallel_loop3A_353 : vector<16xf32> to vector<1x16xf32>
        tpu.vector_store %arg17[%parallel_loop3A_354, %parallel_loop3A_355], %parallel_loop3A_358 {add = true, strides = array<i32>} : memref<80x128xf32, #tpu.memory_space<vmem>>, vector<1x16xf32>,
        %parallel_loop3A_359 = arith.index_cast %parallel_loop3A_302 : i32 to index
        %parallel_loop3A_360 = arith.constant 64 : index
        %parallel_loop3A_361 = tpu.vector_load %arg14[%parallel_loop3A_359, %parallel_loop3A_360] {strides = array<i32>} : memref<80x128xf32, #tpu.memory_space<vmem>>, vector<1x16xf32>,
        %parallel_loop3A_362 = vector.shape_cast %parallel_loop3A_361 : vector<1x16xf32> to vector<16xf32>
        %parallel_loop3A_363 = arith.index_cast %parallel_loop3A_302 : i32 to index
        %parallel_loop3A_364 = arith.constant 64 : index
        %parallel_loop3A_365 = tpu.vector_load %arg20[%parallel_loop3A_363, %parallel_loop3A_364] {strides = array<i32>} : memref<80x128xf32, #tpu.memory_space<vmem>>, vector<1x16xf32>,
        %parallel_loop3A_366 = vector.shape_cast %parallel_loop3A_365 : vector<1x16xf32> to vector<16xf32>
        %parallel_loop3A_367 = arith.addf %parallel_loop3A_362, %parallel_loop3A_366 : vector<16xf32>
        %parallel_loop3A_368 = arith.index_cast %parallel_loop3A_302 : i32 to index
        %parallel_loop3A_369 = arith.constant 64 : index
        %parallel_loop3A_370 = tpu.vector_load %arg17[%parallel_loop3A_368, %parallel_loop3A_369] {strides = array<i32>} : memref<80x128xf32, #tpu.memory_space<vmem>>, vector<1x16xf32>,
        %parallel_loop3A_371 = vector.shape_cast %parallel_loop3A_370 : vector<1x16xf32> to vector<16xf32>
        %parallel_loop3A_372 = vector.shape_cast %parallel_loop3A_367 : vector<16xf32> to vector<1x16xf32>
        tpu.vector_store %arg17[%parallel_loop3A_368, %parallel_loop3A_369], %parallel_loop3A_372 {add = true, strides = array<i32>} : memref<80x128xf32, #tpu.memory_space<vmem>>, vector<1x16xf32>,
        %parallel_loop3A_373 = arith.index_cast %parallel_loop3A_302 : i32 to index
        %parallel_loop3A_374 = arith.constant 80 : index
        %parallel_loop3A_375 = tpu.vector_load %arg14[%parallel_loop3A_373, %parallel_loop3A_374] {strides = array<i32>} : memref<80x128xf32, #tpu.memory_space<vmem>>, vector<1x16xf32>,
        %parallel_loop3A_376 = vector.shape_cast %parallel_loop3A_375 : vector<1x16xf32> to vector<16xf32>
        %parallel_loop3A_377 = arith.index_cast %parallel_loop3A_302 : i32 to index
        %parallel_loop3A_378 = arith.constant 80 : index
        %parallel_loop3A_379 = tpu.vector_load %arg20[%parallel_loop3A_377, %parallel_loop3A_378] {strides = array<i32>} : memref<80x128xf32, #tpu.memory_space<vmem>>, vector<1x16xf32>,
        %parallel_loop3A_380 = vector.shape_cast %parallel_loop3A_379 : vector<1x16xf32> to vector<16xf32>
        %parallel_loop3A_381 = arith.addf %parallel_loop3A_376, %parallel_loop3A_380 : vector<16xf32>
        %parallel_loop3A_382 = arith.index_cast %parallel_loop3A_302 : i32 to index
        %parallel_loop3A_383 = arith.constant 80 : index
        %parallel_loop3A_384 = tpu.vector_load %arg17[%parallel_loop3A_382, %parallel_loop3A_383] {strides = array<i32>} : memref<80x128xf32, #tpu.memory_space<vmem>>, vector<1x16xf32>,
        %parallel_loop3A_385 = vector.shape_cast %parallel_loop3A_384 : vector<1x16xf32> to vector<16xf32>
        %parallel_loop3A_386 = vector.shape_cast %parallel_loop3A_381 : vector<16xf32> to vector<1x16xf32>
        tpu.vector_store %arg17[%parallel_loop3A_382, %parallel_loop3A_383], %parallel_loop3A_386 {add = true, strides = array<i32>} : memref<80x128xf32, #tpu.memory_space<vmem>>, vector<1x16xf32>,
        %parallel_loop3A_387 = arith.index_cast %parallel_loop3A_302 : i32 to index
        %parallel_loop3A_388 = arith.constant 96 : index
        %parallel_loop3A_389 = tpu.vector_load %arg14[%parallel_loop3A_387, %parallel_loop3A_388] {strides = array<i32>} : memref<80x128xf32, #tpu.memory_space<vmem>>, vector<1x16xf32>,
        %parallel_loop3A_390 = vector.shape_cast %parallel_loop3A_389 : vector<1x16xf32> to vector<16xf32>
        %parallel_loop3A_391 = arith.index_cast %parallel_loop3A_302 : i32 to index
        %parallel_loop3A_392 = arith.constant 96 : index
        %parallel_loop3A_393 = tpu.vector_load %arg20[%parallel_loop3A_391, %parallel_loop3A_392] {strides = array<i32>} : memref<80x128xf32, #tpu.memory_space<vmem>>, vector<1x16xf32>,
        %parallel_loop3A_394 = vector.shape_cast %parallel_loop3A_393 : vector<1x16xf32> to vector<16xf32>
        %parallel_loop3A_395 = arith.addf %parallel_loop3A_390, %parallel_loop3A_394 : vector<16xf32>
        %parallel_loop3A_396 = arith.index_cast %parallel_loop3A_302 : i32 to index
        %parallel_loop3A_397 = arith.constant 96 : index
        %parallel_loop3A_398 = tpu.vector_load %arg17[%parallel_loop3A_396, %parallel_loop3A_397] {strides = array<i32>} : memref<80x128xf32, #tpu.memory_space<vmem>>, vector<1x16xf32>,
        %parallel_loop3A_399 = vector.shape_cast %parallel_loop3A_398 : vector<1x16xf32> to vector<16xf32>
        %parallel_loop3A_400 = vector.shape_cast %parallel_loop3A_395 : vector<16xf32> to vector<1x16xf32>
        tpu.vector_store %arg17[%parallel_loop3A_396, %parallel_loop3A_397], %parallel_loop3A_400 {add = true, strides = array<i32>} : memref<80x128xf32, #tpu.memory_space<vmem>>, vector<1x16xf32>,
        %parallel_loop3A_401 = arith.index_cast %parallel_loop3A_302 : i32 to index
        %parallel_loop3A_402 = arith.constant 112 : index
        %parallel_loop3A_403 = tpu.vector_load %arg14[%parallel_loop3A_401, %parallel_loop3A_402] {strides = array<i32>} : memref<80x128xf32, #tpu.memory_space<vmem>>, vector<1x16xf32>,
        %parallel_loop3A_404 = vector.shape_cast %parallel_loop3A_403 : vector<1x16xf32> to vector<16xf32>
        %parallel_loop3A_405 = arith.index_cast %parallel_loop3A_302 : i32 to index
        %parallel_loop3A_406 = arith.constant 112 : index
        %parallel_loop3A_407 = tpu.vector_load %arg20[%parallel_loop3A_405, %parallel_loop3A_406] {strides = array<i32>} : memref<80x128xf32, #tpu.memory_space<vmem>>, vector<1x16xf32>,
        %parallel_loop3A_408 = vector.shape_cast %parallel_loop3A_407 : vector<1x16xf32> to vector<16xf32>
        %parallel_loop3A_409 = arith.addf %parallel_loop3A_404, %parallel_loop3A_408 : vector<16xf32>
        %parallel_loop3A_410 = arith.index_cast %parallel_loop3A_302 : i32 to index
        %parallel_loop3A_411 = arith.constant 112 : index
        %parallel_loop3A_412 = tpu.vector_load %arg17[%parallel_loop3A_410, %parallel_loop3A_411] {strides = array<i32>} : memref<80x128xf32, #tpu.memory_space<vmem>>, vector<1x16xf32>,
        %parallel_loop3A_413 = vector.shape_cast %parallel_loop3A_412 : vector<1x16xf32> to vector<16xf32>
        %parallel_loop3A_414 = vector.shape_cast %parallel_loop3A_409 : vector<16xf32> to vector<1x16xf32>
        tpu.vector_store %arg17[%parallel_loop3A_410, %parallel_loop3A_411], %parallel_loop3A_414 {add = true, strides = array<i32>} : memref<80x128xf32, #tpu.memory_space<vmem>>, vector<1x16xf32>,
      } {sc.loop_unroll_factor = 4 : i64, sc.parallel_access}
      %mul3A_199 = arith.constant 6400 : i32
      %mul3A_200 = arith.muli %add3A, %mul3A_199 : i32
      %mul3A_201 = arith.constant 80 : i32
      %mul3A_202 = arith.muli %add3A_171, %mul3A_201 : i32
      %add3A_203 = arith.addi %mul3A_200, %mul3A_202 : i32
      %dma_start3A_204 = arith.constant 0 : i32
      %dma_start3A_205 = tpu.memref_slice %arg10[%add3A_203, %dma_start3A_204] : memref<204800x128xf32, #tpu.memory_space<hbm>> -> memref<80x128xf32, #tpu.memory_space<hbm>>
      %dma_start3A_206 = arith.constant 0 : i32
      %dma_start3A_207 = tpu.memref_slice %arg10[%add3A_203, %dma_start3A_206] : memref<204800x128xf32, #tpu.memory_space<hbm>> -> memref<80x128xf32, #tpu.memory_space<hbm>>
      tpu.enqueue_dma source(%arg14 : memref<80x128xf32, #tpu.memory_space<vmem>>) target(%dma_start3A_207 : memref<80x128xf32, #tpu.memory_space<hbm>>) target_semaphore(%arg27 : memref<!tpu.dma_semaphore, #tpu.memory_space<semaphore_mem>>)
      %dma_start3A_208 = arith.constant 0 : i32
      %dma_start3A_209 = tpu.memref_slice %arg9[%add3A_203, %dma_start3A_208] : memref<204800x128xf32, #tpu.memory_space<hbm>> -> memref<80x128xf32, #tpu.memory_space<hbm>>
      %dma_start3A_210 = arith.constant 0 : i32
      %dma_start3A_211 = tpu.memref_slice %arg9[%add3A_203, %dma_start3A_210] : memref<204800x128xf32, #tpu.memory_space<hbm>> -> memref<80x128xf32, #tpu.memory_space<hbm>>
      tpu.enqueue_dma source(%arg17 : memref<80x128xf32, #tpu.memory_space<vmem>>) target(%dma_start3A_211 : memref<80x128xf32, #tpu.memory_space<hbm>>) target_semaphore(%arg27 : memref<!tpu.dma_semaphore, #tpu.memory_space<semaphore_mem>>)
      %mul3A_212 = arith.constant 3 : i32
      %mul3A_213 = arith.muli %mul3A_212, %scan3A_167 : i32
      %add3A_214 = arith.constant 1 : i32
      %add3A_215 = arith.addi %mul3A_213, %add3A_214 : i32
      %add3A_216 = arith.constant 1 : i32
      %add3A_217 = arith.addi %add3A_215, %add3A_216 : i32
      %lt3A_218 = arith.constant 80 : i32
      %lt3A_219 = arith.cmpi slt, %add3A_217, %lt3A_218 : i32
      %convert_element_type3A_220 = arith.extui %lt3A_219 : i1 to i32
      %cond3A_221 = arith.constant 0 : i32
      %cond3A_222 = arith.cmpi ne, %convert_element_type3A_220, %cond3A_221 : i32
      scf.if %cond3A_222 {
        %ge3A = arith.constant 2 : i32
        %ge3A_302 = arith.cmpi sge, %add3A_215, %ge3A : i32
        %convert_element_type3A_303 = arith.extui %ge3A_302 : i1 to i32
        %cond3A_304 = arith.constant 0 : i32
        %cond3A_305 = arith.cmpi ne, %convert_element_type3A_303, %cond3A_304 : i32
        scf.if %cond3A_305 {
          %sub3A = arith.constant 2 : i32
          %sub3A_326 = arith.subi %add3A_215, %sub3A : i32
          %mul3A_327 = arith.constant 6400 : i32
          %mul3A_328 = arith.muli %add3A, %mul3A_327 : i32
          %mul3A_329 = arith.constant 80 : i32
          %mul3A_330 = arith.muli %sub3A_326, %mul3A_329 : i32
          %add3A_331 = arith.addi %mul3A_328, %mul3A_330 : i32
          %dma_wait3A_332 = arith.constant 0 : i32
          %dma_wait3A_333 = tpu.memref_slice %arg10[%add3A_331, %dma_wait3A_332] : memref<204800x128xf32, #tpu.memory_space<hbm>> -> memref<80x128xf32, #tpu.memory_space<hbm>>
          %dma_wait3A_334 = arith.constant 0 : i32
          %dma_wait3A_335 = tpu.memref_slice %arg10[%add3A_331, %dma_wait3A_334] : memref<204800x128xf32, #tpu.memory_space<hbm>> -> memref<80x128xf32, #tpu.memory_space<hbm>>
          tpu.wait_dma2 semaphore(%arg29 : memref<!tpu.dma_semaphore, #tpu.memory_space<semaphore_mem>>) src(%arg16 : memref<80x128xf32, #tpu.memory_space<vmem>>) dst(%dma_wait3A_335 : memref<80x128xf32, #tpu.memory_space<hbm>>)
          %dma_wait3A_336 = arith.constant 0 : i32
          %dma_wait3A_337 = tpu.memref_slice %arg9[%add3A_331, %dma_wait3A_336] : memref<204800x128xf32, #tpu.memory_space<hbm>> -> memref<80x128xf32, #tpu.memory_space<hbm>>
          %dma_wait3A_338 = arith.constant 0 : i32
          %dma_wait3A_339 = tpu.memref_slice %arg9[%add3A_331, %dma_wait3A_338] : memref<204800x128xf32, #tpu.memory_space<hbm>> -> memref<80x128xf32, #tpu.memory_space<hbm>>
          tpu.wait_dma2 semaphore(%arg29 : memref<!tpu.dma_semaphore, #tpu.memory_space<semaphore_mem>>) src(%arg19 : memref<80x128xf32, #tpu.memory_space<vmem>>) dst(%dma_wait3A_339 : memref<80x128xf32, #tpu.memory_space<hbm>>)
        } else {
        }
        %add3A_306 = arith.constant 1 : i32
        %add3A_307 = arith.addi %add3A_215, %add3A_306 : i32
        %dma_start3A_308 = arith.constant 0 : i32
        %dma_start3A_309 = tpu.memref_slice %arg11[%add3A_307, %dma_start3A_308] : memref<80x80xi32, #tpu.memory_space<vmem>> -> memref<1x80xi32, #tpu.memory_space<vmem>>
        %dma_start3A_310 = tpu.memref_squeeze %dma_start3A_309 : memref<1x80xi32, #tpu.memory_space<vmem>> -> memref<80xi32, #tpu.memory_space<vmem>>
        %dma_start3A_311 = arith.constant 0 : i32
        %dma_start3A_312 = arith.constant 0 : i32
        %dma_start3A_313 = tpu.memref_slice %arg5[%dma_start3A_311, %dma_start3A_312] : memref<100000x128xf32, #tpu.memory_space<hbm>> -> memref<100000x128xf32, #tpu.memory_space<hbm>>
        tpu.enqueue_indirect_dma source(%dma_start3A_313 : memref<100000x128xf32, #tpu.memory_space<hbm>>) target(%arg16 : memref<80x128xf32, #tpu.memory_space<vmem>>) offsets(%dma_start3A_310 : memref<80xi32, #tpu.memory_space<vmem>>) semaphore(%arg26 : memref<!tpu.dma_semaphore, #tpu.memory_space<semaphore_mem>>)
        %dma_start3A_314 = arith.constant 0 : i32
        %dma_start3A_315 = tpu.memref_slice %arg12[%add3A_307, %dma_start3A_314] : memref<80x80xi32, #tpu.memory_space<vmem>> -> memref<1x80xi32, #tpu.memory_space<vmem>>
        %dma_start3A_316 = tpu.memref_squeeze %dma_start3A_315 : memref<1x80xi32, #tpu.memory_space<vmem>> -> memref<80xi32, #tpu.memory_space<vmem>>
        %dma_start3A_317 = arith.constant 0 : i32
        %dma_start3A_318 = arith.constant 0 : i32
        %dma_start3A_319 = tpu.memref_slice %arg6[%dma_start3A_317, %dma_start3A_318] : memref<1000x128xf32, #tpu.memory_space<hbm>> -> memref<1000x128xf32, #tpu.memory_space<hbm>>
        tpu.enqueue_indirect_dma source(%dma_start3A_319 : memref<1000x128xf32, #tpu.memory_space<hbm>>) target(%arg19 : memref<80x128xf32, #tpu.memory_space<vmem>>) offsets(%dma_start3A_316 : memref<80xi32, #tpu.memory_space<vmem>>) semaphore(%arg26 : memref<!tpu.dma_semaphore, #tpu.memory_space<semaphore_mem>>)
        %dma_start3A_320 = arith.constant 0 : i32
        %dma_start3A_321 = tpu.memref_slice %arg13[%add3A_307, %dma_start3A_320] : memref<80x80xi32, #tpu.memory_space<vmem>> -> memref<1x80xi32, #tpu.memory_space<vmem>>
        %dma_start3A_322 = tpu.memref_squeeze %dma_start3A_321 : memref<1x80xi32, #tpu.memory_space<vmem>> -> memref<80xi32, #tpu.memory_space<vmem>>
        %dma_start3A_323 = arith.constant 0 : i32
        %dma_start3A_324 = arith.constant 0 : i32
        %dma_start3A_325 = tpu.memref_slice %arg23[%dma_start3A_323, %dma_start3A_324] : memref<68x128xf32, #tpu.memory_space<hbm>> -> memref<68x128xf32, #tpu.memory_space<hbm>>
        tpu.enqueue_indirect_dma source(%dma_start3A_325 : memref<68x128xf32, #tpu.memory_space<hbm>>) target(%arg22 : memref<80x128xf32, #tpu.memory_space<vmem>>) offsets(%dma_start3A_322 : memref<80xi32, #tpu.memory_space<vmem>>) semaphore(%arg26 : memref<!tpu.dma_semaphore, #tpu.memory_space<semaphore_mem>>)
      } else {
      }
      %dma_wait3A_223 = arith.constant 0 : i32
      %dma_wait3A_224 = tpu.memref_slice %arg11[%add3A_215, %dma_wait3A_223] : memref<80x80xi32, #tpu.memory_space<vmem>> -> memref<1x80xi32, #tpu.memory_space<vmem>>
      %dma_wait3A_225 = tpu.memref_squeeze %dma_wait3A_224 : memref<1x80xi32, #tpu.memory_space<vmem>> -> memref<80xi32, #tpu.memory_space<vmem>>
      %dma_wait3A_226 = arith.constant 0 : i32
      %dma_wait3A_227 = arith.constant 0 : i32
      %dma_wait3A_228 = tpu.memref_slice %arg5[%dma_wait3A_226, %dma_wait3A_227] : memref<100000x128xf32, #tpu.memory_space<hbm>> -> memref<100000x128xf32, #tpu.memory_space<hbm>>
      tpu.wait_indirect_dma semaphore(%arg25 : memref<!tpu.dma_semaphore, #tpu.memory_space<semaphore_mem>>) src(%dma_wait3A_228 : memref<100000x128xf32, #tpu.memory_space<hbm>>) dst(%arg15 : memref<80x128xf32, #tpu.memory_space<vmem>>)
      %dma_wait3A_229 = arith.constant 0 : i32
      %dma_wait3A_230 = tpu.memref_slice %arg12[%add3A_215, %dma_wait3A_229] : memref<80x80xi32, #tpu.memory_space<vmem>> -> memref<1x80xi32, #tpu.memory_space<vmem>>
      %dma_wait3A_231 = tpu.memref_squeeze %dma_wait3A_230 : memref<1x80xi32, #tpu.memory_space<vmem>> -> memref<80xi32, #tpu.memory_space<vmem>>
      %dma_wait3A_232 = arith.constant 0 : i32
      %dma_wait3A_233 = arith.constant 0 : i32
      %dma_wait3A_234 = tpu.memref_slice %arg6[%dma_wait3A_232, %dma_wait3A_233] : memref<1000x128xf32, #tpu.memory_space<hbm>> -> memref<1000x128xf32, #tpu.memory_space<hbm>>
      tpu.wait_indirect_dma semaphore(%arg25 : memref<!tpu.dma_semaphore, #tpu.memory_space<semaphore_mem>>) src(%dma_wait3A_234 : memref<1000x128xf32, #tpu.memory_space<hbm>>) dst(%arg18 : memref<80x128xf32, #tpu.memory_space<vmem>>)
      %dma_wait3A_235 = arith.constant 0 : i32
      %dma_wait3A_236 = tpu.memref_slice %arg13[%add3A_215, %dma_wait3A_235] : memref<80x80xi32, #tpu.memory_space<vmem>> -> memref<1x80xi32, #tpu.memory_space<vmem>>
      %dma_wait3A_237 = tpu.memref_squeeze %dma_wait3A_236 : memref<1x80xi32, #tpu.memory_space<vmem>> -> memref<80xi32, #tpu.memory_space<vmem>>
      %dma_wait3A_238 = arith.constant 0 : i32
      %dma_wait3A_239 = arith.constant 0 : i32
      %dma_wait3A_240 = tpu.memref_slice %arg23[%dma_wait3A_238, %dma_wait3A_239] : memref<68x128xf32, #tpu.memory_space<hbm>> -> memref<68x128xf32, #tpu.memory_space<hbm>>
      tpu.wait_indirect_dma semaphore(%arg25 : memref<!tpu.dma_semaphore, #tpu.memory_space<semaphore_mem>>) src(%dma_wait3A_240 : memref<68x128xf32, #tpu.memory_space<hbm>>) dst(%arg21 : memref<80x128xf32, #tpu.memory_space<vmem>>)
      %parallel_loop3A_241 = arith.constant 0 : i32
      %parallel_loop3A_242 = arith.constant 80 : i32
      %parallel_loop3A_243 = arith.constant 1 : i32
      scf.for %parallel_loop3A_302 = %parallel_loop3A_241 to %parallel_loop3A_242 step %parallel_loop3A_243  : i32 {
        %parallel_loop3A_303 = arith.index_cast %parallel_loop3A_302 : i32 to index
        %parallel_loop3A_304 = arith.constant 0 : index
        %parallel_loop3A_305 = tpu.vector_load %arg15[%parallel_loop3A_303, %parallel_loop3A_304] {strides = array<i32>} : memref<80x128xf32, #tpu.memory_space<vmem>>, vector<1x16xf32>,
        %parallel_loop3A_306 = vector.shape_cast %parallel_loop3A_305 : vector<1x16xf32> to vector<16xf32>
        %parallel_loop3A_307 = arith.index_cast %parallel_loop3A_302 : i32 to index
        %parallel_loop3A_308 = arith.constant 0 : index
        %parallel_loop3A_309 = tpu.vector_load %arg21[%parallel_loop3A_307, %parallel_loop3A_308] {strides = array<i32>} : memref<80x128xf32, #tpu.memory_space<vmem>>, vector<1x16xf32>,
        %parallel_loop3A_310 = vector.shape_cast %parallel_loop3A_309 : vector<1x16xf32> to vector<16xf32>
        %parallel_loop3A_311 = arith.addf %parallel_loop3A_306, %parallel_loop3A_310 : vector<16xf32>
        %parallel_loop3A_312 = arith.index_cast %parallel_loop3A_302 : i32 to index
        %parallel_loop3A_313 = arith.constant 0 : index
        %parallel_loop3A_314 = tpu.vector_load %arg18[%parallel_loop3A_312, %parallel_loop3A_313] {strides = array<i32>} : memref<80x128xf32, #tpu.memory_space<vmem>>, vector<1x16xf32>,
        %parallel_loop3A_315 = vector.shape_cast %parallel_loop3A_314 : vector<1x16xf32> to vector<16xf32>
        %parallel_loop3A_316 = vector.shape_cast %parallel_loop3A_311 : vector<16xf32> to vector<1x16xf32>
        tpu.vector_store %arg18[%parallel_loop3A_312, %parallel_loop3A_313], %parallel_loop3A_316 {add = true, strides = array<i32>} : memref<80x128xf32, #tpu.memory_space<vmem>>, vector<1x16xf32>,
        %parallel_loop3A_317 = arith.index_cast %parallel_loop3A_302 : i32 to index
        %parallel_loop3A_318 = arith.constant 16 : index
        %parallel_loop3A_319 = tpu.vector_load %arg15[%parallel_loop3A_317, %parallel_loop3A_318] {strides = array<i32>} : memref<80x128xf32, #tpu.memory_space<vmem>>, vector<1x16xf32>,
        %parallel_loop3A_320 = vector.shape_cast %parallel_loop3A_319 : vector<1x16xf32> to vector<16xf32>
        %parallel_loop3A_321 = arith.index_cast %parallel_loop3A_302 : i32 to index
        %parallel_loop3A_322 = arith.constant 16 : index
        %parallel_loop3A_323 = tpu.vector_load %arg21[%parallel_loop3A_321, %parallel_loop3A_322] {strides = array<i32>} : memref<80x128xf32, #tpu.memory_space<vmem>>, vector<1x16xf32>,
        %parallel_loop3A_324 = vector.shape_cast %parallel_loop3A_323 : vector<1x16xf32> to vector<16xf32>
        %parallel_loop3A_325 = arith.addf %parallel_loop3A_320, %parallel_loop3A_324 : vector<16xf32>
        %parallel_loop3A_326 = arith.index_cast %parallel_loop3A_302 : i32 to index
        %parallel_loop3A_327 = arith.constant 16 : index
        %parallel_loop3A_328 = tpu.vector_load %arg18[%parallel_loop3A_326, %parallel_loop3A_327] {strides = array<i32>} : memref<80x128xf32, #tpu.memory_space<vmem>>, vector<1x16xf32>,
        %parallel_loop3A_329 = vector.shape_cast %parallel_loop3A_328 : vector<1x16xf32> to vector<16xf32>
        %parallel_loop3A_330 = vector.shape_cast %parallel_loop3A_325 : vector<16xf32> to vector<1x16xf32>
        tpu.vector_store %arg18[%parallel_loop3A_326, %parallel_loop3A_327], %parallel_loop3A_330 {add = true, strides = array<i32>} : memref<80x128xf32, #tpu.memory_space<vmem>>, vector<1x16xf32>,
        %parallel_loop3A_331 = arith.index_cast %parallel_loop3A_302 : i32 to index
        %parallel_loop3A_332 = arith.constant 32 : index
        %parallel_loop3A_333 = tpu.vector_load %arg15[%parallel_loop3A_331, %parallel_loop3A_332] {strides = array<i32>} : memref<80x128xf32, #tpu.memory_space<vmem>>, vector<1x16xf32>,
        %parallel_loop3A_334 = vector.shape_cast %parallel_loop3A_333 : vector<1x16xf32> to vector<16xf32>
        %parallel_loop3A_335 = arith.index_cast %parallel_loop3A_302 : i32 to index
        %parallel_loop3A_336 = arith.constant 32 : index
        %parallel_loop3A_337 = tpu.vector_load %arg21[%parallel_loop3A_335, %parallel_loop3A_336] {strides = array<i32>} : memref<80x128xf32, #tpu.memory_space<vmem>>, vector<1x16xf32>,
        %parallel_loop3A_338 = vector.shape_cast %parallel_loop3A_337 : vector<1x16xf32> to vector<16xf32>
        %parallel_loop3A_339 = arith.addf %parallel_loop3A_334, %parallel_loop3A_338 : vector<16xf32>
        %parallel_loop3A_340 = arith.index_cast %parallel_loop3A_302 : i32 to index
        %parallel_loop3A_341 = arith.constant 32 : index
        %parallel_loop3A_342 = tpu.vector_load %arg18[%parallel_loop3A_340, %parallel_loop3A_341] {strides = array<i32>} : memref<80x128xf32, #tpu.memory_space<vmem>>, vector<1x16xf32>,
        %parallel_loop3A_343 = vector.shape_cast %parallel_loop3A_342 : vector<1x16xf32> to vector<16xf32>
        %parallel_loop3A_344 = vector.shape_cast %parallel_loop3A_339 : vector<16xf32> to vector<1x16xf32>
        tpu.vector_store %arg18[%parallel_loop3A_340, %parallel_loop3A_341], %parallel_loop3A_344 {add = true, strides = array<i32>} : memref<80x128xf32, #tpu.memory_space<vmem>>, vector<1x16xf32>,
        %parallel_loop3A_345 = arith.index_cast %parallel_loop3A_302 : i32 to index
        %parallel_loop3A_346 = arith.constant 48 : index
        %parallel_loop3A_347 = tpu.vector_load %arg15[%parallel_loop3A_345, %parallel_loop3A_346] {strides = array<i32>} : memref<80x128xf32, #tpu.memory_space<vmem>>, vector<1x16xf32>,
        %parallel_loop3A_348 = vector.shape_cast %parallel_loop3A_347 : vector<1x16xf32> to vector<16xf32>
        %parallel_loop3A_349 = arith.index_cast %parallel_loop3A_302 : i32 to index
        %parallel_loop3A_350 = arith.constant 48 : index
        %parallel_loop3A_351 = tpu.vector_load %arg21[%parallel_loop3A_349, %parallel_loop3A_350] {strides = array<i32>} : memref<80x128xf32, #tpu.memory_space<vmem>>, vector<1x16xf32>,
        %parallel_loop3A_352 = vector.shape_cast %parallel_loop3A_351 : vector<1x16xf32> to vector<16xf32>
        %parallel_loop3A_353 = arith.addf %parallel_loop3A_348, %parallel_loop3A_352 : vector<16xf32>
        %parallel_loop3A_354 = arith.index_cast %parallel_loop3A_302 : i32 to index
        %parallel_loop3A_355 = arith.constant 48 : index
        %parallel_loop3A_356 = tpu.vector_load %arg18[%parallel_loop3A_354, %parallel_loop3A_355] {strides = array<i32>} : memref<80x128xf32, #tpu.memory_space<vmem>>, vector<1x16xf32>,
        %parallel_loop3A_357 = vector.shape_cast %parallel_loop3A_356 : vector<1x16xf32> to vector<16xf32>
        %parallel_loop3A_358 = vector.shape_cast %parallel_loop3A_353 : vector<16xf32> to vector<1x16xf32>
        tpu.vector_store %arg18[%parallel_loop3A_354, %parallel_loop3A_355], %parallel_loop3A_358 {add = true, strides = array<i32>} : memref<80x128xf32, #tpu.memory_space<vmem>>, vector<1x16xf32>,
        %parallel_loop3A_359 = arith.index_cast %parallel_loop3A_302 : i32 to index
        %parallel_loop3A_360 = arith.constant 64 : index
        %parallel_loop3A_361 = tpu.vector_load %arg15[%parallel_loop3A_359, %parallel_loop3A_360] {strides = array<i32>} : memref<80x128xf32, #tpu.memory_space<vmem>>, vector<1x16xf32>,
        %parallel_loop3A_362 = vector.shape_cast %parallel_loop3A_361 : vector<1x16xf32> to vector<16xf32>
        %parallel_loop3A_363 = arith.index_cast %parallel_loop3A_302 : i32 to index
        %parallel_loop3A_364 = arith.constant 64 : index
        %parallel_loop3A_365 = tpu.vector_load %arg21[%parallel_loop3A_363, %parallel_loop3A_364] {strides = array<i32>} : memref<80x128xf32, #tpu.memory_space<vmem>>, vector<1x16xf32>,
        %parallel_loop3A_366 = vector.shape_cast %parallel_loop3A_365 : vector<1x16xf32> to vector<16xf32>
        %parallel_loop3A_367 = arith.addf %parallel_loop3A_362, %parallel_loop3A_366 : vector<16xf32>
        %parallel_loop3A_368 = arith.index_cast %parallel_loop3A_302 : i32 to index
        %parallel_loop3A_369 = arith.constant 64 : index
        %parallel_loop3A_370 = tpu.vector_load %arg18[%parallel_loop3A_368, %parallel_loop3A_369] {strides = array<i32>} : memref<80x128xf32, #tpu.memory_space<vmem>>, vector<1x16xf32>,
        %parallel_loop3A_371 = vector.shape_cast %parallel_loop3A_370 : vector<1x16xf32> to vector<16xf32>
        %parallel_loop3A_372 = vector.shape_cast %parallel_loop3A_367 : vector<16xf32> to vector<1x16xf32>
        tpu.vector_store %arg18[%parallel_loop3A_368, %parallel_loop3A_369], %parallel_loop3A_372 {add = true, strides = array<i32>} : memref<80x128xf32, #tpu.memory_space<vmem>>, vector<1x16xf32>,
        %parallel_loop3A_373 = arith.index_cast %parallel_loop3A_302 : i32 to index
        %parallel_loop3A_374 = arith.constant 80 : index
        %parallel_loop3A_375 = tpu.vector_load %arg15[%parallel_loop3A_373, %parallel_loop3A_374] {strides = array<i32>} : memref<80x128xf32, #tpu.memory_space<vmem>>, vector<1x16xf32>,
        %parallel_loop3A_376 = vector.shape_cast %parallel_loop3A_375 : vector<1x16xf32> to vector<16xf32>
        %parallel_loop3A_377 = arith.index_cast %parallel_loop3A_302 : i32 to index
        %parallel_loop3A_378 = arith.constant 80 : index
        %parallel_loop3A_379 = tpu.vector_load %arg21[%parallel_loop3A_377, %parallel_loop3A_378] {strides = array<i32>} : memref<80x128xf32, #tpu.memory_space<vmem>>, vector<1x16xf32>,
        %parallel_loop3A_380 = vector.shape_cast %parallel_loop3A_379 : vector<1x16xf32> to vector<16xf32>
        %parallel_loop3A_381 = arith.addf %parallel_loop3A_376, %parallel_loop3A_380 : vector<16xf32>
        %parallel_loop3A_382 = arith.index_cast %parallel_loop3A_302 : i32 to index
        %parallel_loop3A_383 = arith.constant 80 : index
        %parallel_loop3A_384 = tpu.vector_load %arg18[%parallel_loop3A_382, %parallel_loop3A_383] {strides = array<i32>} : memref<80x128xf32, #tpu.memory_space<vmem>>, vector<1x16xf32>,
        %parallel_loop3A_385 = vector.shape_cast %parallel_loop3A_384 : vector<1x16xf32> to vector<16xf32>
        %parallel_loop3A_386 = vector.shape_cast %parallel_loop3A_381 : vector<16xf32> to vector<1x16xf32>
        tpu.vector_store %arg18[%parallel_loop3A_382, %parallel_loop3A_383], %parallel_loop3A_386 {add = true, strides = array<i32>} : memref<80x128xf32, #tpu.memory_space<vmem>>, vector<1x16xf32>,
        %parallel_loop3A_387 = arith.index_cast %parallel_loop3A_302 : i32 to index
        %parallel_loop3A_388 = arith.constant 96 : index
        %parallel_loop3A_389 = tpu.vector_load %arg15[%parallel_loop3A_387, %parallel_loop3A_388] {strides = array<i32>} : memref<80x128xf32, #tpu.memory_space<vmem>>, vector<1x16xf32>,
        %parallel_loop3A_390 = vector.shape_cast %parallel_loop3A_389 : vector<1x16xf32> to vector<16xf32>
        %parallel_loop3A_391 = arith.index_cast %parallel_loop3A_302 : i32 to index
        %parallel_loop3A_392 = arith.constant 96 : index
        %parallel_loop3A_393 = tpu.vector_load %arg21[%parallel_loop3A_391, %parallel_loop3A_392] {strides = array<i32>} : memref<80x128xf32, #tpu.memory_space<vmem>>, vector<1x16xf32>,
        %parallel_loop3A_394 = vector.shape_cast %parallel_loop3A_393 : vector<1x16xf32> to vector<16xf32>
        %parallel_loop3A_395 = arith.addf %parallel_loop3A_390, %parallel_loop3A_394 : vector<16xf32>
        %parallel_loop3A_396 = arith.index_cast %parallel_loop3A_302 : i32 to index
        %parallel_loop3A_397 = arith.constant 96 : index
        %parallel_loop3A_398 = tpu.vector_load %arg18[%parallel_loop3A_396, %parallel_loop3A_397] {strides = array<i32>} : memref<80x128xf32, #tpu.memory_space<vmem>>, vector<1x16xf32>,
        %parallel_loop3A_399 = vector.shape_cast %parallel_loop3A_398 : vector<1x16xf32> to vector<16xf32>
        %parallel_loop3A_400 = vector.shape_cast %parallel_loop3A_395 : vector<16xf32> to vector<1x16xf32>
        tpu.vector_store %arg18[%parallel_loop3A_396, %parallel_loop3A_397], %parallel_loop3A_400 {add = true, strides = array<i32>} : memref<80x128xf32, #tpu.memory_space<vmem>>, vector<1x16xf32>,
        %parallel_loop3A_401 = arith.index_cast %parallel_loop3A_302 : i32 to index
        %parallel_loop3A_402 = arith.constant 112 : index
        %parallel_loop3A_403 = tpu.vector_load %arg15[%parallel_loop3A_401, %parallel_loop3A_402] {strides = array<i32>} : memref<80x128xf32, #tpu.memory_space<vmem>>, vector<1x16xf32>,
        %parallel_loop3A_404 = vector.shape_cast %parallel_loop3A_403 : vector<1x16xf32> to vector<16xf32>
        %parallel_loop3A_405 = arith.index_cast %parallel_loop3A_302 : i32 to index
        %parallel_loop3A_406 = arith.constant 112 : index
        %parallel_loop3A_407 = tpu.vector_load %arg21[%parallel_loop3A_405, %parallel_loop3A_406] {strides = array<i32>} : memref<80x128xf32, #tpu.memory_space<vmem>>, vector<1x16xf32>,
        %parallel_loop3A_408 = vector.shape_cast %parallel_loop3A_407 : vector<1x16xf32> to vector<16xf32>
        %parallel_loop3A_409 = arith.addf %parallel_loop3A_404, %parallel_loop3A_408 : vector<16xf32>
        %parallel_loop3A_410 = arith.index_cast %parallel_loop3A_302 : i32 to index
        %parallel_loop3A_411 = arith.constant 112 : index
        %parallel_loop3A_412 = tpu.vector_load %arg18[%parallel_loop3A_410, %parallel_loop3A_411] {strides = array<i32>} : memref<80x128xf32, #tpu.memory_space<vmem>>, vector<1x16xf32>,
        %parallel_loop3A_413 = vector.shape_cast %parallel_loop3A_412 : vector<1x16xf32> to vector<16xf32>
        %parallel_loop3A_414 = vector.shape_cast %parallel_loop3A_409 : vector<16xf32> to vector<1x16xf32>
        tpu.vector_store %arg18[%parallel_loop3A_410, %parallel_loop3A_411], %parallel_loop3A_414 {add = true, strides = array<i32>} : memref<80x128xf32, #tpu.memory_space<vmem>>, vector<1x16xf32>,
      } {sc.loop_unroll_factor = 4 : i64, sc.parallel_access}
      %mul3A_244 = arith.constant 6400 : i32
      %mul3A_245 = arith.muli %add3A, %mul3A_244 : i32
      %mul3A_246 = arith.constant 80 : i32
      %mul3A_247 = arith.muli %add3A_215, %mul3A_246 : i32
      %add3A_248 = arith.addi %mul3A_245, %mul3A_247 : i32
      %dma_start3A_249 = arith.constant 0 : i32
      %dma_start3A_250 = tpu.memref_slice %arg10[%add3A_248, %dma_start3A_249] : memref<204800x128xf32, #tpu.memory_space<hbm>> -> memref<80x128xf32, #tpu.memory_space<hbm>>
      %dma_start3A_251 = arith.constant 0 : i32
      %dma_start3A_252 = tpu.memref_slice %arg10[%add3A_248, %dma_start3A_251] : memref<204800x128xf32, #tpu.memory_space<hbm>> -> memref<80x128xf32, #tpu.memory_space<hbm>>
      tpu.enqueue_dma source(%arg15 : memref<80x128xf32, #tpu.memory_space<vmem>>) target(%dma_start3A_252 : memref<80x128xf32, #tpu.memory_space<hbm>>) target_semaphore(%arg28 : memref<!tpu.dma_semaphore, #tpu.memory_space<semaphore_mem>>)
      %dma_start3A_253 = arith.constant 0 : i32
      %dma_start3A_254 = tpu.memref_slice %arg9[%add3A_248, %dma_start3A_253] : memref<204800x128xf32, #tpu.memory_space<hbm>> -> memref<80x128xf32, #tpu.memory_space<hbm>>
      %dma_start3A_255 = arith.constant 0 : i32
      %dma_start3A_256 = tpu.memref_slice %arg9[%add3A_248, %dma_start3A_255] : memref<204800x128xf32, #tpu.memory_space<hbm>> -> memref<80x128xf32, #tpu.memory_space<hbm>>
      tpu.enqueue_dma source(%arg18 : memref<80x128xf32, #tpu.memory_space<vmem>>) target(%dma_start3A_256 : memref<80x128xf32, #tpu.memory_space<hbm>>) target_semaphore(%arg28 : memref<!tpu.dma_semaphore, #tpu.memory_space<semaphore_mem>>)
      %mul3A_257 = arith.constant 3 : i32
      %mul3A_258 = arith.muli %mul3A_257, %scan3A_167 : i32
      %add3A_259 = arith.constant 2 : i32
      %add3A_260 = arith.addi %mul3A_258, %add3A_259 : i32
      %add3A_261 = arith.constant 1 : i32
      %add3A_262 = arith.addi %add3A_260, %add3A_261 : i32
      %lt3A_263 = arith.constant 80 : i32
      %lt3A_264 = arith.cmpi slt, %add3A_262, %lt3A_263 : i32
      %convert_element_type3A_265 = arith.extui %lt3A_264 : i1 to i32
      %cond3A_266 = arith.constant 0 : i32
      %cond3A_267 = arith.cmpi ne, %convert_element_type3A_265, %cond3A_266 : i32
      scf.if %cond3A_267 {
        %ge3A = arith.constant 2 : i32
        %ge3A_302 = arith.cmpi sge, %add3A_260, %ge3A : i32
        %convert_element_type3A_303 = arith.extui %ge3A_302 : i1 to i32
        %cond3A_304 = arith.constant 0 : i32
        %cond3A_305 = arith.cmpi ne, %convert_element_type3A_303, %cond3A_304 : i32
        scf.if %cond3A_305 {
          %sub3A = arith.constant 2 : i32
          %sub3A_326 = arith.subi %add3A_260, %sub3A : i32
          %mul3A_327 = arith.constant 6400 : i32
          %mul3A_328 = arith.muli %add3A, %mul3A_327 : i32
          %mul3A_329 = arith.constant 80 : i32
          %mul3A_330 = arith.muli %sub3A_326, %mul3A_329 : i32
          %add3A_331 = arith.addi %mul3A_328, %mul3A_330 : i32
          %dma_wait3A_332 = arith.constant 0 : i32
          %dma_wait3A_333 = tpu.memref_slice %arg10[%add3A_331, %dma_wait3A_332] : memref<204800x128xf32, #tpu.memory_space<hbm>> -> memref<80x128xf32, #tpu.memory_space<hbm>>
          %dma_wait3A_334 = arith.constant 0 : i32
          %dma_wait3A_335 = tpu.memref_slice %arg10[%add3A_331, %dma_wait3A_334] : memref<204800x128xf32, #tpu.memory_space<hbm>> -> memref<80x128xf32, #tpu.memory_space<hbm>>
          tpu.wait_dma2 semaphore(%arg27 : memref<!tpu.dma_semaphore, #tpu.memory_space<semaphore_mem>>) src(%arg14 : memref<80x128xf32, #tpu.memory_space<vmem>>) dst(%dma_wait3A_335 : memref<80x128xf32, #tpu.memory_space<hbm>>)
          %dma_wait3A_336 = arith.constant 0 : i32
          %dma_wait3A_337 = tpu.memref_slice %arg9[%add3A_331, %dma_wait3A_336] : memref<204800x128xf32, #tpu.memory_space<hbm>> -> memref<80x128xf32, #tpu.memory_space<hbm>>
          %dma_wait3A_338 = arith.constant 0 : i32
          %dma_wait3A_339 = tpu.memref_slice %arg9[%add3A_331, %dma_wait3A_338] : memref<204800x128xf32, #tpu.memory_space<hbm>> -> memref<80x128xf32, #tpu.memory_space<hbm>>
          tpu.wait_dma2 semaphore(%arg27 : memref<!tpu.dma_semaphore, #tpu.memory_space<semaphore_mem>>) src(%arg17 : memref<80x128xf32, #tpu.memory_space<vmem>>) dst(%dma_wait3A_339 : memref<80x128xf32, #tpu.memory_space<hbm>>)
        } else {
        }
        %add3A_306 = arith.constant 1 : i32
        %add3A_307 = arith.addi %add3A_260, %add3A_306 : i32
        %dma_start3A_308 = arith.constant 0 : i32
        %dma_start3A_309 = tpu.memref_slice %arg11[%add3A_307, %dma_start3A_308] : memref<80x80xi32, #tpu.memory_space<vmem>> -> memref<1x80xi32, #tpu.memory_space<vmem>>
        %dma_start3A_310 = tpu.memref_squeeze %dma_start3A_309 : memref<1x80xi32, #tpu.memory_space<vmem>> -> memref<80xi32, #tpu.memory_space<vmem>>
        %dma_start3A_311 = arith.constant 0 : i32
        %dma_start3A_312 = arith.constant 0 : i32
        %dma_start3A_313 = tpu.memref_slice %arg5[%dma_start3A_311, %dma_start3A_312] : memref<100000x128xf32, #tpu.memory_space<hbm>> -> memref<100000x128xf32, #tpu.memory_space<hbm>>
        tpu.enqueue_indirect_dma source(%dma_start3A_313 : memref<100000x128xf32, #tpu.memory_space<hbm>>) target(%arg14 : memref<80x128xf32, #tpu.memory_space<vmem>>) offsets(%dma_start3A_310 : memref<80xi32, #tpu.memory_space<vmem>>) semaphore(%arg24 : memref<!tpu.dma_semaphore, #tpu.memory_space<semaphore_mem>>)
        %dma_start3A_314 = arith.constant 0 : i32
        %dma_start3A_315 = tpu.memref_slice %arg12[%add3A_307, %dma_start3A_314] : memref<80x80xi32, #tpu.memory_space<vmem>> -> memref<1x80xi32, #tpu.memory_space<vmem>>
        %dma_start3A_316 = tpu.memref_squeeze %dma_start3A_315 : memref<1x80xi32, #tpu.memory_space<vmem>> -> memref<80xi32, #tpu.memory_space<vmem>>
        %dma_start3A_317 = arith.constant 0 : i32
        %dma_start3A_318 = arith.constant 0 : i32
        %dma_start3A_319 = tpu.memref_slice %arg6[%dma_start3A_317, %dma_start3A_318] : memref<1000x128xf32, #tpu.memory_space<hbm>> -> memref<1000x128xf32, #tpu.memory_space<hbm>>
        tpu.enqueue_indirect_dma source(%dma_start3A_319 : memref<1000x128xf32, #tpu.memory_space<hbm>>) target(%arg17 : memref<80x128xf32, #tpu.memory_space<vmem>>) offsets(%dma_start3A_316 : memref<80xi32, #tpu.memory_space<vmem>>) semaphore(%arg24 : memref<!tpu.dma_semaphore, #tpu.memory_space<semaphore_mem>>)
        %dma_start3A_320 = arith.constant 0 : i32
        %dma_start3A_321 = tpu.memref_slice %arg13[%add3A_307, %dma_start3A_320] : memref<80x80xi32, #tpu.memory_space<vmem>> -> memref<1x80xi32, #tpu.memory_space<vmem>>
        %dma_start3A_322 = tpu.memref_squeeze %dma_start3A_321 : memref<1x80xi32, #tpu.memory_space<vmem>> -> memref<80xi32, #tpu.memory_space<vmem>>
        %dma_start3A_323 = arith.constant 0 : i32
        %dma_start3A_324 = arith.constant 0 : i32
        %dma_start3A_325 = tpu.memref_slice %arg23[%dma_start3A_323, %dma_start3A_324] : memref<68x128xf32, #tpu.memory_space<hbm>> -> memref<68x128xf32, #tpu.memory_space<hbm>>
        tpu.enqueue_indirect_dma source(%dma_start3A_325 : memref<68x128xf32, #tpu.memory_space<hbm>>) target(%arg20 : memref<80x128xf32, #tpu.memory_space<vmem>>) offsets(%dma_start3A_322 : memref<80xi32, #tpu.memory_space<vmem>>) semaphore(%arg24 : memref<!tpu.dma_semaphore, #tpu.memory_space<semaphore_mem>>)
      } else {
      }
      %dma_wait3A_268 = arith.constant 0 : i32
      %dma_wait3A_269 = tpu.memref_slice %arg11[%add3A_260, %dma_wait3A_268] : memref<80x80xi32, #tpu.memory_space<vmem>> -> memref<1x80xi32, #tpu.memory_space<vmem>>
      %dma_wait3A_270 = tpu.memref_squeeze %dma_wait3A_269 : memref<1x80xi32, #tpu.memory_space<vmem>> -> memref<80xi32, #tpu.memory_space<vmem>>
      %dma_wait3A_271 = arith.constant 0 : i32
      %dma_wait3A_272 = arith.constant 0 : i32
      %dma_wait3A_273 = tpu.memref_slice %arg5[%dma_wait3A_271, %dma_wait3A_272] : memref<100000x128xf32, #tpu.memory_space<hbm>> -> memref<100000x128xf32, #tpu.memory_space<hbm>>
      tpu.wait_indirect_dma semaphore(%arg26 : memref<!tpu.dma_semaphore, #tpu.memory_space<semaphore_mem>>) src(%dma_wait3A_273 : memref<100000x128xf32, #tpu.memory_space<hbm>>) dst(%arg16 : memref<80x128xf32, #tpu.memory_space<vmem>>)
      %dma_wait3A_274 = arith.constant 0 : i32
      %dma_wait3A_275 = tpu.memref_slice %arg12[%add3A_260, %dma_wait3A_274] : memref<80x80xi32, #tpu.memory_space<vmem>> -> memref<1x80xi32, #tpu.memory_space<vmem>>
      %dma_wait3A_276 = tpu.memref_squeeze %dma_wait3A_275 : memref<1x80xi32, #tpu.memory_space<vmem>> -> memref<80xi32, #tpu.memory_space<vmem>>
      %dma_wait3A_277 = arith.constant 0 : i32
      %dma_wait3A_278 = arith.constant 0 : i32
      %dma_wait3A_279 = tpu.memref_slice %arg6[%dma_wait3A_277, %dma_wait3A_278] : memref<1000x128xf32, #tpu.memory_space<hbm>> -> memref<1000x128xf32, #tpu.memory_space<hbm>>
      tpu.wait_indirect_dma semaphore(%arg26 : memref<!tpu.dma_semaphore, #tpu.memory_space<semaphore_mem>>) src(%dma_wait3A_279 : memref<1000x128xf32, #tpu.memory_space<hbm>>) dst(%arg19 : memref<80x128xf32, #tpu.memory_space<vmem>>)
      %dma_wait3A_280 = arith.constant 0 : i32
      %dma_wait3A_281 = tpu.memref_slice %arg13[%add3A_260, %dma_wait3A_280] : memref<80x80xi32, #tpu.memory_space<vmem>> -> memref<1x80xi32, #tpu.memory_space<vmem>>
      %dma_wait3A_282 = tpu.memref_squeeze %dma_wait3A_281 : memref<1x80xi32, #tpu.memory_space<vmem>> -> memref<80xi32, #tpu.memory_space<vmem>>
      %dma_wait3A_283 = arith.constant 0 : i32
      %dma_wait3A_284 = arith.constant 0 : i32
      %dma_wait3A_285 = tpu.memref_slice %arg23[%dma_wait3A_283, %dma_wait3A_284] : memref<68x128xf32, #tpu.memory_space<hbm>> -> memref<68x128xf32, #tpu.memory_space<hbm>>
      tpu.wait_indirect_dma semaphore(%arg26 : memref<!tpu.dma_semaphore, #tpu.memory_space<semaphore_mem>>) src(%dma_wait3A_285 : memref<68x128xf32, #tpu.memory_space<hbm>>) dst(%arg22 : memref<80x128xf32, #tpu.memory_space<vmem>>)
      %parallel_loop3A_286 = arith.constant 0 : i32
      %parallel_loop3A_287 = arith.constant 80 : i32
      %parallel_loop3A_288 = arith.constant 1 : i32
      scf.for %parallel_loop3A_302 = %parallel_loop3A_286 to %parallel_loop3A_287 step %parallel_loop3A_288  : i32 {
        %parallel_loop3A_303 = arith.index_cast %parallel_loop3A_302 : i32 to index
        %parallel_loop3A_304 = arith.constant 0 : index
        %parallel_loop3A_305 = tpu.vector_load %arg16[%parallel_loop3A_303, %parallel_loop3A_304] {strides = array<i32>} : memref<80x128xf32, #tpu.memory_space<vmem>>, vector<1x16xf32>,
        %parallel_loop3A_306 = vector.shape_cast %parallel_loop3A_305 : vector<1x16xf32> to vector<16xf32>
        %parallel_loop3A_307 = arith.index_cast %parallel_loop3A_302 : i32 to index
        %parallel_loop3A_308 = arith.constant 0 : index
        %parallel_loop3A_309 = tpu.vector_load %arg22[%parallel_loop3A_307, %parallel_loop3A_308] {strides = array<i32>} : memref<80x128xf32, #tpu.memory_space<vmem>>, vector<1x16xf32>,
        %parallel_loop3A_310 = vector.shape_cast %parallel_loop3A_309 : vector<1x16xf32> to vector<16xf32>
        %parallel_loop3A_311 = arith.addf %parallel_loop3A_306, %parallel_loop3A_310 : vector<16xf32>
        %parallel_loop3A_312 = arith.index_cast %parallel_loop3A_302 : i32 to index
        %parallel_loop3A_313 = arith.constant 0 : index
        %parallel_loop3A_314 = tpu.vector_load %arg19[%parallel_loop3A_312, %parallel_loop3A_313] {strides = array<i32>} : memref<80x128xf32, #tpu.memory_space<vmem>>, vector<1x16xf32>,
        %parallel_loop3A_315 = vector.shape_cast %parallel_loop3A_314 : vector<1x16xf32> to vector<16xf32>
        %parallel_loop3A_316 = vector.shape_cast %parallel_loop3A_311 : vector<16xf32> to vector<1x16xf32>
        tpu.vector_store %arg19[%parallel_loop3A_312, %parallel_loop3A_313], %parallel_loop3A_316 {add = true, strides = array<i32>} : memref<80x128xf32, #tpu.memory_space<vmem>>, vector<1x16xf32>,
        %parallel_loop3A_317 = arith.index_cast %parallel_loop3A_302 : i32 to index
        %parallel_loop3A_318 = arith.constant 16 : index
        %parallel_loop3A_319 = tpu.vector_load %arg16[%parallel_loop3A_317, %parallel_loop3A_318] {strides = array<i32>} : memref<80x128xf32, #tpu.memory_space<vmem>>, vector<1x16xf32>,
        %parallel_loop3A_320 = vector.shape_cast %parallel_loop3A_319 : vector<1x16xf32> to vector<16xf32>
        %parallel_loop3A_321 = arith.index_cast %parallel_loop3A_302 : i32 to index
        %parallel_loop3A_322 = arith.constant 16 : index
        %parallel_loop3A_323 = tpu.vector_load %arg22[%parallel_loop3A_321, %parallel_loop3A_322] {strides = array<i32>} : memref<80x128xf32, #tpu.memory_space<vmem>>, vector<1x16xf32>,
        %parallel_loop3A_324 = vector.shape_cast %parallel_loop3A_323 : vector<1x16xf32> to vector<16xf32>
        %parallel_loop3A_325 = arith.addf %parallel_loop3A_320, %parallel_loop3A_324 : vector<16xf32>
        %parallel_loop3A_326 = arith.index_cast %parallel_loop3A_302 : i32 to index
        %parallel_loop3A_327 = arith.constant 16 : index
        %parallel_loop3A_328 = tpu.vector_load %arg19[%parallel_loop3A_326, %parallel_loop3A_327] {strides = array<i32>} : memref<80x128xf32, #tpu.memory_space<vmem>>, vector<1x16xf32>,
        %parallel_loop3A_329 = vector.shape_cast %parallel_loop3A_328 : vector<1x16xf32> to vector<16xf32>
        %parallel_loop3A_330 = vector.shape_cast %parallel_loop3A_325 : vector<16xf32> to vector<1x16xf32>
        tpu.vector_store %arg19[%parallel_loop3A_326, %parallel_loop3A_327], %parallel_loop3A_330 {add = true, strides = array<i32>} : memref<80x128xf32, #tpu.memory_space<vmem>>, vector<1x16xf32>,
        %parallel_loop3A_331 = arith.index_cast %parallel_loop3A_302 : i32 to index
        %parallel_loop3A_332 = arith.constant 32 : index
        %parallel_loop3A_333 = tpu.vector_load %arg16[%parallel_loop3A_331, %parallel_loop3A_332] {strides = array<i32>} : memref<80x128xf32, #tpu.memory_space<vmem>>, vector<1x16xf32>,
        %parallel_loop3A_334 = vector.shape_cast %parallel_loop3A_333 : vector<1x16xf32> to vector<16xf32>
        %parallel_loop3A_335 = arith.index_cast %parallel_loop3A_302 : i32 to index
        %parallel_loop3A_336 = arith.constant 32 : index
        %parallel_loop3A_337 = tpu.vector_load %arg22[%parallel_loop3A_335, %parallel_loop3A_336] {strides = array<i32>} : memref<80x128xf32, #tpu.memory_space<vmem>>, vector<1x16xf32>,
        %parallel_loop3A_338 = vector.shape_cast %parallel_loop3A_337 : vector<1x16xf32> to vector<16xf32>
        %parallel_loop3A_339 = arith.addf %parallel_loop3A_334, %parallel_loop3A_338 : vector<16xf32>
        %parallel_loop3A_340 = arith.index_cast %parallel_loop3A_302 : i32 to index
        %parallel_loop3A_341 = arith.constant 32 : index
        %parallel_loop3A_342 = tpu.vector_load %arg19[%parallel_loop3A_340, %parallel_loop3A_341] {strides = array<i32>} : memref<80x128xf32, #tpu.memory_space<vmem>>, vector<1x16xf32>,
        %parallel_loop3A_343 = vector.shape_cast %parallel_loop3A_342 : vector<1x16xf32> to vector<16xf32>
        %parallel_loop3A_344 = vector.shape_cast %parallel_loop3A_339 : vector<16xf32> to vector<1x16xf32>
        tpu.vector_store %arg19[%parallel_loop3A_340, %parallel_loop3A_341], %parallel_loop3A_344 {add = true, strides = array<i32>} : memref<80x128xf32, #tpu.memory_space<vmem>>, vector<1x16xf32>,
        %parallel_loop3A_345 = arith.index_cast %parallel_loop3A_302 : i32 to index
        %parallel_loop3A_346 = arith.constant 48 : index
        %parallel_loop3A_347 = tpu.vector_load %arg16[%parallel_loop3A_345, %parallel_loop3A_346] {strides = array<i32>} : memref<80x128xf32, #tpu.memory_space<vmem>>, vector<1x16xf32>,
        %parallel_loop3A_348 = vector.shape_cast %parallel_loop3A_347 : vector<1x16xf32> to vector<16xf32>
        %parallel_loop3A_349 = arith.index_cast %parallel_loop3A_302 : i32 to index
        %parallel_loop3A_350 = arith.constant 48 : index
        %parallel_loop3A_351 = tpu.vector_load %arg22[%parallel_loop3A_349, %parallel_loop3A_350] {strides = array<i32>} : memref<80x128xf32, #tpu.memory_space<vmem>>, vector<1x16xf32>,
        %parallel_loop3A_352 = vector.shape_cast %parallel_loop3A_351 : vector<1x16xf32> to vector<16xf32>
        %parallel_loop3A_353 = arith.addf %parallel_loop3A_348, %parallel_loop3A_352 : vector<16xf32>
        %parallel_loop3A_354 = arith.index_cast %parallel_loop3A_302 : i32 to index
        %parallel_loop3A_355 = arith.constant 48 : index
        %parallel_loop3A_356 = tpu.vector_load %arg19[%parallel_loop3A_354, %parallel_loop3A_355] {strides = array<i32>} : memref<80x128xf32, #tpu.memory_space<vmem>>, vector<1x16xf32>,
        %parallel_loop3A_357 = vector.shape_cast %parallel_loop3A_356 : vector<1x16xf32> to vector<16xf32>
        %parallel_loop3A_358 = vector.shape_cast %parallel_loop3A_353 : vector<16xf32> to vector<1x16xf32>
        tpu.vector_store %arg19[%parallel_loop3A_354, %parallel_loop3A_355], %parallel_loop3A_358 {add = true, strides = array<i32>} : memref<80x128xf32, #tpu.memory_space<vmem>>, vector<1x16xf32>,
        %parallel_loop3A_359 = arith.index_cast %parallel_loop3A_302 : i32 to index
        %parallel_loop3A_360 = arith.constant 64 : index
        %parallel_loop3A_361 = tpu.vector_load %arg16[%parallel_loop3A_359, %parallel_loop3A_360] {strides = array<i32>} : memref<80x128xf32, #tpu.memory_space<vmem>>, vector<1x16xf32>,
        %parallel_loop3A_362 = vector.shape_cast %parallel_loop3A_361 : vector<1x16xf32> to vector<16xf32>
        %parallel_loop3A_363 = arith.index_cast %parallel_loop3A_302 : i32 to index
        %parallel_loop3A_364 = arith.constant 64 : index
        %parallel_loop3A_365 = tpu.vector_load %arg22[%parallel_loop3A_363, %parallel_loop3A_364] {strides = array<i32>} : memref<80x128xf32, #tpu.memory_space<vmem>>, vector<1x16xf32>,
        %parallel_loop3A_366 = vector.shape_cast %parallel_loop3A_365 : vector<1x16xf32> to vector<16xf32>
        %parallel_loop3A_367 = arith.addf %parallel_loop3A_362, %parallel_loop3A_366 : vector<16xf32>
        %parallel_loop3A_368 = arith.index_cast %parallel_loop3A_302 : i32 to index
        %parallel_loop3A_369 = arith.constant 64 : index
        %parallel_loop3A_370 = tpu.vector_load %arg19[%parallel_loop3A_368, %parallel_loop3A_369] {strides = array<i32>} : memref<80x128xf32, #tpu.memory_space<vmem>>, vector<1x16xf32>,
        %parallel_loop3A_371 = vector.shape_cast %parallel_loop3A_370 : vector<1x16xf32> to vector<16xf32>
        %parallel_loop3A_372 = vector.shape_cast %parallel_loop3A_367 : vector<16xf32> to vector<1x16xf32>
        tpu.vector_store %arg19[%parallel_loop3A_368, %parallel_loop3A_369], %parallel_loop3A_372 {add = true, strides = array<i32>} : memref<80x128xf32, #tpu.memory_space<vmem>>, vector<1x16xf32>,
        %parallel_loop3A_373 = arith.index_cast %parallel_loop3A_302 : i32 to index
        %parallel_loop3A_374 = arith.constant 80 : index
        %parallel_loop3A_375 = tpu.vector_load %arg16[%parallel_loop3A_373, %parallel_loop3A_374] {strides = array<i32>} : memref<80x128xf32, #tpu.memory_space<vmem>>, vector<1x16xf32>,
        %parallel_loop3A_376 = vector.shape_cast %parallel_loop3A_375 : vector<1x16xf32> to vector<16xf32>
        %parallel_loop3A_377 = arith.index_cast %parallel_loop3A_302 : i32 to index
        %parallel_loop3A_378 = arith.constant 80 : index
        %parallel_loop3A_379 = tpu.vector_load %arg22[%parallel_loop3A_377, %parallel_loop3A_378] {strides = array<i32>} : memref<80x128xf32, #tpu.memory_space<vmem>>, vector<1x16xf32>,
        %parallel_loop3A_380 = vector.shape_cast %parallel_loop3A_379 : vector<1x16xf32> to vector<16xf32>
        %parallel_loop3A_381 = arith.addf %parallel_loop3A_376, %parallel_loop3A_380 : vector<16xf32>
        %parallel_loop3A_382 = arith.index_cast %parallel_loop3A_302 : i32 to index
        %parallel_loop3A_383 = arith.constant 80 : index
        %parallel_loop3A_384 = tpu.vector_load %arg19[%parallel_loop3A_382, %parallel_loop3A_383] {strides = array<i32>} : memref<80x128xf32, #tpu.memory_space<vmem>>, vector<1x16xf32>,
        %parallel_loop3A_385 = vector.shape_cast %parallel_loop3A_384 : vector<1x16xf32> to vector<16xf32>
        %parallel_loop3A_386 = vector.shape_cast %parallel_loop3A_381 : vector<16xf32> to vector<1x16xf32>
        tpu.vector_store %arg19[%parallel_loop3A_382, %parallel_loop3A_383], %parallel_loop3A_386 {add = true, strides = array<i32>} : memref<80x128xf32, #tpu.memory_space<vmem>>, vector<1x16xf32>,
        %parallel_loop3A_387 = arith.index_cast %parallel_loop3A_302 : i32 to index
        %parallel_loop3A_388 = arith.constant 96 : index
        %parallel_loop3A_389 = tpu.vector_load %arg16[%parallel_loop3A_387, %parallel_loop3A_388] {strides = array<i32>} : memref<80x128xf32, #tpu.memory_space<vmem>>, vector<1x16xf32>,
        %parallel_loop3A_390 = vector.shape_cast %parallel_loop3A_389 : vector<1x16xf32> to vector<16xf32>
        %parallel_loop3A_391 = arith.index_cast %parallel_loop3A_302 : i32 to index
        %parallel_loop3A_392 = arith.constant 96 : index
        %parallel_loop3A_393 = tpu.vector_load %arg22[%parallel_loop3A_391, %parallel_loop3A_392] {strides = array<i32>} : memref<80x128xf32, #tpu.memory_space<vmem>>, vector<1x16xf32>,
        %parallel_loop3A_394 = vector.shape_cast %parallel_loop3A_393 : vector<1x16xf32> to vector<16xf32>
        %parallel_loop3A_395 = arith.addf %parallel_loop3A_390, %parallel_loop3A_394 : vector<16xf32>
        %parallel_loop3A_396 = arith.index_cast %parallel_loop3A_302 : i32 to index
        %parallel_loop3A_397 = arith.constant 96 : index
        %parallel_loop3A_398 = tpu.vector_load %arg19[%parallel_loop3A_396, %parallel_loop3A_397] {strides = array<i32>} : memref<80x128xf32, #tpu.memory_space<vmem>>, vector<1x16xf32>,
        %parallel_loop3A_399 = vector.shape_cast %parallel_loop3A_398 : vector<1x16xf32> to vector<16xf32>
        %parallel_loop3A_400 = vector.shape_cast %parallel_loop3A_395 : vector<16xf32> to vector<1x16xf32>
        tpu.vector_store %arg19[%parallel_loop3A_396, %parallel_loop3A_397], %parallel_loop3A_400 {add = true, strides = array<i32>} : memref<80x128xf32, #tpu.memory_space<vmem>>, vector<1x16xf32>,
        %parallel_loop3A_401 = arith.index_cast %parallel_loop3A_302 : i32 to index
        %parallel_loop3A_402 = arith.constant 112 : index
        %parallel_loop3A_403 = tpu.vector_load %arg16[%parallel_loop3A_401, %parallel_loop3A_402] {strides = array<i32>} : memref<80x128xf32, #tpu.memory_space<vmem>>, vector<1x16xf32>,
        %parallel_loop3A_404 = vector.shape_cast %parallel_loop3A_403 : vector<1x16xf32> to vector<16xf32>
        %parallel_loop3A_405 = arith.index_cast %parallel_loop3A_302 : i32 to index
        %parallel_loop3A_406 = arith.constant 112 : index
        %parallel_loop3A_407 = tpu.vector_load %arg22[%parallel_loop3A_405, %parallel_loop3A_406] {strides = array<i32>} : memref<80x128xf32, #tpu.memory_space<vmem>>, vector<1x16xf32>,
        %parallel_loop3A_408 = vector.shape_cast %parallel_loop3A_407 : vector<1x16xf32> to vector<16xf32>
        %parallel_loop3A_409 = arith.addf %parallel_loop3A_404, %parallel_loop3A_408 : vector<16xf32>
        %parallel_loop3A_410 = arith.index_cast %parallel_loop3A_302 : i32 to index
        %parallel_loop3A_411 = arith.constant 112 : index
        %parallel_loop3A_412 = tpu.vector_load %arg19[%parallel_loop3A_410, %parallel_loop3A_411] {strides = array<i32>} : memref<80x128xf32, #tpu.memory_space<vmem>>, vector<1x16xf32>,
        %parallel_loop3A_413 = vector.shape_cast %parallel_loop3A_412 : vector<1x16xf32> to vector<16xf32>
        %parallel_loop3A_414 = vector.shape_cast %parallel_loop3A_409 : vector<16xf32> to vector<1x16xf32>
        tpu.vector_store %arg19[%parallel_loop3A_410, %parallel_loop3A_411], %parallel_loop3A_414 {add = true, strides = array<i32>} : memref<80x128xf32, #tpu.memory_space<vmem>>, vector<1x16xf32>,
      } {sc.loop_unroll_factor = 4 : i64, sc.parallel_access}
      %mul3A_289 = arith.constant 6400 : i32
      %mul3A_290 = arith.muli %add3A, %mul3A_289 : i32
      %mul3A_291 = arith.constant 80 : i32
      %mul3A_292 = arith.muli %add3A_260, %mul3A_291 : i32
      %add3A_293 = arith.addi %mul3A_290, %mul3A_292 : i32
      %dma_start3A_294 = arith.constant 0 : i32
      %dma_start3A_295 = tpu.memref_slice %arg10[%add3A_293, %dma_start3A_294] : memref<204800x128xf32, #tpu.memory_space<hbm>> -> memref<80x128xf32, #tpu.memory_space<hbm>>
      %dma_start3A_296 = arith.constant 0 : i32
      %dma_start3A_297 = tpu.memref_slice %arg10[%add3A_293, %dma_start3A_296] : memref<204800x128xf32, #tpu.memory_space<hbm>> -> memref<80x128xf32, #tpu.memory_space<hbm>>
      tpu.enqueue_dma source(%arg16 : memref<80x128xf32, #tpu.memory_space<vmem>>) target(%dma_start3A_297 : memref<80x128xf32, #tpu.memory_space<hbm>>) target_semaphore(%arg29 : memref<!tpu.dma_semaphore, #tpu.memory_space<semaphore_mem>>)
      %dma_start3A_298 = arith.constant 0 : i32
      %dma_start3A_299 = tpu.memref_slice %arg9[%add3A_293, %dma_start3A_298] : memref<204800x128xf32, #tpu.memory_space<hbm>> -> memref<80x128xf32, #tpu.memory_space<hbm>>
      %dma_start3A_300 = arith.constant 0 : i32
      %dma_start3A_301 = tpu.memref_slice %arg9[%add3A_293, %dma_start3A_300] : memref<204800x128xf32, #tpu.memory_space<hbm>> -> memref<80x128xf32, #tpu.memory_space<hbm>>
      tpu.enqueue_dma source(%arg19 : memref<80x128xf32, #tpu.memory_space<vmem>>) target(%dma_start3A_301 : memref<80x128xf32, #tpu.memory_space<hbm>>) target_semaphore(%arg29 : memref<!tpu.dma_semaphore, #tpu.memory_space<semaphore_mem>>)
    }
    %scan3A_27 = arith.constant 26 : i32
    %mul3A_28 = arith.constant 6400 : i32
    %mul3A_29 = arith.muli %add3A, %mul3A_28 : i32
    %add3A_30 = arith.constant 6080 : i32
    %add3A_31 = arith.addi %mul3A_29, %add3A_30 : i32
    %dma_wait3A = arith.constant 0 : i32
    %dma_wait3A_32 = tpu.memref_slice %arg10[%add3A_31, %dma_wait3A] : memref<204800x128xf32, #tpu.memory_space<hbm>> -> memref<80x128xf32, #tpu.memory_space<hbm>>
    %dma_wait3A_33 = arith.constant 0 : i32
    %dma_wait3A_34 = tpu.memref_slice %arg10[%add3A_31, %dma_wait3A_33] : memref<204800x128xf32, #tpu.memory_space<hbm>> -> memref<80x128xf32, #tpu.memory_space<hbm>>
    tpu.wait_dma2 semaphore(%arg28 : memref<!tpu.dma_semaphore, #tpu.memory_space<semaphore_mem>>) src(%arg15 : memref<80x128xf32, #tpu.memory_space<vmem>>) dst(%dma_wait3A_34 : memref<80x128xf32, #tpu.memory_space<hbm>>)
    %dma_wait3A_35 = arith.constant 0 : i32
    %dma_wait3A_36 = tpu.memref_slice %arg9[%add3A_31, %dma_wait3A_35] : memref<204800x128xf32, #tpu.memory_space<hbm>> -> memref<80x128xf32, #tpu.memory_space<hbm>>
    %dma_wait3A_37 = arith.constant 0 : i32
    %dma_wait3A_38 = tpu.memref_slice %arg9[%add3A_31, %dma_wait3A_37] : memref<204800x128xf32, #tpu.memory_space<hbm>> -> memref<80x128xf32, #tpu.memory_space<hbm>>
    tpu.wait_dma2 semaphore(%arg28 : memref<!tpu.dma_semaphore, #tpu.memory_space<semaphore_mem>>) src(%arg18 : memref<80x128xf32, #tpu.memory_space<vmem>>) dst(%dma_wait3A_38 : memref<80x128xf32, #tpu.memory_space<hbm>>)
    %dma_start3A_39 = arith.constant 79 : i32
    %dma_start3A_40 = arith.constant 0 : i32
    %dma_start3A_41 = tpu.memref_slice %arg11[%dma_start3A_39, %dma_start3A_40] : memref<80x80xi32, #tpu.memory_space<vmem>> -> memref<1x80xi32, #tpu.memory_space<vmem>>
    %dma_start3A_42 = tpu.memref_squeeze %dma_start3A_41 : memref<1x80xi32, #tpu.memory_space<vmem>> -> memref<80xi32, #tpu.memory_space<vmem>>
    %dma_start3A_43 = arith.constant 0 : i32
    %dma_start3A_44 = arith.constant 0 : i32
    %dma_start3A_45 = tpu.memref_slice %arg5[%dma_start3A_43, %dma_start3A_44] : memref<100000x128xf32, #tpu.memory_space<hbm>> -> memref<100000x128xf32, #tpu.memory_space<hbm>>
    tpu.enqueue_indirect_dma source(%dma_start3A_45 : memref<100000x128xf32, #tpu.memory_space<hbm>>) target(%arg15 : memref<80x128xf32, #tpu.memory_space<vmem>>) offsets(%dma_start3A_42 : memref<80xi32, #tpu.memory_space<vmem>>) semaphore(%arg25 : memref<!tpu.dma_semaphore, #tpu.memory_space<semaphore_mem>>)
    %dma_start3A_46 = arith.constant 79 : i32
    %dma_start3A_47 = arith.constant 0 : i32
    %dma_start3A_48 = tpu.memref_slice %arg12[%dma_start3A_46, %dma_start3A_47] : memref<80x80xi32, #tpu.memory_space<vmem>> -> memref<1x80xi32, #tpu.memory_space<vmem>>
    %dma_start3A_49 = tpu.memref_squeeze %dma_start3A_48 : memref<1x80xi32, #tpu.memory_space<vmem>> -> memref<80xi32, #tpu.memory_space<vmem>>
    %dma_start3A_50 = arith.constant 0 : i32
    %dma_start3A_51 = arith.constant 0 : i32
    %dma_start3A_52 = tpu.memref_slice %arg6[%dma_start3A_50, %dma_start3A_51] : memref<1000x128xf32, #tpu.memory_space<hbm>> -> memref<1000x128xf32, #tpu.memory_space<hbm>>
    tpu.enqueue_indirect_dma source(%dma_start3A_52 : memref<1000x128xf32, #tpu.memory_space<hbm>>) target(%arg18 : memref<80x128xf32, #tpu.memory_space<vmem>>) offsets(%dma_start3A_49 : memref<80xi32, #tpu.memory_space<vmem>>) semaphore(%arg25 : memref<!tpu.dma_semaphore, #tpu.memory_space<semaphore_mem>>)
    %dma_start3A_53 = arith.constant 79 : i32
    %dma_start3A_54 = arith.constant 0 : i32
    %dma_start3A_55 = tpu.memref_slice %arg13[%dma_start3A_53, %dma_start3A_54] : memref<80x80xi32, #tpu.memory_space<vmem>> -> memref<1x80xi32, #tpu.memory_space<vmem>>
    %dma_start3A_56 = tpu.memref_squeeze %dma_start3A_55 : memref<1x80xi32, #tpu.memory_space<vmem>> -> memref<80xi32, #tpu.memory_space<vmem>>
    %dma_start3A_57 = arith.constant 0 : i32
    %dma_start3A_58 = arith.constant 0 : i32
    %dma_start3A_59 = tpu.memref_slice %arg23[%dma_start3A_57, %dma_start3A_58] : memref<68x128xf32, #tpu.memory_space<hbm>> -> memref<68x128xf32, #tpu.memory_space<hbm>>
    tpu.enqueue_indirect_dma source(%dma_start3A_59 : memref<68x128xf32, #tpu.memory_space<hbm>>) target(%arg21 : memref<80x128xf32, #tpu.memory_space<vmem>>) offsets(%dma_start3A_56 : memref<80xi32, #tpu.memory_space<vmem>>) semaphore(%arg25 : memref<!tpu.dma_semaphore, #tpu.memory_space<semaphore_mem>>)
    %dma_wait3A_60 = arith.constant 78 : i32
    %dma_wait3A_61 = arith.constant 0 : i32
    %dma_wait3A_62 = tpu.memref_slice %arg11[%dma_wait3A_60, %dma_wait3A_61] : memref<80x80xi32, #tpu.memory_space<vmem>> -> memref<1x80xi32, #tpu.memory_space<vmem>>
    %dma_wait3A_63 = tpu.memref_squeeze %dma_wait3A_62 : memref<1x80xi32, #tpu.memory_space<vmem>> -> memref<80xi32, #tpu.memory_space<vmem>>
    %dma_wait3A_64 = arith.constant 0 : i32
    %dma_wait3A_65 = arith.constant 0 : i32
    %dma_wait3A_66 = tpu.memref_slice %arg5[%dma_wait3A_64, %dma_wait3A_65] : memref<100000x128xf32, #tpu.memory_space<hbm>> -> memref<100000x128xf32, #tpu.memory_space<hbm>>
    tpu.wait_indirect_dma semaphore(%arg24 : memref<!tpu.dma_semaphore, #tpu.memory_space<semaphore_mem>>) src(%dma_wait3A_66 : memref<100000x128xf32, #tpu.memory_space<hbm>>) dst(%arg14 : memref<80x128xf32, #tpu.memory_space<vmem>>)
    %dma_wait3A_67 = arith.constant 78 : i32
    %dma_wait3A_68 = arith.constant 0 : i32
    %dma_wait3A_69 = tpu.memref_slice %arg12[%dma_wait3A_67, %dma_wait3A_68] : memref<80x80xi32, #tpu.memory_space<vmem>> -> memref<1x80xi32, #tpu.memory_space<vmem>>
    %dma_wait3A_70 = tpu.memref_squeeze %dma_wait3A_69 : memref<1x80xi32, #tpu.memory_space<vmem>> -> memref<80xi32, #tpu.memory_space<vmem>>
    %dma_wait3A_71 = arith.constant 0 : i32
    %dma_wait3A_72 = arith.constant 0 : i32
    %dma_wait3A_73 = tpu.memref_slice %arg6[%dma_wait3A_71, %dma_wait3A_72] : memref<1000x128xf32, #tpu.memory_space<hbm>> -> memref<1000x128xf32, #tpu.memory_space<hbm>>
    tpu.wait_indirect_dma semaphore(%arg24 : memref<!tpu.dma_semaphore, #tpu.memory_space<semaphore_mem>>) src(%dma_wait3A_73 : memref<1000x128xf32, #tpu.memory_space<hbm>>) dst(%arg17 : memref<80x128xf32, #tpu.memory_space<vmem>>)
    %dma_wait3A_74 = arith.constant 78 : i32
    %dma_wait3A_75 = arith.constant 0 : i32
    %dma_wait3A_76 = tpu.memref_slice %arg13[%dma_wait3A_74, %dma_wait3A_75] : memref<80x80xi32, #tpu.memory_space<vmem>> -> memref<1x80xi32, #tpu.memory_space<vmem>>
    %dma_wait3A_77 = tpu.memref_squeeze %dma_wait3A_76 : memref<1x80xi32, #tpu.memory_space<vmem>> -> memref<80xi32, #tpu.memory_space<vmem>>
    %dma_wait3A_78 = arith.constant 0 : i32
    %dma_wait3A_79 = arith.constant 0 : i32
    %dma_wait3A_80 = tpu.memref_slice %arg23[%dma_wait3A_78, %dma_wait3A_79] : memref<68x128xf32, #tpu.memory_space<hbm>> -> memref<68x128xf32, #tpu.memory_space<hbm>>
    tpu.wait_indirect_dma semaphore(%arg24 : memref<!tpu.dma_semaphore, #tpu.memory_space<semaphore_mem>>) src(%dma_wait3A_80 : memref<68x128xf32, #tpu.memory_space<hbm>>) dst(%arg20 : memref<80x128xf32, #tpu.memory_space<vmem>>)
    %parallel_loop3A = arith.constant 0 : i32
    %parallel_loop3A_81 = arith.constant 80 : i32
    %parallel_loop3A_82 = arith.constant 1 : i32
    scf.for %parallel_loop3A_167 = %parallel_loop3A to %parallel_loop3A_81 step %parallel_loop3A_82  : i32 {
      %parallel_loop3A_168 = arith.index_cast %parallel_loop3A_167 : i32 to index
      %parallel_loop3A_169 = arith.constant 0 : index
      %parallel_loop3A_170 = tpu.vector_load %arg14[%parallel_loop3A_168, %parallel_loop3A_169] {strides = array<i32>} : memref<80x128xf32, #tpu.memory_space<vmem>>, vector<1x16xf32>,
      %parallel_loop3A_171 = vector.shape_cast %parallel_loop3A_170 : vector<1x16xf32> to vector<16xf32>
      %parallel_loop3A_172 = arith.index_cast %parallel_loop3A_167 : i32 to index
      %parallel_loop3A_173 = arith.constant 0 : index
      %parallel_loop3A_174 = tpu.vector_load %arg20[%parallel_loop3A_172, %parallel_loop3A_173] {strides = array<i32>} : memref<80x128xf32, #tpu.memory_space<vmem>>, vector<1x16xf32>,
      %parallel_loop3A_175 = vector.shape_cast %parallel_loop3A_174 : vector<1x16xf32> to vector<16xf32>
      %parallel_loop3A_176 = arith.addf %parallel_loop3A_171, %parallel_loop3A_175 : vector<16xf32>
      %parallel_loop3A_177 = arith.index_cast %parallel_loop3A_167 : i32 to index
      %parallel_loop3A_178 = arith.constant 0 : index
      %parallel_loop3A_179 = tpu.vector_load %arg17[%parallel_loop3A_177, %parallel_loop3A_178] {strides = array<i32>} : memref<80x128xf32, #tpu.memory_space<vmem>>, vector<1x16xf32>,
      %parallel_loop3A_180 = vector.shape_cast %parallel_loop3A_179 : vector<1x16xf32> to vector<16xf32>
      %parallel_loop3A_181 = vector.shape_cast %parallel_loop3A_176 : vector<16xf32> to vector<1x16xf32>
      tpu.vector_store %arg17[%parallel_loop3A_177, %parallel_loop3A_178], %parallel_loop3A_181 {add = true, strides = array<i32>} : memref<80x128xf32, #tpu.memory_space<vmem>>, vector<1x16xf32>,
      %parallel_loop3A_182 = arith.index_cast %parallel_loop3A_167 : i32 to index
      %parallel_loop3A_183 = arith.constant 16 : index
      %parallel_loop3A_184 = tpu.vector_load %arg14[%parallel_loop3A_182, %parallel_loop3A_183] {strides = array<i32>} : memref<80x128xf32, #tpu.memory_space<vmem>>, vector<1x16xf32>,
      %parallel_loop3A_185 = vector.shape_cast %parallel_loop3A_184 : vector<1x16xf32> to vector<16xf32>
      %parallel_loop3A_186 = arith.index_cast %parallel_loop3A_167 : i32 to index
      %parallel_loop3A_187 = arith.constant 16 : index
      %parallel_loop3A_188 = tpu.vector_load %arg20[%parallel_loop3A_186, %parallel_loop3A_187] {strides = array<i32>} : memref<80x128xf32, #tpu.memory_space<vmem>>, vector<1x16xf32>,
      %parallel_loop3A_189 = vector.shape_cast %parallel_loop3A_188 : vector<1x16xf32> to vector<16xf32>
      %parallel_loop3A_190 = arith.addf %parallel_loop3A_185, %parallel_loop3A_189 : vector<16xf32>
      %parallel_loop3A_191 = arith.index_cast %parallel_loop3A_167 : i32 to index
      %parallel_loop3A_192 = arith.constant 16 : index
      %parallel_loop3A_193 = tpu.vector_load %arg17[%parallel_loop3A_191, %parallel_loop3A_192] {strides = array<i32>} : memref<80x128xf32, #tpu.memory_space<vmem>>, vector<1x16xf32>,
      %parallel_loop3A_194 = vector.shape_cast %parallel_loop3A_193 : vector<1x16xf32> to vector<16xf32>
      %parallel_loop3A_195 = vector.shape_cast %parallel_loop3A_190 : vector<16xf32> to vector<1x16xf32>
      tpu.vector_store %arg17[%parallel_loop3A_191, %parallel_loop3A_192], %parallel_loop3A_195 {add = true, strides = array<i32>} : memref<80x128xf32, #tpu.memory_space<vmem>>, vector<1x16xf32>,
      %parallel_loop3A_196 = arith.index_cast %parallel_loop3A_167 : i32 to index
      %parallel_loop3A_197 = arith.constant 32 : index
      %parallel_loop3A_198 = tpu.vector_load %arg14[%parallel_loop3A_196, %parallel_loop3A_197] {strides = array<i32>} : memref<80x128xf32, #tpu.memory_space<vmem>>, vector<1x16xf32>,
      %parallel_loop3A_199 = vector.shape_cast %parallel_loop3A_198 : vector<1x16xf32> to vector<16xf32>
      %parallel_loop3A_200 = arith.index_cast %parallel_loop3A_167 : i32 to index
      %parallel_loop3A_201 = arith.constant 32 : index
      %parallel_loop3A_202 = tpu.vector_load %arg20[%parallel_loop3A_200, %parallel_loop3A_201] {strides = array<i32>} : memref<80x128xf32, #tpu.memory_space<vmem>>, vector<1x16xf32>,
      %parallel_loop3A_203 = vector.shape_cast %parallel_loop3A_202 : vector<1x16xf32> to vector<16xf32>
      %parallel_loop3A_204 = arith.addf %parallel_loop3A_199, %parallel_loop3A_203 : vector<16xf32>
      %parallel_loop3A_205 = arith.index_cast %parallel_loop3A_167 : i32 to index
      %parallel_loop3A_206 = arith.constant 32 : index
      %parallel_loop3A_207 = tpu.vector_load %arg17[%parallel_loop3A_205, %parallel_loop3A_206] {strides = array<i32>} : memref<80x128xf32, #tpu.memory_space<vmem>>, vector<1x16xf32>,
      %parallel_loop3A_208 = vector.shape_cast %parallel_loop3A_207 : vector<1x16xf32> to vector<16xf32>
      %parallel_loop3A_209 = vector.shape_cast %parallel_loop3A_204 : vector<16xf32> to vector<1x16xf32>
      tpu.vector_store %arg17[%parallel_loop3A_205, %parallel_loop3A_206], %parallel_loop3A_209 {add = true, strides = array<i32>} : memref<80x128xf32, #tpu.memory_space<vmem>>, vector<1x16xf32>,
      %parallel_loop3A_210 = arith.index_cast %parallel_loop3A_167 : i32 to index
      %parallel_loop3A_211 = arith.constant 48 : index
      %parallel_loop3A_212 = tpu.vector_load %arg14[%parallel_loop3A_210, %parallel_loop3A_211] {strides = array<i32>} : memref<80x128xf32, #tpu.memory_space<vmem>>, vector<1x16xf32>,
      %parallel_loop3A_213 = vector.shape_cast %parallel_loop3A_212 : vector<1x16xf32> to vector<16xf32>
      %parallel_loop3A_214 = arith.index_cast %parallel_loop3A_167 : i32 to index
      %parallel_loop3A_215 = arith.constant 48 : index
      %parallel_loop3A_216 = tpu.vector_load %arg20[%parallel_loop3A_214, %parallel_loop3A_215] {strides = array<i32>} : memref<80x128xf32, #tpu.memory_space<vmem>>, vector<1x16xf32>,
      %parallel_loop3A_217 = vector.shape_cast %parallel_loop3A_216 : vector<1x16xf32> to vector<16xf32>
      %parallel_loop3A_218 = arith.addf %parallel_loop3A_213, %parallel_loop3A_217 : vector<16xf32>
      %parallel_loop3A_219 = arith.index_cast %parallel_loop3A_167 : i32 to index
      %parallel_loop3A_220 = arith.constant 48 : index
      %parallel_loop3A_221 = tpu.vector_load %arg17[%parallel_loop3A_219, %parallel_loop3A_220] {strides = array<i32>} : memref<80x128xf32, #tpu.memory_space<vmem>>, vector<1x16xf32>,
      %parallel_loop3A_222 = vector.shape_cast %parallel_loop3A_221 : vector<1x16xf32> to vector<16xf32>
      %parallel_loop3A_223 = vector.shape_cast %parallel_loop3A_218 : vector<16xf32> to vector<1x16xf32>
      tpu.vector_store %arg17[%parallel_loop3A_219, %parallel_loop3A_220], %parallel_loop3A_223 {add = true, strides = array<i32>} : memref<80x128xf32, #tpu.memory_space<vmem>>, vector<1x16xf32>,
      %parallel_loop3A_224 = arith.index_cast %parallel_loop3A_167 : i32 to index
      %parallel_loop3A_225 = arith.constant 64 : index
      %parallel_loop3A_226 = tpu.vector_load %arg14[%parallel_loop3A_224, %parallel_loop3A_225] {strides = array<i32>} : memref<80x128xf32, #tpu.memory_space<vmem>>, vector<1x16xf32>,
      %parallel_loop3A_227 = vector.shape_cast %parallel_loop3A_226 : vector<1x16xf32> to vector<16xf32>
      %parallel_loop3A_228 = arith.index_cast %parallel_loop3A_167 : i32 to index
      %parallel_loop3A_229 = arith.constant 64 : index
      %parallel_loop3A_230 = tpu.vector_load %arg20[%parallel_loop3A_228, %parallel_loop3A_229] {strides = array<i32>} : memref<80x128xf32, #tpu.memory_space<vmem>>, vector<1x16xf32>,
      %parallel_loop3A_231 = vector.shape_cast %parallel_loop3A_230 : vector<1x16xf32> to vector<16xf32>
      %parallel_loop3A_232 = arith.addf %parallel_loop3A_227, %parallel_loop3A_231 : vector<16xf32>
      %parallel_loop3A_233 = arith.index_cast %parallel_loop3A_167 : i32 to index
      %parallel_loop3A_234 = arith.constant 64 : index
      %parallel_loop3A_235 = tpu.vector_load %arg17[%parallel_loop3A_233, %parallel_loop3A_234] {strides = array<i32>} : memref<80x128xf32, #tpu.memory_space<vmem>>, vector<1x16xf32>,
      %parallel_loop3A_236 = vector.shape_cast %parallel_loop3A_235 : vector<1x16xf32> to vector<16xf32>
      %parallel_loop3A_237 = vector.shape_cast %parallel_loop3A_232 : vector<16xf32> to vector<1x16xf32>
      tpu.vector_store %arg17[%parallel_loop3A_233, %parallel_loop3A_234], %parallel_loop3A_237 {add = true, strides = array<i32>} : memref<80x128xf32, #tpu.memory_space<vmem>>, vector<1x16xf32>,
      %parallel_loop3A_238 = arith.index_cast %parallel_loop3A_167 : i32 to index
      %parallel_loop3A_239 = arith.constant 80 : index
      %parallel_loop3A_240 = tpu.vector_load %arg14[%parallel_loop3A_238, %parallel_loop3A_239] {strides = array<i32>} : memref<80x128xf32, #tpu.memory_space<vmem>>, vector<1x16xf32>,
      %parallel_loop3A_241 = vector.shape_cast %parallel_loop3A_240 : vector<1x16xf32> to vector<16xf32>
      %parallel_loop3A_242 = arith.index_cast %parallel_loop3A_167 : i32 to index
      %parallel_loop3A_243 = arith.constant 80 : index
      %parallel_loop3A_244 = tpu.vector_load %arg20[%parallel_loop3A_242, %parallel_loop3A_243] {strides = array<i32>} : memref<80x128xf32, #tpu.memory_space<vmem>>, vector<1x16xf32>,
      %parallel_loop3A_245 = vector.shape_cast %parallel_loop3A_244 : vector<1x16xf32> to vector<16xf32>
      %parallel_loop3A_246 = arith.addf %parallel_loop3A_241, %parallel_loop3A_245 : vector<16xf32>
      %parallel_loop3A_247 = arith.index_cast %parallel_loop3A_167 : i32 to index
      %parallel_loop3A_248 = arith.constant 80 : index
      %parallel_loop3A_249 = tpu.vector_load %arg17[%parallel_loop3A_247, %parallel_loop3A_248] {strides = array<i32>} : memref<80x128xf32, #tpu.memory_space<vmem>>, vector<1x16xf32>,
      %parallel_loop3A_250 = vector.shape_cast %parallel_loop3A_249 : vector<1x16xf32> to vector<16xf32>
      %parallel_loop3A_251 = vector.shape_cast %parallel_loop3A_246 : vector<16xf32> to vector<1x16xf32>
      tpu.vector_store %arg17[%parallel_loop3A_247, %parallel_loop3A_248], %parallel_loop3A_251 {add = true, strides = array<i32>} : memref<80x128xf32, #tpu.memory_space<vmem>>, vector<1x16xf32>,
      %parallel_loop3A_252 = arith.index_cast %parallel_loop3A_167 : i32 to index
      %parallel_loop3A_253 = arith.constant 96 : index
      %parallel_loop3A_254 = tpu.vector_load %arg14[%parallel_loop3A_252, %parallel_loop3A_253] {strides = array<i32>} : memref<80x128xf32, #tpu.memory_space<vmem>>, vector<1x16xf32>,
      %parallel_loop3A_255 = vector.shape_cast %parallel_loop3A_254 : vector<1x16xf32> to vector<16xf32>
      %parallel_loop3A_256 = arith.index_cast %parallel_loop3A_167 : i32 to index
      %parallel_loop3A_257 = arith.constant 96 : index
      %parallel_loop3A_258 = tpu.vector_load %arg20[%parallel_loop3A_256, %parallel_loop3A_257] {strides = array<i32>} : memref<80x128xf32, #tpu.memory_space<vmem>>, vector<1x16xf32>,
      %parallel_loop3A_259 = vector.shape_cast %parallel_loop3A_258 : vector<1x16xf32> to vector<16xf32>
      %parallel_loop3A_260 = arith.addf %parallel_loop3A_255, %parallel_loop3A_259 : vector<16xf32>
      %parallel_loop3A_261 = arith.index_cast %parallel_loop3A_167 : i32 to index
      %parallel_loop3A_262 = arith.constant 96 : index
      %parallel_loop3A_263 = tpu.vector_load %arg17[%parallel_loop3A_261, %parallel_loop3A_262] {strides = array<i32>} : memref<80x128xf32, #tpu.memory_space<vmem>>, vector<1x16xf32>,
      %parallel_loop3A_264 = vector.shape_cast %parallel_loop3A_263 : vector<1x16xf32> to vector<16xf32>
      %parallel_loop3A_265 = vector.shape_cast %parallel_loop3A_260 : vector<16xf32> to vector<1x16xf32>
      tpu.vector_store %arg17[%parallel_loop3A_261, %parallel_loop3A_262], %parallel_loop3A_265 {add = true, strides = array<i32>} : memref<80x128xf32, #tpu.memory_space<vmem>>, vector<1x16xf32>,
      %parallel_loop3A_266 = arith.index_cast %parallel_loop3A_167 : i32 to index
      %parallel_loop3A_267 = arith.constant 112 : index
      %parallel_loop3A_268 = tpu.vector_load %arg14[%parallel_loop3A_266, %parallel_loop3A_267] {strides = array<i32>} : memref<80x128xf32, #tpu.memory_space<vmem>>, vector<1x16xf32>,
      %parallel_loop3A_269 = vector.shape_cast %parallel_loop3A_268 : vector<1x16xf32> to vector<16xf32>
      %parallel_loop3A_270 = arith.index_cast %parallel_loop3A_167 : i32 to index
      %parallel_loop3A_271 = arith.constant 112 : index
      %parallel_loop3A_272 = tpu.vector_load %arg20[%parallel_loop3A_270, %parallel_loop3A_271] {strides = array<i32>} : memref<80x128xf32, #tpu.memory_space<vmem>>, vector<1x16xf32>,
      %parallel_loop3A_273 = vector.shape_cast %parallel_loop3A_272 : vector<1x16xf32> to vector<16xf32>
      %parallel_loop3A_274 = arith.addf %parallel_loop3A_269, %parallel_loop3A_273 : vector<16xf32>
      %parallel_loop3A_275 = arith.index_cast %parallel_loop3A_167 : i32 to index
      %parallel_loop3A_276 = arith.constant 112 : index
      %parallel_loop3A_277 = tpu.vector_load %arg17[%parallel_loop3A_275, %parallel_loop3A_276] {strides = array<i32>} : memref<80x128xf32, #tpu.memory_space<vmem>>, vector<1x16xf32>,
      %parallel_loop3A_278 = vector.shape_cast %parallel_loop3A_277 : vector<1x16xf32> to vector<16xf32>
      %parallel_loop3A_279 = vector.shape_cast %parallel_loop3A_274 : vector<16xf32> to vector<1x16xf32>
      tpu.vector_store %arg17[%parallel_loop3A_275, %parallel_loop3A_276], %parallel_loop3A_279 {add = true, strides = array<i32>} : memref<80x128xf32, #tpu.memory_space<vmem>>, vector<1x16xf32>,
    } {sc.loop_unroll_factor = 4 : i64, sc.parallel_access}
    %mul3A_83 = arith.constant 6400 : i32
    %mul3A_84 = arith.muli %add3A, %mul3A_83 : i32
    %add3A_85 = arith.constant 6240 : i32
    %add3A_86 = arith.addi %mul3A_84, %add3A_85 : i32
    %dma_start3A_87 = arith.constant 0 : i32
    %dma_start3A_88 = tpu.memref_slice %arg10[%add3A_86, %dma_start3A_87] : memref<204800x128xf32, #tpu.memory_space<hbm>> -> memref<80x128xf32, #tpu.memory_space<hbm>>
    %dma_start3A_89 = arith.constant 0 : i32
    %dma_start3A_90 = tpu.memref_slice %arg10[%add3A_86, %dma_start3A_89] : memref<204800x128xf32, #tpu.memory_space<hbm>> -> memref<80x128xf32, #tpu.memory_space<hbm>>
    tpu.enqueue_dma source(%arg14 : memref<80x128xf32, #tpu.memory_space<vmem>>) target(%dma_start3A_90 : memref<80x128xf32, #tpu.memory_space<hbm>>) target_semaphore(%arg27 : memref<!tpu.dma_semaphore, #tpu.memory_space<semaphore_mem>>)
    %dma_start3A_91 = arith.constant 0 : i32
    %dma_start3A_92 = tpu.memref_slice %arg9[%add3A_86, %dma_start3A_91] : memref<204800x128xf32, #tpu.memory_space<hbm>> -> memref<80x128xf32, #tpu.memory_space<hbm>>
    %dma_start3A_93 = arith.constant 0 : i32
    %dma_start3A_94 = tpu.memref_slice %arg9[%add3A_86, %dma_start3A_93] : memref<204800x128xf32, #tpu.memory_space<hbm>> -> memref<80x128xf32, #tpu.memory_space<hbm>>
    tpu.enqueue_dma source(%arg17 : memref<80x128xf32, #tpu.memory_space<vmem>>) target(%dma_start3A_94 : memref<80x128xf32, #tpu.memory_space<hbm>>) target_semaphore(%arg27 : memref<!tpu.dma_semaphore, #tpu.memory_space<semaphore_mem>>)
    %dma_wait3A_95 = arith.constant 79 : i32
    %dma_wait3A_96 = arith.constant 0 : i32
    %dma_wait3A_97 = tpu.memref_slice %arg11[%dma_wait3A_95, %dma_wait3A_96] : memref<80x80xi32, #tpu.memory_space<vmem>> -> memref<1x80xi32, #tpu.memory_space<vmem>>
    %dma_wait3A_98 = tpu.memref_squeeze %dma_wait3A_97 : memref<1x80xi32, #tpu.memory_space<vmem>> -> memref<80xi32, #tpu.memory_space<vmem>>
    %dma_wait3A_99 = arith.constant 0 : i32
    %dma_wait3A_100 = arith.constant 0 : i32
    %dma_wait3A_101 = tpu.memref_slice %arg5[%dma_wait3A_99, %dma_wait3A_100] : memref<100000x128xf32, #tpu.memory_space<hbm>> -> memref<100000x128xf32, #tpu.memory_space<hbm>>
    tpu.wait_indirect_dma semaphore(%arg25 : memref<!tpu.dma_semaphore, #tpu.memory_space<semaphore_mem>>) src(%dma_wait3A_101 : memref<100000x128xf32, #tpu.memory_space<hbm>>) dst(%arg15 : memref<80x128xf32, #tpu.memory_space<vmem>>)
    %dma_wait3A_102 = arith.constant 79 : i32
    %dma_wait3A_103 = arith.constant 0 : i32
    %dma_wait3A_104 = tpu.memref_slice %arg12[%dma_wait3A_102, %dma_wait3A_103] : memref<80x80xi32, #tpu.memory_space<vmem>> -> memref<1x80xi32, #tpu.memory_space<vmem>>
    %dma_wait3A_105 = tpu.memref_squeeze %dma_wait3A_104 : memref<1x80xi32, #tpu.memory_space<vmem>> -> memref<80xi32, #tpu.memory_space<vmem>>
    %dma_wait3A_106 = arith.constant 0 : i32
    %dma_wait3A_107 = arith.constant 0 : i32
    %dma_wait3A_108 = tpu.memref_slice %arg6[%dma_wait3A_106, %dma_wait3A_107] : memref<1000x128xf32, #tpu.memory_space<hbm>> -> memref<1000x128xf32, #tpu.memory_space<hbm>>
    tpu.wait_indirect_dma semaphore(%arg25 : memref<!tpu.dma_semaphore, #tpu.memory_space<semaphore_mem>>) src(%dma_wait3A_108 : memref<1000x128xf32, #tpu.memory_space<hbm>>) dst(%arg18 : memref<80x128xf32, #tpu.memory_space<vmem>>)
    %dma_wait3A_109 = arith.constant 79 : i32
    %dma_wait3A_110 = arith.constant 0 : i32
    %dma_wait3A_111 = tpu.memref_slice %arg13[%dma_wait3A_109, %dma_wait3A_110] : memref<80x80xi32, #tpu.memory_space<vmem>> -> memref<1x80xi32, #tpu.memory_space<vmem>>
    %dma_wait3A_112 = tpu.memref_squeeze %dma_wait3A_111 : memref<1x80xi32, #tpu.memory_space<vmem>> -> memref<80xi32, #tpu.memory_space<vmem>>
    %dma_wait3A_113 = arith.constant 0 : i32
    %dma_wait3A_114 = arith.constant 0 : i32
    %dma_wait3A_115 = tpu.memref_slice %arg23[%dma_wait3A_113, %dma_wait3A_114] : memref<68x128xf32, #tpu.memory_space<hbm>> -> memref<68x128xf32, #tpu.memory_space<hbm>>
    tpu.wait_indirect_dma semaphore(%arg25 : memref<!tpu.dma_semaphore, #tpu.memory_space<semaphore_mem>>) src(%dma_wait3A_115 : memref<68x128xf32, #tpu.memory_space<hbm>>) dst(%arg21 : memref<80x128xf32, #tpu.memory_space<vmem>>)
    %parallel_loop3A_116 = arith.constant 0 : i32
    %parallel_loop3A_117 = arith.constant 80 : i32
    %parallel_loop3A_118 = arith.constant 1 : i32
    scf.for %parallel_loop3A_167 = %parallel_loop3A_116 to %parallel_loop3A_117 step %parallel_loop3A_118  : i32 {
      %parallel_loop3A_168 = arith.index_cast %parallel_loop3A_167 : i32 to index
      %parallel_loop3A_169 = arith.constant 0 : index
      %parallel_loop3A_170 = tpu.vector_load %arg15[%parallel_loop3A_168, %parallel_loop3A_169] {strides = array<i32>} : memref<80x128xf32, #tpu.memory_space<vmem>>, vector<1x16xf32>,
      %parallel_loop3A_171 = vector.shape_cast %parallel_loop3A_170 : vector<1x16xf32> to vector<16xf32>
      %parallel_loop3A_172 = arith.index_cast %parallel_loop3A_167 : i32 to index
      %parallel_loop3A_173 = arith.constant 0 : index
      %parallel_loop3A_174 = tpu.vector_load %arg21[%parallel_loop3A_172, %parallel_loop3A_173] {strides = array<i32>} : memref<80x128xf32, #tpu.memory_space<vmem>>, vector<1x16xf32>,
      %parallel_loop3A_175 = vector.shape_cast %parallel_loop3A_174 : vector<1x16xf32> to vector<16xf32>
      %parallel_loop3A_176 = arith.addf %parallel_loop3A_171, %parallel_loop3A_175 : vector<16xf32>
      %parallel_loop3A_177 = arith.index_cast %parallel_loop3A_167 : i32 to index
      %parallel_loop3A_178 = arith.constant 0 : index
      %parallel_loop3A_179 = tpu.vector_load %arg18[%parallel_loop3A_177, %parallel_loop3A_178] {strides = array<i32>} : memref<80x128xf32, #tpu.memory_space<vmem>>, vector<1x16xf32>,
      %parallel_loop3A_180 = vector.shape_cast %parallel_loop3A_179 : vector<1x16xf32> to vector<16xf32>
      %parallel_loop3A_181 = vector.shape_cast %parallel_loop3A_176 : vector<16xf32> to vector<1x16xf32>
      tpu.vector_store %arg18[%parallel_loop3A_177, %parallel_loop3A_178], %parallel_loop3A_181 {add = true, strides = array<i32>} : memref<80x128xf32, #tpu.memory_space<vmem>>, vector<1x16xf32>,
      %parallel_loop3A_182 = arith.index_cast %parallel_loop3A_167 : i32 to index
      %parallel_loop3A_183 = arith.constant 16 : index
      %parallel_loop3A_184 = tpu.vector_load %arg15[%parallel_loop3A_182, %parallel_loop3A_183] {strides = array<i32>} : memref<80x128xf32, #tpu.memory_space<vmem>>, vector<1x16xf32>,
      %parallel_loop3A_185 = vector.shape_cast %parallel_loop3A_184 : vector<1x16xf32> to vector<16xf32>
      %parallel_loop3A_186 = arith.index_cast %parallel_loop3A_167 : i32 to index
      %parallel_loop3A_187 = arith.constant 16 : index
      %parallel_loop3A_188 = tpu.vector_load %arg21[%parallel_loop3A_186, %parallel_loop3A_187] {strides = array<i32>} : memref<80x128xf32, #tpu.memory_space<vmem>>, vector<1x16xf32>,
      %parallel_loop3A_189 = vector.shape_cast %parallel_loop3A_188 : vector<1x16xf32> to vector<16xf32>
      %parallel_loop3A_190 = arith.addf %parallel_loop3A_185, %parallel_loop3A_189 : vector<16xf32>
      %parallel_loop3A_191 = arith.index_cast %parallel_loop3A_167 : i32 to index
      %parallel_loop3A_192 = arith.constant 16 : index
      %parallel_loop3A_193 = tpu.vector_load %arg18[%parallel_loop3A_191, %parallel_loop3A_192] {strides = array<i32>} : memref<80x128xf32, #tpu.memory_space<vmem>>, vector<1x16xf32>,
      %parallel_loop3A_194 = vector.shape_cast %parallel_loop3A_193 : vector<1x16xf32> to vector<16xf32>
      %parallel_loop3A_195 = vector.shape_cast %parallel_loop3A_190 : vector<16xf32> to vector<1x16xf32>
      tpu.vector_store %arg18[%parallel_loop3A_191, %parallel_loop3A_192], %parallel_loop3A_195 {add = true, strides = array<i32>} : memref<80x128xf32, #tpu.memory_space<vmem>>, vector<1x16xf32>,
      %parallel_loop3A_196 = arith.index_cast %parallel_loop3A_167 : i32 to index
      %parallel_loop3A_197 = arith.constant 32 : index
      %parallel_loop3A_198 = tpu.vector_load %arg15[%parallel_loop3A_196, %parallel_loop3A_197] {strides = array<i32>} : memref<80x128xf32, #tpu.memory_space<vmem>>, vector<1x16xf32>,
      %parallel_loop3A_199 = vector.shape_cast %parallel_loop3A_198 : vector<1x16xf32> to vector<16xf32>
      %parallel_loop3A_200 = arith.index_cast %parallel_loop3A_167 : i32 to index
      %parallel_loop3A_201 = arith.constant 32 : index
      %parallel_loop3A_202 = tpu.vector_load %arg21[%parallel_loop3A_200, %parallel_loop3A_201] {strides = array<i32>} : memref<80x128xf32, #tpu.memory_space<vmem>>, vector<1x16xf32>,
      %parallel_loop3A_203 = vector.shape_cast %parallel_loop3A_202 : vector<1x16xf32> to vector<16xf32>
      %parallel_loop3A_204 = arith.addf %parallel_loop3A_199, %parallel_loop3A_203 : vector<16xf32>
      %parallel_loop3A_205 = arith.index_cast %parallel_loop3A_167 : i32 to index
      %parallel_loop3A_206 = arith.constant 32 : index
      %parallel_loop3A_207 = tpu.vector_load %arg18[%parallel_loop3A_205, %parallel_loop3A_206] {strides = array<i32>} : memref<80x128xf32, #tpu.memory_space<vmem>>, vector<1x16xf32>,
      %parallel_loop3A_208 = vector.shape_cast %parallel_loop3A_207 : vector<1x16xf32> to vector<16xf32>
      %parallel_loop3A_209 = vector.shape_cast %parallel_loop3A_204 : vector<16xf32> to vector<1x16xf32>
      tpu.vector_store %arg18[%parallel_loop3A_205, %parallel_loop3A_206], %parallel_loop3A_209 {add = true, strides = array<i32>} : memref<80x128xf32, #tpu.memory_space<vmem>>, vector<1x16xf32>,
      %parallel_loop3A_210 = arith.index_cast %parallel_loop3A_167 : i32 to index
      %parallel_loop3A_211 = arith.constant 48 : index
      %parallel_loop3A_212 = tpu.vector_load %arg15[%parallel_loop3A_210, %parallel_loop3A_211] {strides = array<i32>} : memref<80x128xf32, #tpu.memory_space<vmem>>, vector<1x16xf32>,
      %parallel_loop3A_213 = vector.shape_cast %parallel_loop3A_212 : vector<1x16xf32> to vector<16xf32>
      %parallel_loop3A_214 = arith.index_cast %parallel_loop3A_167 : i32 to index
      %parallel_loop3A_215 = arith.constant 48 : index
      %parallel_loop3A_216 = tpu.vector_load %arg21[%parallel_loop3A_214, %parallel_loop3A_215] {strides = array<i32>} : memref<80x128xf32, #tpu.memory_space<vmem>>, vector<1x16xf32>,
      %parallel_loop3A_217 = vector.shape_cast %parallel_loop3A_216 : vector<1x16xf32> to vector<16xf32>
      %parallel_loop3A_218 = arith.addf %parallel_loop3A_213, %parallel_loop3A_217 : vector<16xf32>
      %parallel_loop3A_219 = arith.index_cast %parallel_loop3A_167 : i32 to index
      %parallel_loop3A_220 = arith.constant 48 : index
      %parallel_loop3A_221 = tpu.vector_load %arg18[%parallel_loop3A_219, %parallel_loop3A_220] {strides = array<i32>} : memref<80x128xf32, #tpu.memory_space<vmem>>, vector<1x16xf32>,
      %parallel_loop3A_222 = vector.shape_cast %parallel_loop3A_221 : vector<1x16xf32> to vector<16xf32>
      %parallel_loop3A_223 = vector.shape_cast %parallel_loop3A_218 : vector<16xf32> to vector<1x16xf32>
      tpu.vector_store %arg18[%parallel_loop3A_219, %parallel_loop3A_220], %parallel_loop3A_223 {add = true, strides = array<i32>} : memref<80x128xf32, #tpu.memory_space<vmem>>, vector<1x16xf32>,
      %parallel_loop3A_224 = arith.index_cast %parallel_loop3A_167 : i32 to index
      %parallel_loop3A_225 = arith.constant 64 : index
      %parallel_loop3A_226 = tpu.vector_load %arg15[%parallel_loop3A_224, %parallel_loop3A_225] {strides = array<i32>} : memref<80x128xf32, #tpu.memory_space<vmem>>, vector<1x16xf32>,
      %parallel_loop3A_227 = vector.shape_cast %parallel_loop3A_226 : vector<1x16xf32> to vector<16xf32>
      %parallel_loop3A_228 = arith.index_cast %parallel_loop3A_167 : i32 to index
      %parallel_loop3A_229 = arith.constant 64 : index
      %parallel_loop3A_230 = tpu.vector_load %arg21[%parallel_loop3A_228, %parallel_loop3A_229] {strides = array<i32>} : memref<80x128xf32, #tpu.memory_space<vmem>>, vector<1x16xf32>,
      %parallel_loop3A_231 = vector.shape_cast %parallel_loop3A_230 : vector<1x16xf32> to vector<16xf32>
      %parallel_loop3A_232 = arith.addf %parallel_loop3A_227, %parallel_loop3A_231 : vector<16xf32>
      %parallel_loop3A_233 = arith.index_cast %parallel_loop3A_167 : i32 to index
      %parallel_loop3A_234 = arith.constant 64 : index
      %parallel_loop3A_235 = tpu.vector_load %arg18[%parallel_loop3A_233, %parallel_loop3A_234] {strides = array<i32>} : memref<80x128xf32, #tpu.memory_space<vmem>>, vector<1x16xf32>,
      %parallel_loop3A_236 = vector.shape_cast %parallel_loop3A_235 : vector<1x16xf32> to vector<16xf32>
      %parallel_loop3A_237 = vector.shape_cast %parallel_loop3A_232 : vector<16xf32> to vector<1x16xf32>
      tpu.vector_store %arg18[%parallel_loop3A_233, %parallel_loop3A_234], %parallel_loop3A_237 {add = true, strides = array<i32>} : memref<80x128xf32, #tpu.memory_space<vmem>>, vector<1x16xf32>,
      %parallel_loop3A_238 = arith.index_cast %parallel_loop3A_167 : i32 to index
      %parallel_loop3A_239 = arith.constant 80 : index
      %parallel_loop3A_240 = tpu.vector_load %arg15[%parallel_loop3A_238, %parallel_loop3A_239] {strides = array<i32>} : memref<80x128xf32, #tpu.memory_space<vmem>>, vector<1x16xf32>,
      %parallel_loop3A_241 = vector.shape_cast %parallel_loop3A_240 : vector<1x16xf32> to vector<16xf32>
      %parallel_loop3A_242 = arith.index_cast %parallel_loop3A_167 : i32 to index
      %parallel_loop3A_243 = arith.constant 80 : index
      %parallel_loop3A_244 = tpu.vector_load %arg21[%parallel_loop3A_242, %parallel_loop3A_243] {strides = array<i32>} : memref<80x128xf32, #tpu.memory_space<vmem>>, vector<1x16xf32>,
      %parallel_loop3A_245 = vector.shape_cast %parallel_loop3A_244 : vector<1x16xf32> to vector<16xf32>
      %parallel_loop3A_246 = arith.addf %parallel_loop3A_241, %parallel_loop3A_245 : vector<16xf32>
      %parallel_loop3A_247 = arith.index_cast %parallel_loop3A_167 : i32 to index
      %parallel_loop3A_248 = arith.constant 80 : index
      %parallel_loop3A_249 = tpu.vector_load %arg18[%parallel_loop3A_247, %parallel_loop3A_248] {strides = array<i32>} : memref<80x128xf32, #tpu.memory_space<vmem>>, vector<1x16xf32>,
      %parallel_loop3A_250 = vector.shape_cast %parallel_loop3A_249 : vector<1x16xf32> to vector<16xf32>
      %parallel_loop3A_251 = vector.shape_cast %parallel_loop3A_246 : vector<16xf32> to vector<1x16xf32>
      tpu.vector_store %arg18[%parallel_loop3A_247, %parallel_loop3A_248], %parallel_loop3A_251 {add = true, strides = array<i32>} : memref<80x128xf32, #tpu.memory_space<vmem>>, vector<1x16xf32>,
      %parallel_loop3A_252 = arith.index_cast %parallel_loop3A_167 : i32 to index
      %parallel_loop3A_253 = arith.constant 96 : index
      %parallel_loop3A_254 = tpu.vector_load %arg15[%parallel_loop3A_252, %parallel_loop3A_253] {strides = array<i32>} : memref<80x128xf32, #tpu.memory_space<vmem>>, vector<1x16xf32>,
      %parallel_loop3A_255 = vector.shape_cast %parallel_loop3A_254 : vector<1x16xf32> to vector<16xf32>
      %parallel_loop3A_256 = arith.index_cast %parallel_loop3A_167 : i32 to index
      %parallel_loop3A_257 = arith.constant 96 : index
      %parallel_loop3A_258 = tpu.vector_load %arg21[%parallel_loop3A_256, %parallel_loop3A_257] {strides = array<i32>} : memref<80x128xf32, #tpu.memory_space<vmem>>, vector<1x16xf32>,
      %parallel_loop3A_259 = vector.shape_cast %parallel_loop3A_258 : vector<1x16xf32> to vector<16xf32>
      %parallel_loop3A_260 = arith.addf %parallel_loop3A_255, %parallel_loop3A_259 : vector<16xf32>
      %parallel_loop3A_261 = arith.index_cast %parallel_loop3A_167 : i32 to index
      %parallel_loop3A_262 = arith.constant 96 : index
      %parallel_loop3A_263 = tpu.vector_load %arg18[%parallel_loop3A_261, %parallel_loop3A_262] {strides = array<i32>} : memref<80x128xf32, #tpu.memory_space<vmem>>, vector<1x16xf32>,
      %parallel_loop3A_264 = vector.shape_cast %parallel_loop3A_263 : vector<1x16xf32> to vector<16xf32>
      %parallel_loop3A_265 = vector.shape_cast %parallel_loop3A_260 : vector<16xf32> to vector<1x16xf32>
      tpu.vector_store %arg18[%parallel_loop3A_261, %parallel_loop3A_262], %parallel_loop3A_265 {add = true, strides = array<i32>} : memref<80x128xf32, #tpu.memory_space<vmem>>, vector<1x16xf32>,
      %parallel_loop3A_266 = arith.index_cast %parallel_loop3A_167 : i32 to index
      %parallel_loop3A_267 = arith.constant 112 : index
      %parallel_loop3A_268 = tpu.vector_load %arg15[%parallel_loop3A_266, %parallel_loop3A_267] {strides = array<i32>} : memref<80x128xf32, #tpu.memory_space<vmem>>, vector<1x16xf32>,
      %parallel_loop3A_269 = vector.shape_cast %parallel_loop3A_268 : vector<1x16xf32> to vector<16xf32>
      %parallel_loop3A_270 = arith.index_cast %parallel_loop3A_167 : i32 to index
      %parallel_loop3A_271 = arith.constant 112 : index
      %parallel_loop3A_272 = tpu.vector_load %arg21[%parallel_loop3A_270, %parallel_loop3A_271] {strides = array<i32>} : memref<80x128xf32, #tpu.memory_space<vmem>>, vector<1x16xf32>,
      %parallel_loop3A_273 = vector.shape_cast %parallel_loop3A_272 : vector<1x16xf32> to vector<16xf32>
      %parallel_loop3A_274 = arith.addf %parallel_loop3A_269, %parallel_loop3A_273 : vector<16xf32>
      %parallel_loop3A_275 = arith.index_cast %parallel_loop3A_167 : i32 to index
      %parallel_loop3A_276 = arith.constant 112 : index
      %parallel_loop3A_277 = tpu.vector_load %arg18[%parallel_loop3A_275, %parallel_loop3A_276] {strides = array<i32>} : memref<80x128xf32, #tpu.memory_space<vmem>>, vector<1x16xf32>,
      %parallel_loop3A_278 = vector.shape_cast %parallel_loop3A_277 : vector<1x16xf32> to vector<16xf32>
      %parallel_loop3A_279 = vector.shape_cast %parallel_loop3A_274 : vector<16xf32> to vector<1x16xf32>
      tpu.vector_store %arg18[%parallel_loop3A_275, %parallel_loop3A_276], %parallel_loop3A_279 {add = true, strides = array<i32>} : memref<80x128xf32, #tpu.memory_space<vmem>>, vector<1x16xf32>,
    } {sc.loop_unroll_factor = 4 : i64, sc.parallel_access}
    %mul3A_119 = arith.constant 6400 : i32
    %mul3A_120 = arith.muli %add3A, %mul3A_119 : i32
    %add3A_121 = arith.constant 6320 : i32
    %add3A_122 = arith.addi %mul3A_120, %add3A_121 : i32
    %dma_start3A_123 = arith.constant 0 : i32
    %dma_start3A_124 = tpu.memref_slice %arg10[%add3A_122, %dma_start3A_123] : memref<204800x128xf32, #tpu.memory_space<hbm>> -> memref<80x128xf32, #tpu.memory_space<hbm>>
    %dma_start3A_125 = arith.constant 0 : i32
    %dma_start3A_126 = tpu.memref_slice %arg10[%add3A_122, %dma_start3A_125] : memref<204800x128xf32, #tpu.memory_space<hbm>> -> memref<80x128xf32, #tpu.memory_space<hbm>>
    tpu.enqueue_dma source(%arg15 : memref<80x128xf32, #tpu.memory_space<vmem>>) target(%dma_start3A_126 : memref<80x128xf32, #tpu.memory_space<hbm>>) target_semaphore(%arg28 : memref<!tpu.dma_semaphore, #tpu.memory_space<semaphore_mem>>)
    %dma_start3A_127 = arith.constant 0 : i32
    %dma_start3A_128 = tpu.memref_slice %arg9[%add3A_122, %dma_start3A_127] : memref<204800x128xf32, #tpu.memory_space<hbm>> -> memref<80x128xf32, #tpu.memory_space<hbm>>
    %dma_start3A_129 = arith.constant 0 : i32
    %dma_start3A_130 = tpu.memref_slice %arg9[%add3A_122, %dma_start3A_129] : memref<204800x128xf32, #tpu.memory_space<hbm>> -> memref<80x128xf32, #tpu.memory_space<hbm>>
    tpu.enqueue_dma source(%arg18 : memref<80x128xf32, #tpu.memory_space<vmem>>) target(%dma_start3A_130 : memref<80x128xf32, #tpu.memory_space<hbm>>) target_semaphore(%arg28 : memref<!tpu.dma_semaphore, #tpu.memory_space<semaphore_mem>>)
    %mul3A_131 = arith.constant 6400 : i32
    %mul3A_132 = arith.muli %add3A, %mul3A_131 : i32
    %add3A_133 = arith.constant 6160 : i32
    %add3A_134 = arith.addi %mul3A_132, %add3A_133 : i32
    %dma_wait3A_135 = arith.constant 0 : i32
    %dma_wait3A_136 = tpu.memref_slice %arg10[%add3A_134, %dma_wait3A_135] : memref<204800x128xf32, #tpu.memory_space<hbm>> -> memref<80x128xf32, #tpu.memory_space<hbm>>
    %dma_wait3A_137 = arith.constant 0 : i32
    %dma_wait3A_138 = tpu.memref_slice %arg10[%add3A_134, %dma_wait3A_137] : memref<204800x128xf32, #tpu.memory_space<hbm>> -> memref<80x128xf32, #tpu.memory_space<hbm>>
    tpu.wait_dma2 semaphore(%arg29 : memref<!tpu.dma_semaphore, #tpu.memory_space<semaphore_mem>>) src(%arg16 : memref<80x128xf32, #tpu.memory_space<vmem>>) dst(%dma_wait3A_138 : memref<80x128xf32, #tpu.memory_space<hbm>>)
    %dma_wait3A_139 = arith.constant 0 : i32
    %dma_wait3A_140 = tpu.memref_slice %arg9[%add3A_134, %dma_wait3A_139] : memref<204800x128xf32, #tpu.memory_space<hbm>> -> memref<80x128xf32, #tpu.memory_space<hbm>>
    %dma_wait3A_141 = arith.constant 0 : i32
    %dma_wait3A_142 = tpu.memref_slice %arg9[%add3A_134, %dma_wait3A_141] : memref<204800x128xf32, #tpu.memory_space<hbm>> -> memref<80x128xf32, #tpu.memory_space<hbm>>
    tpu.wait_dma2 semaphore(%arg29 : memref<!tpu.dma_semaphore, #tpu.memory_space<semaphore_mem>>) src(%arg19 : memref<80x128xf32, #tpu.memory_space<vmem>>) dst(%dma_wait3A_142 : memref<80x128xf32, #tpu.memory_space<hbm>>)
    %mul3A_143 = arith.constant 6400 : i32
    %mul3A_144 = arith.muli %add3A, %mul3A_143 : i32
    %add3A_145 = arith.constant 6240 : i32
    %add3A_146 = arith.addi %mul3A_144, %add3A_145 : i32
    %dma_wait3A_147 = arith.constant 0 : i32
    %dma_wait3A_148 = tpu.memref_slice %arg10[%add3A_146, %dma_wait3A_147] : memref<204800x128xf32, #tpu.memory_space<hbm>> -> memref<80x128xf32, #tpu.memory_space<hbm>>
    %dma_wait3A_149 = arith.constant 0 : i32
    %dma_wait3A_150 = tpu.memref_slice %arg10[%add3A_146, %dma_wait3A_149] : memref<204800x128xf32, #tpu.memory_space<hbm>> -> memref<80x128xf32, #tpu.memory_space<hbm>>
    tpu.wait_dma2 semaphore(%arg27 : memref<!tpu.dma_semaphore, #tpu.memory_space<semaphore_mem>>) src(%arg14 : memref<80x128xf32, #tpu.memory_space<vmem>>) dst(%dma_wait3A_150 : memref<80x128xf32, #tpu.memory_space<hbm>>)
    %dma_wait3A_151 = arith.constant 0 : i32
    %dma_wait3A_152 = tpu.memref_slice %arg9[%add3A_146, %dma_wait3A_151] : memref<204800x128xf32, #tpu.memory_space<hbm>> -> memref<80x128xf32, #tpu.memory_space<hbm>>
    %dma_wait3A_153 = arith.constant 0 : i32
    %dma_wait3A_154 = tpu.memref_slice %arg9[%add3A_146, %dma_wait3A_153] : memref<204800x128xf32, #tpu.memory_space<hbm>> -> memref<80x128xf32, #tpu.memory_space<hbm>>
    tpu.wait_dma2 semaphore(%arg27 : memref<!tpu.dma_semaphore, #tpu.memory_space<semaphore_mem>>) src(%arg17 : memref<80x128xf32, #tpu.memory_space<vmem>>) dst(%dma_wait3A_154 : memref<80x128xf32, #tpu.memory_space<hbm>>)
    %mul3A_155 = arith.constant 6400 : i32
    %mul3A_156 = arith.muli %add3A, %mul3A_155 : i32
    %add3A_157 = arith.constant 6320 : i32
    %add3A_158 = arith.addi %mul3A_156, %add3A_157 : i32
    %dma_wait3A_159 = arith.constant 0 : i32
    %dma_wait3A_160 = tpu.memref_slice %arg10[%add3A_158, %dma_wait3A_159] : memref<204800x128xf32, #tpu.memory_space<hbm>> -> memref<80x128xf32, #tpu.memory_space<hbm>>
    %dma_wait3A_161 = arith.constant 0 : i32
    %dma_wait3A_162 = tpu.memref_slice %arg10[%add3A_158, %dma_wait3A_161] : memref<204800x128xf32, #tpu.memory_space<hbm>> -> memref<80x128xf32, #tpu.memory_space<hbm>>
    tpu.wait_dma2 semaphore(%arg28 : memref<!tpu.dma_semaphore, #tpu.memory_space<semaphore_mem>>) src(%arg15 : memref<80x128xf32, #tpu.memory_space<vmem>>) dst(%dma_wait3A_162 : memref<80x128xf32, #tpu.memory_space<hbm>>)
    %dma_wait3A_163 = arith.constant 0 : i32
    %dma_wait3A_164 = tpu.memref_slice %arg9[%add3A_158, %dma_wait3A_163] : memref<204800x128xf32, #tpu.memory_space<hbm>> -> memref<80x128xf32, #tpu.memory_space<hbm>>
    %dma_wait3A_165 = arith.constant 0 : i32
    %dma_wait3A_166 = tpu.memref_slice %arg9[%add3A_158, %dma_wait3A_165] : memref<204800x128xf32, #tpu.memory_space<hbm>> -> memref<80x128xf32, #tpu.memory_space<hbm>>
    tpu.wait_dma2 semaphore(%arg28 : memref<!tpu.dma_semaphore, #tpu.memory_space<semaphore_mem>>) src(%arg18 : memref<80x128xf32, #tpu.memory_space<vmem>>) dst(%dma_wait3A_166 : memref<80x128xf32, #tpu.memory_space<hbm>>)
    return
  }
}

</mosaic_0001>

<sc_bundles>
// kernel: kernel.3.cloned.1.call-start
scs
__scs_entry_jumppad:
0x0: {  	(pc) =	sbr.rel $0x88, $3  }
0x1: {  	(tag) =	ssettag $0x0;
	lr =	simm.s32 $0x1  }
0x2: {  	[smem:$0x3F99] =	sst lr;
	_ =	strace $0xD0000000  }
0x3: {  	_ = 	snop  }
0x4: {  	_ = 	snop  }
0x5: {  	_ = 	snop  }
0x6: {  	_ = 	snop  }
0x7: {  	_ = 	snop  }
__scs_overlays_trampoline_lowered:
0x8: {  	[smem:$0x3FA8] =	sst s0  }
0x9: {  	[smem:$0x3FA9] =	sst s1  }
0xa: {  	[smem:$0x3FAA] =	sst s2  }
0xb: {  	[smem:$0x3FAB] =	sst s3  }
0xc: {  	[smem:$0x3FAC] =	sst s4  }
0xd: {  	[smem:$0x3FAD] =	sst s5  }
0xe: {  	[smem:$0x3FAE] =	sst s6  }
0xf: {  	[smem:$0x3FAF] =	sst s7  }
0x10: {  	[smem:$0x3FB0] =	sst s8  }
0x11: {  	[smem:$0x3FB1] =	sst s9;
	s0 =	simm.s32 @!p0 $0x0  }
0x12: {  	s1 =	sld [smem:$0x3F97];
	s0 =	simm.s32 @p0 $0x1  }
0x13: {  	[smem:$0x3FB2] =	sst s0;
	s0 =	simm.s32 @!p1 $0x0  }
0x14: {  	s2 =	sld [smem:$0x3F96];
	s0 =	simm.s32 @p1 $0x1  }
0x15: {  	[smem:$0x3FB3] =	sst s0;
	s0 =	simm.s32 @!p2 $0x0  }
0x16: {  	s3 =	sld [smem:$0x3FDB];
	s0 =	simm.s32 @p2 $0x1  }
0x17: {  	s4 =	simm.s32 $0x1BF5;
	[smem:$0x3FB5] =	sst s0  }
0x18: {  	s0 =	sld [smem:$0x3F98];
	_ =	swait.ge [sflag:s4], $0x0  }
0x19: {  	s7 =	sld [smem:$0x3F99]  }
0x1a: {  	s8 =	sadd.s32 $0xFFFFE003, lr  }
0x1b: {  	s9 =	sadd.s32 $0xFFFFFEF7, lr;
	s5 =	simm.s32 $0xFFFFFFFF;
	p2 =	slt.u32 s8, $0xFFFFF086  }
0x1c: {  	p1 =	slt.u32 s9, $0xF7A;
	s5 =	simm.s32 @!p2 $0x0  }
0x1d: {  	s5 =	simm.s32 @p1 $0x1;
	p0 =	seq.s32 s7, s2  }
0x1e: {  	s7 =	smul.u32 @!p0 $0xF7A, s2;
	p2 =	seq.s32 @!p0 s5, $0x0  }
0x1f: {  	s9 =	smul.u32 $0xF7A, s1;
	s8 =	simm.s32 @!p0 $0x1BF5;
	p2 =	por !p2, p0  }
0x20: {  	[sflag:s8] =	ssyncset.s32 @!p0 $0xFFFFF086;
	s6 =	sadd.s32 @!p0 s3, s7;
	s7 =	simm.s32 @!p0 $0x108  }
0x21: {  	s3 =	sadd.s32 s3, s9;
	s6 =	sadd.s32 @!p0 $0x88, s6;
	s7 =	simm.s32 @p2 $0x1082  }
0x22: {  	[simem:s7], [sflag:s8] =	dma.local @!p0 [hbm:s6], $0xF7A  }
0x23: {  	s9 =	sor.u32 $0xD0000000, s2;
	s6 =	simm.s32 $0x108;
	_ =	swait.ge @!p0 [sflag:s8], $0x0  }
0x24: {  	s3 =	sadd.s32 $0x88, s3;
	s6 =	simm.s32 @!p1 $0x1082;
	[sflag:s4] =	ssyncset.s32 $0xFFFFF086  }
0x25: {  	[simem:s6], [sflag:s4] =	dma.local [hbm:s3], $0xF7A  }
0x26: {  	[smem:$0x3F99] =	sst s1;
	(tag) =	ssettag s2;
	_ =	strace s9  }
0x27: {  	s1 =	sld [smem:$0x3FA9]  }
0x28: {  	s2 =	sld [smem:$0x3FAA]  }
0x29: {  	s4 =	sld [smem:$0x3FAC]  }
0x2a: {  	p0 =	seq.s32 s5, $0x0;
	s5 =	sld [smem:$0x3FAD]  }
0x2b: {  	s6 =	sld [smem:$0x3FAE]  }
0x2c: {  	s7 =	sld [smem:$0x3FAF]  }
0x2d: {  	s3 =	simm.s32 $0x108;
	s8 =	sld [smem:$0x3FB0]  }
0x2e: {  	s3 =	simm.s32 @!p0 $0x1082;
	s9 =	sld [smem:$0x3FB1]  }
0x2f: {  	lr =	sadd.s32 s0, s3;
	s0 =	sld [smem:$0x3FA8]  }
0x30: {  	s3 =	sld [smem:$0x3FAB]  }
0x31: {  	[smem:$0x3FB4] =	sst s10  }
0x32: {  	s10 =	sld [smem:$0x3FB2];
	_ =	sdelay $0x3  }
0x33: {  	p0 =	seq.s32 s10, $0x1;
	s10 =	sld [smem:$0x3FB4];
	_ =	sdelay $0x3  }
0x34: {  	[smem:$0x3FB4] =	sst s10  }
0x35: {  	s10 =	sld [smem:$0x3FB3];
	_ =	sdelay $0x3  }
0x36: {  	p1 =	seq.s32 s10, $0x1;
	s10 =	sld [smem:$0x3FB4];
	_ =	sdelay $0x3  }
0x37: {  	[smem:$0x3FB4] =	sst s10  }
0x38: {  	s10 =	sld [smem:$0x3FB5]  }
0x39: {  	_ = 	snop;
	(pc) =	sbr.ind lr, $3  }
0x3a: {  	_ = 	snop  }
0x3b: {  	_ = 	snop  }
0x3c: {  	p2 =	seq.s32 s10, $0x1;
	s10 =	sld [smem:$0x3FB4]  }
0x3d: {  	_ =	shalt  }
0x3e: {  	_ =	shalt  }
0x3f: {  	_ =	shalt  }
0x40: {  	_ =	shalt  }
0x41: {  	_ =	shalt  }
0x42: {  	_ =	shalt  }
0x43: {  	_ =	shalt  }
0x44: {  	_ =	shalt  }
0x45: {  	_ =	shalt  }
0x46: {  	_ =	shalt  }
0x47: {  	_ =	shalt  }
0x48: {  	_ =	shalt  }
0x49: {  	_ =	shalt  }
0x4a: {  	_ =	shalt  }
0x4b: {  	_ =	shalt  }
0x4c: {  	_ =	shalt  }
0x4d: {  	_ =	shalt  }
0x4e: {  	_ =	shalt  }
0x4f: {  	_ =	shalt  }
0x50: {  	_ =	shalt  }
0x51: {  	_ =	shalt  }
0x52: {  	_ =	shalt  }
0x53: {  	_ =	shalt  }
0x54: {  	_ =	shalt  }
0x55: {  	_ =	shalt  }
0x56: {  	_ =	shalt  }
0x57: {  	_ =	shalt  }
0x58: {  	_ =	shalt  }
0x59: {  	_ =	shalt  }
0x5a: {  	_ =	shalt  }
0x5b: {  	_ =	shalt  }
0x5c: {  	_ =	shalt  }
0x5d: {  	_ =	shalt  }
0x5e: {  	_ =	shalt  }
0x5f: {  	_ =	shalt  }
0x60: {  	_ =	shalt  }
0x61: {  	_ =	shalt  }
0x62: {  	_ =	shalt  }
0x63: {  	_ =	shalt  }
0x64: {  	_ =	shalt  }
0x65: {  	_ =	shalt  }
0x66: {  	_ =	shalt  }
0x67: {  	_ =	shalt  }
0x68: {  	_ =	shalt  }
0x69: {  	_ =	shalt  }
0x6a: {  	_ =	shalt  }
0x6b: {  	_ =	shalt  }
0x6c: {  	_ =	shalt  }
0x6d: {  	_ =	shalt  }
0x6e: {  	_ =	shalt  }
0x6f: {  	_ =	shalt  }
0x70: {  	_ =	shalt  }
0x71: {  	_ =	shalt  }
0x72: {  	_ =	shalt  }
0x73: {  	_ =	shalt  }
0x74: {  	_ =	shalt  }
0x75: {  	_ =	shalt  }
0x76: {  	_ =	shalt  }
0x77: {  	_ =	shalt  }
0x78: {  	_ =	shalt  }
0x79: {  	_ =	shalt  }
0x7a: {  	_ =	shalt  }
0x7b: {  	_ =	shalt  }
0x7c: {  	_ =	shalt  }
0x7d: {  	_ =	shalt  }
0x7e: {  	_ =	shalt  }
0x7f: {  	_ =	shalt  }
0x80: {  	_ =	shalt  }
0x81: {  	_ =	shalt  }
0x82: {  	_ =	shalt  }
0x83: {  	_ =	shalt  }
0x84: {  	_ =	shalt  }
0x85: {  	_ =	shalt  }
0x86: {  	_ =	shalt  }
0x87: {  	_ =	shalt  }
.Lfunc_end0:
.L_simem_size_0:
called_computation_lowered:
.L_overlay_start_0:
0x88: {  	s2 =	sld [smem:$0x3FD9]  }
0x89: {  	s3 =	sld [smem:$0x3FFE];
	_ =	sdelay $0x1  }
0x8a: {  	s1 =	srdreg.scid  }
0x8b: {  	s0 =	sand.u32 $0x1, s1  }
0x8c: {  	s15 =	sshll.u32 s0, $0xA;
	s2 =	sadd.s32 s3, s2  }
0x8d: {  	s3 =	sadd.s32 s2, s15  }
0x8e: {  	[smem:$0x3FC0] =	sst s3  }
0x8f: {  	_ = 	snop  }
0x90: {  	s3 =	sld [smem:$0x3FC5]  }
0x91: {  	s4 =	sld [smem:$0x3FD0]  }
0x92: {  	s5 =	sld [smem:$0x3FC4]  }
0x93: {  	s6 =	sld [smem:$0x3FC3]  }
0x94: {  	s8 =	simm.s32 $0xA;
	s9 =	simm.s32 $0x10;
	s7 =	sld [smem:$0x3FC2]  }
0x95: {  	[smem:s9], [sflag:s8] =	dma.local [hbm:s4], $0x1  }
0x96: {  	_ =	swait.eq [sflag:s8], $0x1  }
0x97: {  	[sflag:s8] =	ssyncset.done $0x0  }
0x98: {  	s16 =	sld [smem:$0x10];
	[sflag:s8] =	ssyncadd.s32 $0xFFFFFFFF  }
0x99: {  	s17 =	sld [smem:$0x11];
	(tm) =	ssettm $0x1  }
0x9a: {  	s18 =	sld [smem:$0x3FFB];
	_ =	sdelay $0x3  }
0x9b: {  	_ =	strace s18  }
0x9c: {  	s9 =	sld [smem:$0x3FFC];
	_ =	sdelay $0x3  }
0x9d: {  	_ =	strace s9  }
0x9e: {  	s9 =	sld [smem:$0x3FFD];
	_ =	sdelay $0x3  }
0x9f: {  	_ =	strace s9  }
0xa0: {  	_ =	strace $0x8FFFFFFF  }
0xa1: {  	s19 =	sld [smem:$0x3FDB];
	_ =	sdelay $0x1  }
0xa2: {  	s10 =	simm.s32 $_scs_section_size  }
0xa3: {  	s11 =	simm.s32 $_size__tile_overlayer_lowered;
	s12 =	simm.s32 $_tile_overlayer_lowered  }
0xa4: {  	s22 =	simm.s32 $0x1BFF;
	s21 =	sshll.u32 s12, $0x1;
	s9 =	sadd.s32 s10, s19  }
0xa5: {  	s13 =	simm.s32 $0x0;
	s20 =	sshll.u32 s11, $0x1;
	s11 =	sadd.s32 s21, s9  }
0xa6: {  	[timem:s13], [sflag:s22] =	dma.local [hbm:s11], s20  }
0xa7: {  	_ =	swait.ge [sflag:s22], s20  }
0xa8: {  	s10 =	ssub.s32 $0x0, s20;
	[sflag:s22] =	ssyncset.done $0x0  }
0xa9: {  	[sflag:s22] =	ssyncadd.s32 s10;
	_ =	sdelay $0x1  }
0xaa: {  	s23 =	simm.s32 $0x1B8B  }
0xab: {  	_ =	swait.ge [sflag:s23], $0x1  }
0xac: {  	[sflag:s23] =	ssyncset.done $0x0  }
0xad: {  	s25 =	simm.s32 $0x1B8E;
	s24 =	sld [smem:$0x3FFE];
	[sflag:s23] =	ssyncadd.s32 $0xFFFFFFFF  }
0xae: {  	s26 =	simm.s32 $execute0_lowered;
	[smem:$0x3FD2] =	sst s25  }
0xaf: {  	s11 =	sshll.u32 s26, $0x1;
	_ =	strace $0x80000046;
	[dreg:$0x1] =	wrdreg $0xFFFFFFFF  }
0xb0: {  	s28 =	simm.s32 $_size_execute0_lowered;
	s9 =	sadd.s32 s9, s11;
	[dreg:$0x0] =	wrdreg $0x0  }
0xb1: {  	s11 =	sshll.u32 s28, $0x1;
	[dreg:$0x2] =	wrdreg s9  }
0xb2: {  	[dreg:$0x3] =	wrdreg s11  }
0xb3: {  	[dreg:$0x4] =	wrdreg $0xC0  }
0xb4: {  	_ =	task [dreg:s13], $0x5FFFF  }
0xb5: {  	[dreg:$0x1] =	wrdreg $0xFFFFFFFF  }
0xb6: {  	[dreg:$0x0] =	wrdreg $0x60  }
0xb7: {  	[dreg:$0x2] =	wrdreg s24  }
0xb8: {  	[dreg:$0x3] =	wrdreg s3  }
0xb9: {  	[dreg:$0x4] =	wrdreg s5  }
0xba: {  	[dreg:$0x5] =	wrdreg s6  }
0xbb: {  	[dreg:$0x6] =	wrdreg s7  }
0xbc: {  	[dreg:$0x7] =	wrdreg s16  }
0xbd: {  	s2 =	sadd.s32 $0x800, s2;
	[dreg:$0x8] =	wrdreg s17  }
0xbe: {  	[dreg:$0x9] =	wrdreg s2  }
0xbf: {  	[dreg:$0xa] =	wrdreg $0x9  }
0xc0: {  	_ =	task.clear_ibuf [dreg:s13], $0xBFFFF;
	_ =	strace $0x90000046  }
0xc1: {  	s29 =	simm.s32 $0x9;
	_ =	strace $0x80000048  }
0xc2: {  	_ =	swait.ge [sflag:s29], $0x1  }
0xc3: {  	[sflag:s29] =	ssyncadd.s32 $0xFFFFFFFF  }
0xc4: {  	_ =	strace $0x90000048  }
0xc5: {  	_ =	sfence  }
0xc6: {  	s30 =	sld [smem:$0x0];
	_ =	sdelay $0x2  }
0xc7: {  	s31 =	sshll.u32 s1, $0xD;
	s1 =	sshrl.u32 s1, $0x2  }
0xc8: {  	s3 =	sand.u32 $0x4000, s31;
	s1 =	sadd.s32 s1, s30  }
0xc9: {  	s0 =	sor.u32 s3, s0;
	s1 =	sshll.u32 s1, $0x11  }
0xca: {  	s0 =	sor.u32 s1, s0  }
0xcb: {  	s0 =	sadd.s32 $0x8F2B, s0  }
0xcc: {  	[sflag:s0] =	ssyncadd.remote.s32 $0x1  }
0xcd: {  	_ =	sfence.sel $0xFFFF  }
0xce: {  	[dreg:$0x0] =	wrdreg $0xFFFFFFFF;
	(pc) =	sbr.abs _section_cstart, $3  }
0xcf: {  	[dreg:$0x1] =	wrdreg $0xFFFFFFFF  }
0xd0: {  	_ =	task.clear_ibuf [dreg:s13], $0x2FFFF;
	_ =	strace $0x9FFFFFFF  }
0xd1: {  	(tm) =	ssettm $0x7FFFFFFF  }
tec
execute0_lowered:
.L_overlay_start_1:
0x0: {  	(tag) =	ssettag $0x1  }
0x1: {  	s2 =	rddreg [dreg:$0x0]  }
0x2: {  	s0 =	rddreg [dreg:$0x1]  }
0x3: {  	s1 =	rddreg [dreg:$0x2]  }
0x4: {  	s4 =	rddreg [dreg:$0x5]  }
0x5: {  	s3 =	srdreg.scid;
	s6 =	rddreg [dreg:$0x6]  }
0x6: {  	s5 =	stileid.u32;
	s7 =	rddreg [dreg:$0x7]  }
0x7: {  	s18 =	simm.s32 $0x7800;
	s28 =	simm.s32 $0x11800;
	s29 =	simm.s32 $0x19000  }
0x8: {  	s30 =	simm.s32 $0x1;
	s3 =	sand.u32 $0x1, s3;
	s8 =	sshll.u32 s5, $0x1  }
0x9: {  	s31 =	simm.s32 $0xC800;
	p0 =	sne.s32 s5, $0x0;
	s9 =	sor.u32 s3, s8  }
0xa: {  	s5 =	simm.s32 $0x14000;
	s8 =	simm.s32 $0x0;
	s10 =	smul.u32 $0x500, s9  }
0xb: {  	s3 =	ssub.s32 $0x2, s3;
	[smem:$0x7FF] =	sst s8;
	s11 =	smul.u32 $0xC8000, s9  }
0xc: {  	s19 =	sshrl.u32 s3, $0x1;
	s12 =	smul.u32 $0x1900, s9;
	_ =	strace $0x80000047  }
0xd: {  	s3 =	ssub.s32 s3, s19;
	s19 =	simm.s32 $0x7;
	s2 =	sadd.s32 s10, s2  }
0xe: {  	s22 =	sshrl.u32 s11, $0x3;
	s26 =	smax.u32 s3, $0x1;
	s3 =	simm.s32 $0x2  }
0xf: {  	s10 =	simm.s32 $0x0;
	s20 =	sadd.s32 $0xA800, s2;
	[dreg:$0x10] =	wrdreg s26  }
0x10: {  	s21 =	sadd.s32 $0x14800, s2;
	s2 =	sadd.s32 $0x800, s2;
	[dreg:$0x9] =	wrdreg s20  }
0x11: {  	s23 =	sadd.s32 $0x18600, s22;
	s26 =	simm.s32 $0xA000;
	[dreg:$0xa] =	wrdreg s21  }
0x12: {  	[dreg:$0xb] =	wrdreg s2;
	s2 =	sadd.s32 $0x18B00, s22;
	s24 =	sadd.s32 s6, s23  }
0x13: {  	s9 =	sadd.s32 s4, s23;
	s21 =	simm.s32 $0xF000;
	s20 =	simm.s32 $0x4  }
0x14: {  	s22 =	simm.s32 $0x3;
	s23 =	simm.s32 $0x5;
	[dreg:$0xc] =	wrdreg s24  }
0x15: {  	[dreg:$0xd] =	wrdreg s9;
	s25 =	sadd.s32 s6, s2;
	s2 =	sadd.s32 s4, s2  }
0x16: {  	s24 =	simm.s32 $0x50;
	s9 =	simm.s32 $0x6;
	[dreg:$0xe] =	wrdreg s25  }
0x17: {  	[dreg:$0xf] =	wrdreg s2;
	s25 =	simm.s32 $0x16800;
	s2 =	simm.s32 $0x1B800  }
.LBB2_1:
.Ltmp0:
0x18: {  	(pc) =	sbr.rel @p0 .LBB2_5-.Ltmp0, $1  }
0x19: {  	_ =	sdelay $0x3  }
0x1a: {  	s11 =	simm.s32 $0x0;
	s13 =	rddreg [dreg:$0x3]  }
0x1b: {  	[tilespmem:s18], [sflag:$0x7] =	stream.linear.gather [hbm4b:s13+s11], $0x880, $0x38;
	[tilespmem:$0x1E000] =	vst v63  }
0x1c: {  	_ =	swait.ge [sflag:s19], $0x880  }
0x1d: {  	[sflag:s19] =	ssyncset.done $0x0  }
0x1e: {  	[sflag:s19] =	ssyncadd.s32 $0xFFFFF780  }
0x1f: {  	s14 =	simm.s32 $0x8080;
	s17 =	rddreg [dreg:$0x4]  }
0x20: {  	[tilespmem:s14], [sflag:$0x7] =	stream.linear.gather [hbm4b:s17+s11], $0x200, $0x38;
	[tilespmem:$0x1E000] =	vst v63  }
0x21: {  	_ =	swait.ge [sflag:s19], $0x200  }
0x22: {  	[sflag:s19] =	ssyncset.done $0x0  }
0x23: {  	[sflag:s19] =	ssyncadd.s32 $0xFFFFFE00  }
0x24: {  	s11 =	simm.s32 $0x0;
	v0 =	vld [tilespmem:$0x8080]  }
0x25: {  	v1 =	vld [tilespmem:s11+$0x7800];
	_ =	sdelay $0x4  }
0x26: {  	v0 =	vadd.f32 v0, v1  }
0x27: {  	s13 =	simm.s32 $0xF100  }
0x28: {  	[tilespmem:s13+$0xFFFFFF00] =	vst v0  }
0x29: {  	v0 =	vld [tilespmem:s11+$0x7810]  }
0x2a: {  	v1 =	vld [tilespmem:$0x8090];
	_ =	sdelay $0x4  }
0x2b: {  	v0 =	vadd.f32 v1, v0;
	_ =	sdelay $0x1  }
0x2c: {  	[tilespmem:s13+$0xFFFFFF10] =	vst v0  }
0x2d: {  	v0 =	vld [tilespmem:s11+$0x7820]  }
0x2e: {  	v1 =	vld [tilespmem:$0x80A0];
	_ =	sdelay $0x4  }
0x2f: {  	v0 =	vadd.f32 v1, v0;
	_ =	sdelay $0x1  }
0x30: {  	[tilespmem:s13+$0xFFFFFF20] =	vst v0  }
0x31: {  	v0 =	vld [tilespmem:s11+$0x7830]  }
0x32: {  	v1 =	vld [tilespmem:$0x80B0];
	_ =	sdelay $0x4  }
0x33: {  	v0 =	vadd.f32 v1, v0;
	_ =	sdelay $0x1  }
0x34: {  	[tilespmem:s13+$0xFFFFFF30] =	vst v0  }
0x35: {  	v0 =	vld [tilespmem:s11+$0x7840]  }
0x36: {  	v1 =	vld [tilespmem:$0x80C0];
	_ =	sdelay $0x4  }
0x37: {  	v0 =	vadd.f32 v1, v0;
	_ =	sdelay $0x1  }
0x38: {  	[tilespmem:s13+$0xFFFFFF40] =	vst v0  }
0x39: {  	v0 =	vld [tilespmem:s11+$0x7850]  }
0x3a: {  	v1 =	vld [tilespmem:$0x80D0];
	_ =	sdelay $0x4  }
0x3b: {  	v0 =	vadd.f32 v1, v0;
	_ =	sdelay $0x1  }
0x3c: {  	[tilespmem:s13+$0xFFFFFF50] =	vst v0  }
0x3d: {  	v0 =	vld [tilespmem:s11+$0x7860]  }
0x3e: {  	v1 =	vld [tilespmem:$0x80E0];
	_ =	sdelay $0x4  }
0x3f: {  	v0 =	vadd.f32 v1, v0;
	_ =	sdelay $0x1  }
0x40: {  	[tilespmem:s13+$0xFFFFFF60] =	vst v0  }
0x41: {  	v0 =	vld [tilespmem:s11+$0x7870]  }
0x42: {  	v1 =	vld [tilespmem:$0x80F0];
	_ =	sdelay $0x4  }
0x43: {  	v0 =	vadd.f32 v1, v0;
	_ =	sdelay $0x1  }
0x44: {  	[tilespmem:s13+$0xFFFFFF70] =	vst v0  }
0x45: {  	v0 =	vld [tilespmem:s11+$0x7800]  }
0x46: {  	v1 =	vld [tilespmem:$0x8100];
	_ =	sdelay $0x4  }
0x47: {  	v0 =	vadd.f32 v1, v0;
	_ =	sdelay $0x1  }
0x48: {  	[tilespmem:s13+$0xFFFFFF80] =	vst v0  }
0x49: {  	v0 =	vld [tilespmem:s11+$0x7810]  }
0x4a: {  	v1 =	vld [tilespmem:$0x8110];
	_ =	sdelay $0x4  }
0x4b: {  	v0 =	vadd.f32 v1, v0;
	_ =	sdelay $0x1  }
0x4c: {  	[tilespmem:s13+$0xFFFFFF90] =	vst v0  }
0x4d: {  	v0 =	vld [tilespmem:s11+$0x7820]  }
0x4e: {  	v1 =	vld [tilespmem:$0x8120];
	_ =	sdelay $0x4  }
0x4f: {  	v0 =	vadd.f32 v1, v0;
	_ =	sdelay $0x1  }
0x50: {  	[tilespmem:s13+$0xFFFFFFA0] =	vst v0  }
0x51: {  	v0 =	vld [tilespmem:s11+$0x7830]  }
0x52: {  	v1 =	vld [tilespmem:$0x8130];
	_ =	sdelay $0x4  }
0x53: {  	v0 =	vadd.f32 v1, v0;
	_ =	sdelay $0x1  }
0x54: {  	[tilespmem:s13+$0xFFFFFFB0] =	vst v0  }
0x55: {  	v0 =	vld [tilespmem:s11+$0x7840]  }
0x56: {  	v1 =	vld [tilespmem:$0x8140];
	_ =	sdelay $0x4  }
0x57: {  	v0 =	vadd.f32 v1, v0;
	_ =	sdelay $0x1  }
0x58: {  	[tilespmem:s13+$0xFFFFFFC0] =	vst v0  }
0x59: {  	v0 =	vld [tilespmem:s11+$0x7850]  }
0x5a: {  	v1 =	vld [tilespmem:$0x8150];
	_ =	sdelay $0x4  }
0x5b: {  	v0 =	vadd.f32 v1, v0;
	_ =	sdelay $0x1  }
0x5c: {  	[tilespmem:s13+$0xFFFFFFD0] =	vst v0  }
0x5d: {  	v0 =	vld [tilespmem:s11+$0x7860]  }
0x5e: {  	v1 =	vld [tilespmem:$0x8160];
	_ =	sdelay $0x4  }
0x5f: {  	v0 =	vadd.f32 v1, v0;
	_ =	sdelay $0x1  }
0x60: {  	[tilespmem:s13+$0xFFFFFFE0] =	vst v0  }
0x61: {  	v0 =	vld [tilespmem:s11+$0x7870]  }
0x62: {  	v1 =	vld [tilespmem:$0x8170];
	_ =	sdelay $0x4  }
0x63: {  	v0 =	vadd.f32 v1, v0;
	_ =	sdelay $0x1  }
0x64: {  	[tilespmem:s13+$0xFFFFFFF0] =	vst v0  }
0x65: {  	v0 =	vld [tilespmem:s11+$0x7800]  }
0x66: {  	v1 =	vld [tilespmem:$0x8180];
	_ =	sdelay $0x4  }
0x67: {  	v0 =	vadd.f32 v1, v0;
	_ =	sdelay $0x1  }
0x68: {  	[tilespmem:s13+$0x0] =	vst v0  }
0x69: {  	v0 =	vld [tilespmem:s11+$0x7810]  }
0x6a: {  	v1 =	vld [tilespmem:$0x8190];
	_ =	sdelay $0x4  }
0x6b: {  	v0 =	vadd.f32 v1, v0;
	_ =	sdelay $0x1  }
0x6c: {  	[tilespmem:s13+$0x10] =	vst v0  }
0x6d: {  	v0 =	vld [tilespmem:s11+$0x7820]  }
0x6e: {  	v1 =	vld [tilespmem:$0x81A0];
	_ =	sdelay $0x4  }
0x6f: {  	v0 =	vadd.f32 v1, v0;
	_ =	sdelay $0x1  }
0x70: {  	[tilespmem:s13+$0x20] =	vst v0  }
0x71: {  	v0 =	vld [tilespmem:s11+$0x7830]  }
0x72: {  	v1 =	vld [tilespmem:$0x81B0];
	_ =	sdelay $0x4  }
0x73: {  	v0 =	vadd.f32 v1, v0;
	_ =	sdelay $0x1  }
0x74: {  	[tilespmem:s13+$0x30] =	vst v0  }
0x75: {  	v0 =	vld [tilespmem:s11+$0x7840]  }
0x76: {  	v1 =	vld [tilespmem:$0x81C0];
	_ =	sdelay $0x4  }
0x77: {  	v0 =	vadd.f32 v1, v0;
	_ =	sdelay $0x1  }
0x78: {  	[tilespmem:s13+$0x40] =	vst v0  }
0x79: {  	v0 =	vld [tilespmem:s11+$0x7850]  }
0x7a: {  	v1 =	vld [tilespmem:$0x81D0];
	_ =	sdelay $0x4  }
0x7b: {  	v0 =	vadd.f32 v1, v0;
	_ =	sdelay $0x1  }
0x7c: {  	[tilespmem:s13+$0x50] =	vst v0  }
0x7d: {  	v0 =	vld [tilespmem:s11+$0x7860]  }
0x7e: {  	v1 =	vld [tilespmem:$0x81E0];
	_ =	sdelay $0x4  }
0x7f: {  	v0 =	vadd.f32 v1, v0;
	_ =	sdelay $0x1  }
0x80: {  	[tilespmem:s13+$0x60] =	vst v0  }
0x81: {  	v0 =	vld [tilespmem:s11+$0x7870]  }
0x82: {  	v1 =	vld [tilespmem:$0x81F0];
	_ =	sdelay $0x4  }
0x83: {  	v0 =	vadd.f32 v1, v0;
	_ =	sdelay $0x1  }
0x84: {  	[tilespmem:s13+$0x70] =	vst v0  }
0x85: {  	v0 =	vld [tilespmem:s11+$0x7800]  }
0x86: {  	v1 =	vld [tilespmem:$0x8200];
	_ =	sdelay $0x4  }
0x87: {  	v0 =	vadd.f32 v1, v0;
	_ =	sdelay $0x1  }
0x88: {  	[tilespmem:s13+$0x80] =	vst v0  }
0x89: {  	v0 =	vld [tilespmem:s11+$0x7810]  }
0x8a: {  	v1 =	vld [tilespmem:$0x8210];
	_ =	sdelay $0x4  }
0x8b: {  	v0 =	vadd.f32 v1, v0;
	_ =	sdelay $0x1  }
0x8c: {  	[tilespmem:s13+$0x90] =	vst v0  }
0x8d: {  	v0 =	vld [tilespmem:s11+$0x7820]  }
0x8e: {  	v1 =	vld [tilespmem:$0x8220];
	_ =	sdelay $0x4  }
0x8f: {  	v0 =	vadd.f32 v1, v0;
	_ =	sdelay $0x1  }
0x90: {  	[tilespmem:s13+$0xA0] =	vst v0  }
0x91: {  	v0 =	vld [tilespmem:s11+$0x7830]  }
0x92: {  	v1 =	vld [tilespmem:$0x8230];
	_ =	sdelay $0x4  }
0x93: {  	v0 =	vadd.f32 v1, v0;
	_ =	sdelay $0x1  }
0x94: {  	[tilespmem:s13+$0xB0] =	vst v0  }
0x95: {  	v0 =	vld [tilespmem:s11+$0x7840]  }
0x96: {  	s15 =	simm.s32 $0x200;
	s14 =	simm.s32 $0xF100;
	v1 =	vld [tilespmem:$0x8240]  }
.LBB2_3:
0x97: {  	_ = 	snop  }
0x98: {  	p1 =	sne.s32 s15, $0x2000  }
0x99: {  	s13 =	sadd.s32 $0x200, s13;
	s16 =	smov.u32 s15;
	s15 =	sadd.s32 $0x200, s15  }
0x9a: {  	_ = 	snop  }
0x9b: {  	v0 =	vadd.f32 v1, v0;
	_ =	sdelay $0x1  }
0x9c: {  	[tilespmem:s14+$0xC0] =	vst v0  }
0x9d: {  	v0 =	vld [tilespmem:s11+$0x7850]  }
0x9e: {  	v1 =	vld [tilespmem:$0x8250];
	_ =	sdelay $0x4  }
0x9f: {  	v0 =	vadd.f32 v1, v0;
	_ =	sdelay $0x1  }
0xa0: {  	[tilespmem:s14+$0xD0] =	vst v0  }
0xa1: {  	v0 =	vld [tilespmem:s11+$0x7860]  }
0xa2: {  	v1 =	vld [tilespmem:$0x8260];
	_ =	sdelay $0x4  }
0xa3: {  	v0 =	vadd.f32 v1, v0;
	_ =	sdelay $0x1  }
0xa4: {  	[tilespmem:s14+$0xE0] =	vst v0  }
0xa5: {  	v0 =	vld [tilespmem:s11+$0x7870]  }
0xa6: {  	v1 =	vld [tilespmem:$0x8270];
	_ =	sdelay $0x4  }
0xa7: {  	v0 =	vadd.f32 v1, v0;
	_ =	sdelay $0x1  }
0xa8: {  	[tilespmem:s14+$0xF0] =	vst v0;
	s14 =	smov.u32 s13  }
0xa9: {  	s11 =	sshra.s32 s16, $0x2;
	v0 =	vld [tilespmem:$0x8080]  }
0xaa: {  	v1 =	vld [tilespmem:s11+$0x7800];
	_ =	sdelay $0x4  }
0xab: {  	v0 =	vadd.f32 v0, v1;
	_ =	sdelay $0x1  }
0xac: {  	[tilespmem:s13+$0xFFFFFF00] =	vst v0  }
0xad: {  	v0 =	vld [tilespmem:s11+$0x7810]  }
0xae: {  	v1 =	vld [tilespmem:$0x8090];
	_ =	sdelay $0x4  }
0xaf: {  	v0 =	vadd.f32 v1, v0;
	_ =	sdelay $0x1  }
0xb0: {  	[tilespmem:s13+$0xFFFFFF10] =	vst v0  }
0xb1: {  	v0 =	vld [tilespmem:s11+$0x7820]  }
0xb2: {  	v1 =	vld [tilespmem:$0x80A0];
	_ =	sdelay $0x4  }
0xb3: {  	v0 =	vadd.f32 v1, v0;
	_ =	sdelay $0x1  }
0xb4: {  	[tilespmem:s13+$0xFFFFFF20] =	vst v0  }
0xb5: {  	v0 =	vld [tilespmem:s11+$0x7830]  }
0xb6: {  	v1 =	vld [tilespmem:$0x80B0];
	_ =	sdelay $0x4  }
0xb7: {  	v0 =	vadd.f32 v1, v0;
	_ =	sdelay $0x1  }
0xb8: {  	[tilespmem:s13+$0xFFFFFF30] =	vst v0  }
0xb9: {  	v0 =	vld [tilespmem:s11+$0x7840]  }
0xba: {  	v1 =	vld [tilespmem:$0x80C0];
	_ =	sdelay $0x4  }
0xbb: {  	v0 =	vadd.f32 v1, v0;
	_ =	sdelay $0x1  }
0xbc: {  	[tilespmem:s13+$0xFFFFFF40] =	vst v0  }
0xbd: {  	v0 =	vld [tilespmem:s11+$0x7850]  }
0xbe: {  	v1 =	vld [tilespmem:$0x80D0];
	_ =	sdelay $0x4  }
0xbf: {  	v0 =	vadd.f32 v1, v0;
	_ =	sdelay $0x1  }
0xc0: {  	[tilespmem:s13+$0xFFFFFF50] =	vst v0  }
0xc1: {  	v0 =	vld [tilespmem:s11+$0x7860]  }
0xc2: {  	v1 =	vld [tilespmem:$0x80E0];
	_ =	sdelay $0x4  }
0xc3: {  	v0 =	vadd.f32 v1, v0;
	_ =	sdelay $0x1  }
0xc4: {  	[tilespmem:s13+$0xFFFFFF60] =	vst v0  }
0xc5: {  	v0 =	vld [tilespmem:s11+$0x7870]  }
0xc6: {  	v1 =	vld [tilespmem:$0x80F0];
	_ =	sdelay $0x4  }
0xc7: {  	v0 =	vadd.f32 v1, v0;
	_ =	sdelay $0x1  }
0xc8: {  	[tilespmem:s13+$0xFFFFFF70] =	vst v0  }
0xc9: {  	v0 =	vld [tilespmem:s11+$0x7800]  }
0xca: {  	v1 =	vld [tilespmem:$0x8100];
	_ =	sdelay $0x4  }
0xcb: {  	v0 =	vadd.f32 v1, v0;
	_ =	sdelay $0x1  }
0xcc: {  	[tilespmem:s13+$0xFFFFFF80] =	vst v0  }
0xcd: {  	v0 =	vld [tilespmem:s11+$0x7810]  }
0xce: {  	v1 =	vld [tilespmem:$0x8110];
	_ =	sdelay $0x4  }
0xcf: {  	v0 =	vadd.f32 v1, v0;
	_ =	sdelay $0x1  }
0xd0: {  	[tilespmem:s13+$0xFFFFFF90] =	vst v0  }
0xd1: {  	v0 =	vld [tilespmem:s11+$0x7820]  }
0xd2: {  	v1 =	vld [tilespmem:$0x8120];
	_ =	sdelay $0x4  }
0xd3: {  	v0 =	vadd.f32 v1, v0;
	_ =	sdelay $0x1  }
0xd4: {  	[tilespmem:s13+$0xFFFFFFA0] =	vst v0  }
0xd5: {  	v0 =	vld [tilespmem:s11+$0x7830]  }
0xd6: {  	v1 =	vld [tilespmem:$0x8130];
	_ =	sdelay $0x4  }
0xd7: {  	v0 =	vadd.f32 v1, v0;
	_ =	sdelay $0x1  }
0xd8: {  	[tilespmem:s13+$0xFFFFFFB0] =	vst v0  }
0xd9: {  	v0 =	vld [tilespmem:s11+$0x7840]  }
0xda: {  	v1 =	vld [tilespmem:$0x8140];
	_ =	sdelay $0x4  }
0xdb: {  	v0 =	vadd.f32 v1, v0;
	_ =	sdelay $0x1  }
0xdc: {  	[tilespmem:s13+$0xFFFFFFC0] =	vst v0  }
0xdd: {  	v0 =	vld [tilespmem:s11+$0x7850]  }
0xde: {  	v1 =	vld [tilespmem:$0x8150];
	_ =	sdelay $0x4  }
0xdf: {  	v0 =	vadd.f32 v1, v0;
	_ =	sdelay $0x1  }
0xe0: {  	[tilespmem:s13+$0xFFFFFFD0] =	vst v0  }
0xe1: {  	v0 =	vld [tilespmem:s11+$0x7860]  }
0xe2: {  	v1 =	vld [tilespmem:$0x8160];
	_ =	sdelay $0x4  }
0xe3: {  	v0 =	vadd.f32 v1, v0;
	_ =	sdelay $0x1  }
0xe4: {  	[tilespmem:s13+$0xFFFFFFE0] =	vst v0  }
0xe5: {  	v0 =	vld [tilespmem:s11+$0x7870]  }
0xe6: {  	v1 =	vld [tilespmem:$0x8170];
	_ =	sdelay $0x4  }
0xe7: {  	v0 =	vadd.f32 v1, v0;
	_ =	sdelay $0x1  }
0xe8: {  	[tilespmem:s13+$0xFFFFFFF0] =	vst v0  }
0xe9: {  	v0 =	vld [tilespmem:s11+$0x7800]  }
0xea: {  	v1 =	vld [tilespmem:$0x8180];
	_ =	sdelay $0x4  }
0xeb: {  	v0 =	vadd.f32 v1, v0;
	_ =	sdelay $0x1  }
0xec: {  	[tilespmem:s13+$0x0] =	vst v0  }
0xed: {  	v0 =	vld [tilespmem:s11+$0x7810]  }
0xee: {  	v1 =	vld [tilespmem:$0x8190];
	_ =	sdelay $0x4  }
0xef: {  	v0 =	vadd.f32 v1, v0;
	_ =	sdelay $0x1  }
0xf0: {  	[tilespmem:s13+$0x10] =	vst v0  }
0xf1: {  	v0 =	vld [tilespmem:s11+$0x7820]  }
0xf2: {  	v1 =	vld [tilespmem:$0x81A0];
	_ =	sdelay $0x4  }
0xf3: {  	v0 =	vadd.f32 v1, v0;
	_ =	sdelay $0x1  }
0xf4: {  	[tilespmem:s13+$0x20] =	vst v0  }
0xf5: {  	v0 =	vld [tilespmem:s11+$0x7830]  }
0xf6: {  	v1 =	vld [tilespmem:$0x81B0];
	_ =	sdelay $0x4  }
0xf7: {  	v0 =	vadd.f32 v1, v0;
	_ =	sdelay $0x1  }
0xf8: {  	[tilespmem:s13+$0x30] =	vst v0  }
0xf9: {  	v0 =	vld [tilespmem:s11+$0x7840]  }
0xfa: {  	v1 =	vld [tilespmem:$0x81C0];
	_ =	sdelay $0x4  }
0xfb: {  	v0 =	vadd.f32 v1, v0;
	_ =	sdelay $0x1  }
0xfc: {  	[tilespmem:s13+$0x40] =	vst v0  }
0xfd: {  	v0 =	vld [tilespmem:s11+$0x7850]  }
0xfe: {  	v1 =	vld [tilespmem:$0x81D0];
	_ =	sdelay $0x4  }
0xff: {  	v0 =	vadd.f32 v1, v0;
	_ =	sdelay $0x1  }
0x100: {  	[tilespmem:s13+$0x50] =	vst v0  }
0x101: {  	v0 =	vld [tilespmem:s11+$0x7860]  }
0x102: {  	v1 =	vld [tilespmem:$0x81E0];
	_ =	sdelay $0x4  }
0x103: {  	v0 =	vadd.f32 v1, v0;
	_ =	sdelay $0x1  }
0x104: {  	[tilespmem:s13+$0x60] =	vst v0  }
0x105: {  	v0 =	vld [tilespmem:s11+$0x7870]  }
0x106: {  	v1 =	vld [tilespmem:$0x81F0];
	_ =	sdelay $0x4  }
0x107: {  	v0 =	vadd.f32 v1, v0;
	_ =	sdelay $0x1  }
0x108: {  	[tilespmem:s13+$0x70] =	vst v0  }
0x109: {  	v0 =	vld [tilespmem:s11+$0x7800]  }
0x10a: {  	v1 =	vld [tilespmem:$0x8200];
	_ =	sdelay $0x4  }
0x10b: {  	v0 =	vadd.f32 v1, v0;
	_ =	sdelay $0x1  }
0x10c: {  	[tilespmem:s13+$0x80] =	vst v0  }
0x10d: {  	v0 =	vld [tilespmem:s11+$0x7810]  }
0x10e: {  	v1 =	vld [tilespmem:$0x8210];
	_ =	sdelay $0x4  }
0x10f: {  	v0 =	vadd.f32 v1, v0;
	_ =	sdelay $0x1  }
0x110: {  	[tilespmem:s13+$0x90] =	vst v0  }
0x111: {  	v0 =	vld [tilespmem:s11+$0x7820]  }
0x112: {  	v1 =	vld [tilespmem:$0x8220];
	_ =	sdelay $0x4  }
0x113: {  	v0 =	vadd.f32 v1, v0;
	_ =	sdelay $0x1  }
0x114: {  	[tilespmem:s13+$0xA0] =	vst v0  }
0x115: {  	v0 =	vld [tilespmem:s11+$0x7830]  }
0x116: {  	v1 =	vld [tilespmem:$0x8230];
	_ =	sdelay $0x4  }
.Ltmp1:
0x117: {  	v0 =	vadd.f32 v1, v0;
	(pc) =	sbr.rel @p1 .LBB2_3-.Ltmp1, $4  }
0x118: {  	_ = 	snop  }
0x119: {  	[tilespmem:s13+$0xB0] =	vst v0  }
0x11a: {  	v0 =	vld [tilespmem:s11+$0x7840]  }
0x11b: {  	v1 =	vld [tilespmem:$0x8240]  }
0x11c: {  	_ =	sdelay $0x3  }
0x11d: {  	v0 =	vadd.f32 v1, v0;
	_ =	sdelay $0x1  }
0x11e: {  	[tilespmem:s14+$0xC0] =	vst v0  }
0x11f: {  	v0 =	vld [tilespmem:s11+$0x7850]  }
0x120: {  	v61 =	vld [tilespmem:$0x8250];
	_ =	sdelay $0x4  }
0x121: {  	v0 =	vadd.f32 v61, v0;
	_ =	sdelay $0x1  }
0x122: {  	[tilespmem:s14+$0xD0] =	vst v0  }
0x123: {  	v0 =	vld [tilespmem:s11+$0x7860]  }
0x124: {  	v62 =	vld [tilespmem:$0x8260];
	_ =	sdelay $0x4  }
0x125: {  	v0 =	vadd.f32 v62, v0;
	_ =	sdelay $0x1  }
0x126: {  	[tilespmem:s14+$0xE0] =	vst v0  }
0x127: {  	v0 =	vld [tilespmem:s11+$0x7870]  }
0x128: {  	v63 =	vld [tilespmem:$0x8270];
	_ =	sdelay $0x4  }
0x129: {  	v0 =	vadd.f32 v63, v0;
	_ =	sdelay $0x1  }
0x12a: {  	[tilespmem:s14+$0xF0] =	vst v0  }
0x12b: {  	[hbm4b:s7+s8] =	stream.linear.scatter [tilespmem:s21], [sflag:$0x7], $0x2200, $0x38;
	[tilespmem:$0x1E000] =	vst v63  }
0x12c: {  	_ =	swait.ge [sflag:s19], $0x2200  }
0x12d: {  	[sflag:s19] =	ssyncset.done $0x0  }
0x12e: {  	[sflag:s19] =	ssyncadd.s32 $0xFFFFDE00  }
.LBB2_5:
0x12f: {  	s11 =	simm.s32 $0x0;
	s13 =	rddreg [dreg:$0x9]  }
0x130: {  	[tilespmem:s11], [sflag:$0x7] =	stream.linear.gather [hbm4b:s13+s11], $0x2800, $0x38;
	[tilespmem:$0x1E000] =	vst v63  }
0x131: {  	_ =	swait.ge [sflag:s19], $0x2800  }
0x132: {  	[sflag:s19] =	ssyncset.done $0x0  }
0x133: {  	s14 =	simm.s32 $0x2800;
	s16 =	rddreg [dreg:$0xa];
	[sflag:s19] =	ssyncadd.s32 $0xFFFFD800  }
0x134: {  	[tilespmem:s14], [sflag:$0x7] =	stream.linear.gather [hbm4b:s16+s11], $0x2800, $0x38;
	[tilespmem:$0x1E000] =	vst v63  }
0x135: {  	_ =	swait.ge [sflag:s19], $0x2800  }
0x136: {  	[sflag:s19] =	ssyncset.done $0x0  }
0x137: {  	s15 =	simm.s32 $0x5000;
	s17 =	rddreg [dreg:$0xb];
	[sflag:s19] =	ssyncadd.s32 $0xFFFFD800  }
0x138: {  	[tilespmem:s15], [sflag:$0x7] =	stream.linear.gather [hbm4b:s17+s11], $0x2800, $0x38;
	[tilespmem:$0x1E000] =	vst v63  }
0x139: {  	_ =	swait.ge [sflag:s19], $0x2800  }
0x13a: {  	[sflag:s19] =	ssyncset.done $0x0  }
0x13b: {  	[sflag:s19] =	ssyncadd.s32 $0xFFFFD800  }
0x13c: {  	[bflag:$0x0] =	sbarrier.arrive $0xFFFF  }
0x13d: {  	[tilespmem:s18], [sflag:$0x1] =	stream.indirect.gather [hbm4b:s0+s24], $0x80, s11, s24, $0xb8;
	[tilespmem:$0x1E000] =	vst v63  }
0x13e: {  	_ = 	snop  }
0x13f: {  	[tilespmem:s21], [sflag:$0x1] =	stream.indirect.gather [hbm4b:s1+s24], $0x80, s14, s24, $0xb8;
	[tilespmem:$0x1E000] =	vst v63  }
0x140: {  	_ = 	snop  }
0x141: {  	[tilespmem:s25], [sflag:$0x1] =	stream.indirect.gather [hbm4b:s7+s24], $0x80, s15, s24, $0xb8;
	[tilespmem:$0x1E000] =	vst v63  }
.LBB2_6:
0x142: {  	p1 =	seq.s32 s11, $0x0  }
0x143: {  	s15 =	simm.s32 @!p1 $0x5  }
0x144: {  	_ =	swait.ge @!p1 [sflag:s15], $0x2800  }
0x145: {  	[sflag:s15] =	ssyncset.done @!p1 $0x0  }
0x146: {  	s14 =	smul.u32 $0x3, s11;
	[sflag:s15] =	ssyncadd.s32 @!p1 $0xFFFFD800  }
0x147: {  	_ =	swait.ge @!p1 [sflag:s15], $0x2800  }
0x148: {  	s13 =	sadd.s32 $0x1, s14;
	[sflag:s15] =	ssyncset.done @!p1 $0x0  }
0x149: {  	s17 =	sshll.u32 s13, $0x7;
	[sflag:s15] =	ssyncadd.s32 @!p1 $0xFFFFD800  }
0x14a: {  	[tilespmem:s26], [sflag:$0x2] =	stream.indirect.gather [hbm4b:s0+s24], $0x80, s17, s24, $0xb8;
	[tilespmem:$0x1E000] =	vst v63  }
0x14b: {  	s16 =	sadd.s32 $0x2800, s17  }
0x14c: {  	[tilespmem:s28], [sflag:$0x2] =	stream.indirect.gather [hbm4b:s1+s24], $0x80, s16, s24, $0xb8;
	[tilespmem:$0x1E000] =	vst v63  }
0x14d: {  	s15 =	sadd.s32 $0x5000, s17  }
0x14e: {  	[tilespmem:s29], [sflag:$0x2] =	stream.indirect.gather [hbm4b:s7+s24], $0x80, s15, s24, $0xb8;
	[tilespmem:$0x1E000] =	vst v63  }
0x14f: {  	_ =	swait.ge [sflag:s30], $0x2800  }
0x150: {  	[sflag:s30] =	ssyncset.done $0x0  }
0x151: {  	[sflag:s30] =	ssyncadd.s32 $0xFFFFD800  }
0x152: {  	_ =	swait.ge [sflag:s30], $0x2800  }
0x153: {  	[sflag:s30] =	ssyncset.done $0x0  }
0x154: {  	[sflag:s30] =	ssyncadd.s32 $0xFFFFD800  }
0x155: {  	_ =	swait.ge [sflag:s30], $0x2800  }
0x156: {  	[sflag:s30] =	ssyncset.done $0x0  }
0x157: {  	s15 =	simm.s32 $0x0;
	[sflag:s30] =	ssyncadd.s32 $0xFFFFD800  }
0x158: {  	v0 =	vld [tilespmem:s15+$0x79F0]  }
0x159: {  	v1 =	vld [tilespmem:s15+$0x169F0]  }
0x15a: {  	v2 =	vld [tilespmem:s15+$0x7800]  }
0x15b: {  	v3 =	vld [tilespmem:s15+$0x16800]  }
0x15c: {  	v4 =	vld [tilespmem:s15+$0x7810]  }
0x15d: {  	v5 =	vld [tilespmem:s15+$0x16810]  }
0x15e: {  	v6 =	vld [tilespmem:s15+$0x7820]  }
0x15f: {  	v7 =	vld [tilespmem:s15+$0x16830]  }
0x160: {  	v8 =	vld [tilespmem:s15+$0x7840]  }
0x161: {  	v9 =	vld [tilespmem:s15+$0x16840]  }
0x162: {  	v10 =	vld [tilespmem:s15+$0x7850]  }
0x163: {  	v11 =	vld [tilespmem:s15+$0x16850]  }
0x164: {  	v12 =	vld [tilespmem:s15+$0x7860]  }
0x165: {  	v13 =	vld [tilespmem:s15+$0x16860]  }
0x166: {  	v14 =	vld [tilespmem:s15+$0x7870]  }
0x167: {  	v15 =	vld [tilespmem:s15+$0x16870]  }
0x168: {  	v16 =	vld [tilespmem:s15+$0x7880]  }
0x169: {  	v17 =	vld [tilespmem:s15+$0x16880]  }
0x16a: {  	v18 =	vld [tilespmem:s15+$0x7890]  }
0x16b: {  	v19 =	vld [tilespmem:s15+$0x16890]  }
0x16c: {  	v20 =	vld [tilespmem:s15+$0x78A0]  }
0x16d: {  	v21 =	vld [tilespmem:s15+$0x168A0]  }
0x16e: {  	v22 =	vld [tilespmem:s15+$0x78B0]  }
0x16f: {  	v23 =	vld [tilespmem:s15+$0x168B0]  }
0x170: {  	v24 =	vld [tilespmem:s15+$0x78C0]  }
0x171: {  	v25 =	vld [tilespmem:s15+$0x168C0]  }
0x172: {  	v26 =	vld [tilespmem:s15+$0x78D0]  }
0x173: {  	v27 =	vld [tilespmem:s15+$0x168D0]  }
0x174: {  	v28 =	vld [tilespmem:s15+$0x78E0]  }
0x175: {  	v29 =	vld [tilespmem:s15+$0x168E0]  }
0x176: {  	v30 =	vld [tilespmem:s15+$0x78F0]  }
0x177: {  	v31 =	vld [tilespmem:s15+$0x168F0]  }
0x178: {  	v32 =	vld [tilespmem:s15+$0x7900]  }
0x179: {  	v33 =	vld [tilespmem:s15+$0x16900]  }
0x17a: {  	v34 =	vld [tilespmem:s15+$0x7910]  }
0x17b: {  	v35 =	vld [tilespmem:s15+$0x16910]  }
0x17c: {  	v36 =	vld [tilespmem:s15+$0x7920]  }
0x17d: {  	v37 =	vld [tilespmem:s15+$0x16920]  }
0x17e: {  	v38 =	vld [tilespmem:s15+$0x7930]  }
0x17f: {  	v39 =	vld [tilespmem:s15+$0x16930]  }
0x180: {  	v40 =	vld [tilespmem:s15+$0x7940]  }
0x181: {  	v41 =	vld [tilespmem:s15+$0x16940]  }
0x182: {  	v42 =	vld [tilespmem:s15+$0x7950]  }
0x183: {  	v43 =	vld [tilespmem:s15+$0x16950]  }
0x184: {  	v44 =	vld [tilespmem:s15+$0x7960]  }
0x185: {  	v45 =	vld [tilespmem:s15+$0x7970]  }
0x186: {  	v47 =	vld [tilespmem:s15+$0x79C0]  }
0x187: {  	v49 =	vld [tilespmem:s15+$0x169C0]  }
0x188: {  	v51 =	vld [tilespmem:s15+$0x79D0]  }
0x189: {  	v52 =	vld [tilespmem:s15+$0x169D0]  }
0x18a: {  	v54 =	vld [tilespmem:s15+$0x79E0]  }
0x18b: {  	v56 =	vld [tilespmem:s15+$0x169E0]  }
0x18c: {  	v0 =	vadd.f32 v1, v0;
	v1 =	vld [tilespmem:s15+$0x16820]  }
0x18d: {  	v2 =	vadd.f32 v3, v2;
	v3 =	vld [tilespmem:s15+$0x16960]  }
0x18e: {  	v4 =	vadd.f32 v5, v4;
	v5 =	vld [tilespmem:s15+$0x16990]  }
0x18f: {  	v9 =	vadd.f32 v9, v8;
	v8 =	vld [tilespmem:s15+$0x79B0]  }
0x190: {  	[tilespmem:s15+$0xF1F0] =	vst.add.f32.msk $0xffff, v0  }
0x191: {  	v0 =	vld [tilespmem:s15+$0x7830]  }
0x192: {  	[tilespmem:s15+$0xF000] =	vst.add.f32.msk $0xffff, v2  }
0x193: {  	v2 =	vld [tilespmem:s15+$0x16970]  }
0x194: {  	[tilespmem:s15+$0xF010] =	vst.add.f32.msk $0xffff, v4  }
0x195: {  	v11 =	vadd.f32 v11, v10;
	v4 =	vld [tilespmem:s15+$0x7980]  }
0x196: {  	v13 =	vadd.f32 v13, v12;
	[tilespmem:s15+$0xF040] =	vst.add.f32.msk $0xffff, v9  }
0x197: {  	v15 =	vadd.f32 v15, v14;
	[tilespmem:s15+$0xF050] =	vst.add.f32.msk $0xffff, v11  }
0x198: {  	v17 =	vadd.f32 v17, v16;
	[tilespmem:s15+$0xF060] =	vst.add.f32.msk $0xffff, v13  }
0x199: {  	[tilespmem:s15+$0xF070] =	vst.add.f32.msk $0xffff, v15  }
0x19a: {  	v19 =	vadd.f32 v19, v18;
	[tilespmem:s15+$0xF080] =	vst.add.f32.msk $0xffff, v17  }
0x19b: {  	v46 =	vadd.f32 v21, v20;
	v9 =	vld [tilespmem:s15+$0x169B0]  }
0x19c: {  	v48 =	vadd.f32 v23, v22;
	[tilespmem:s15+$0xF090] =	vst.add.f32.msk $0xffff, v19  }
0x19d: {  	v50 =	vadd.f32 v25, v24;
	[tilespmem:s15+$0xF0A0] =	vst.add.f32.msk $0xffff, v46  }
0x19e: {  	v53 =	vadd.f32 v27, v26;
	[tilespmem:s15+$0xF0B0] =	vst.add.f32.msk $0xffff, v48  }
0x19f: {  	v55 =	vadd.f32 v29, v28;
	[tilespmem:s15+$0xF0C0] =	vst.add.f32.msk $0xffff, v50  }
0x1a0: {  	v57 =	vadd.f32 v31, v30;
	[tilespmem:s15+$0xF0D0] =	vst.add.f32.msk $0xffff, v53  }
0x1a1: {  	v58 =	vadd.f32 v33, v32;
	[tilespmem:s15+$0xF0E0] =	vst.add.f32.msk $0xffff, v55  }
0x1a2: {  	v59 =	vadd.f32 v35, v34;
	[tilespmem:s15+$0xF0F0] =	vst.add.f32.msk $0xffff, v57  }
0x1a3: {  	v60 =	vadd.f32 v37, v36;
	[tilespmem:s15+$0xF100] =	vst.add.f32.msk $0xffff, v58  }
0x1a4: {  	v61 =	vadd.f32 v39, v38;
	[tilespmem:s15+$0xF110] =	vst.add.f32.msk $0xffff, v59  }
0x1a5: {  	[tilespmem:s15+$0xF120] =	vst.add.f32.msk $0xffff, v60  }
0x1a6: {  	[tilespmem:s15+$0xF130] =	vst.add.f32.msk $0xffff, v61;
	v1 =	vadd.f32 v1, v6  }
0x1a7: {  	v6 =	vld [tilespmem:s15+$0x79A0]  }
0x1a8: {  	[tilespmem:s15+$0xF020] =	vst.add.f32.msk $0xffff, v1  }
0x1a9: {  	v0 =	vadd.f32 v7, v0;
	v1 =	vld [tilespmem:s15+$0x16980]  }
0x1aa: {  	v7 =	vld [tilespmem:s15+$0x169A0]  }
0x1ab: {  	v62 =	vadd.f32 v41, v40;
	[tilespmem:s15+$0xF030] =	vst.add.f32.msk $0xffff, v0  }
0x1ac: {  	v63 =	vadd.f32 v43, v42;
	v0 =	vld [tilespmem:s15+$0x7990]  }
0x1ad: {  	[tilespmem:s15+$0xF140] =	vst.add.f32.msk $0xffff, v62;
	v3 =	vadd.f32 v3, v44  }
0x1ae: {  	[tilespmem:s15+$0xF150] =	vst.add.f32.msk $0xffff, v63;
	v2 =	vadd.f32 v2, v45  }
0x1af: {  	[tilespmem:s15+$0xF160] =	vst.add.f32.msk $0xffff, v3;
	v1 =	vadd.f32 v1, v4  }
0x1b0: {  	[tilespmem:s15+$0xF170] =	vst.add.f32.msk $0xffff, v2;
	v2 =	vadd.f32 v7, v6  }
0x1b1: {  	v0 =	vadd.f32 v5, v0;
	[tilespmem:s15+$0xF180] =	vst.add.f32.msk $0xffff, v1  }
0x1b2: {  	v1 =	vadd.f32 v9, v8;
	[tilespmem:s15+$0xF1A0] =	vst.add.f32.msk $0xffff, v2  }
0x1b3: {  	[tilespmem:s15+$0xF190] =	vst.add.f32.msk $0xffff, v0;
	v0 =	vadd.f32 v49, v47  }
0x1b4: {  	v2 =	vadd.f32 v52, v51;
	[tilespmem:s15+$0xF1B0] =	vst.add.f32.msk $0xffff, v1  }
0x1b5: {  	[tilespmem:s15+$0xF1C0] =	vst.add.f32.msk $0xffff, v0;
	v0 =	vadd.f32 v56, v54  }
0x1b6: {  	s17 =	simm.s32 $0x800;
	s16 =	simm.s32 $0x0;
	[tilespmem:s15+$0xF1D0] =	vst.add.f32.msk $0xffff, v2  }
.LBB2_7:
0x1b7: {  	[tilespmem:s15+$0xF1E0] =	vst.add.f32.msk $0xffff, v0;
	s15 =	sshra.s32 s17, $0x2  }
0x1b8: {  	s16 =	sadd.s32 $0x4, s16;
	v0 =	vld [tilespmem:s15+$0x79F0]  }
0x1b9: {  	p2 =	slt.u32 s16, $0x4C;
	v1 =	vld [tilespmem:s15+$0x169F0]  }
0x1ba: {  	v2 =	vld [tilespmem:s15+$0x7800]  }
0x1bb: {  	v3 =	vld [tilespmem:s15+$0x16800]  }
0x1bc: {  	v4 =	vld [tilespmem:s15+$0x7810]  }
0x1bd: {  	v5 =	vld [tilespmem:s15+$0x16810]  }
0x1be: {  	v6 =	vld [tilespmem:s15+$0x7820];
	v1 =	vadd.f32 v1, v0  }
0x1bf: {  	v7 =	vld [tilespmem:s15+$0x16820]  }
0x1c0: {  	v0 =	vadd.f32 v3, v2;
	[tilespmem:s15+$0xF1F0] =	vst.add.f32.msk $0xffff, v1  }
0x1c1: {  	v3 =	vld [tilespmem:s15+$0x7830]  }
0x1c2: {  	v1 =	vadd.f32 v5, v4;
	v4 =	vld [tilespmem:s15+$0x16830]  }
0x1c3: {  	v5 =	vld [tilespmem:s15+$0x7840]  }
0x1c4: {  	v2 =	vadd.f32 v7, v6;
	v6 =	vld [tilespmem:s15+$0x16840]  }
0x1c5: {  	v7 =	vld [tilespmem:s15+$0x7850]  }
0x1c6: {  	v8 =	vld [tilespmem:s15+$0x16850]  }
0x1c7: {  	v3 =	vadd.f32 v4, v3;
	v9 =	vld [tilespmem:s15+$0x7860]  }
0x1c8: {  	v10 =	vld [tilespmem:s15+$0x16860]  }
0x1c9: {  	v4 =	vadd.f32 v6, v5;
	v5 =	vld [tilespmem:s15+$0x7870]  }
0x1ca: {  	v6 =	vld [tilespmem:s15+$0x16870]  }
0x1cb: {  	v7 =	vadd.f32 v8, v7;
	v8 =	vld [tilespmem:s15+$0x7880]  }
0x1cc: {  	v11 =	vld [tilespmem:s15+$0x16880]  }
0x1cd: {  	v9 =	vadd.f32 v10, v9;
	v10 =	vld [tilespmem:s15+$0x7890]  }
0x1ce: {  	v12 =	vld [tilespmem:s15+$0x16890]  }
0x1cf: {  	v5 =	vadd.f32 v6, v5;
	v6 =	vld [tilespmem:s15+$0x78A0]  }
0x1d0: {  	v13 =	vld [tilespmem:s15+$0x168A0]  }
0x1d1: {  	v8 =	vadd.f32 v11, v8;
	v11 =	vld [tilespmem:s15+$0x78B0]  }
0x1d2: {  	v14 =	vld [tilespmem:s15+$0x168B0]  }
0x1d3: {  	v10 =	vadd.f32 v12, v10;
	v12 =	vld [tilespmem:s15+$0x78C0]  }
0x1d4: {  	v15 =	vld [tilespmem:s15+$0x168C0]  }
0x1d5: {  	v6 =	vadd.f32 v13, v6;
	v13 =	vld [tilespmem:s15+$0x78D0]  }
0x1d6: {  	v16 =	vld [tilespmem:s15+$0x168D0]  }
0x1d7: {  	v11 =	vadd.f32 v14, v11;
	v14 =	vld [tilespmem:s15+$0x78E0]  }
0x1d8: {  	v17 =	vld [tilespmem:s15+$0x168E0]  }
0x1d9: {  	v12 =	vadd.f32 v15, v12;
	v15 =	vld [tilespmem:s15+$0x78F0]  }
0x1da: {  	v18 =	vld [tilespmem:s15+$0x168F0]  }
0x1db: {  	v13 =	vadd.f32 v16, v13;
	v16 =	vld [tilespmem:s15+$0x7900]  }
0x1dc: {  	v19 =	vld [tilespmem:s15+$0x16900]  }
0x1dd: {  	v14 =	vadd.f32 v17, v14;
	v17 =	vld [tilespmem:s15+$0x7910]  }
0x1de: {  	v20 =	vld [tilespmem:s15+$0x16910]  }
0x1df: {  	v15 =	vadd.f32 v18, v15;
	v18 =	vld [tilespmem:s15+$0x7920]  }
0x1e0: {  	v21 =	vld [tilespmem:s15+$0x16920]  }
0x1e1: {  	v16 =	vadd.f32 v19, v16;
	v19 =	vld [tilespmem:s15+$0x7930]  }
0x1e2: {  	v22 =	vld [tilespmem:s15+$0x16930]  }
0x1e3: {  	v17 =	vadd.f32 v20, v17;
	v20 =	vld [tilespmem:s15+$0x7940]  }
0x1e4: {  	v23 =	vld [tilespmem:s15+$0x16940]  }
0x1e5: {  	v18 =	vadd.f32 v21, v18;
	v21 =	vld [tilespmem:s15+$0x7950]  }
0x1e6: {  	v24 =	vld [tilespmem:s15+$0x16950]  }
0x1e7: {  	v19 =	vadd.f32 v22, v19;
	v22 =	vld [tilespmem:s15+$0x7960]  }
0x1e8: {  	v25 =	vld [tilespmem:s15+$0x16960]  }
0x1e9: {  	v20 =	vadd.f32 v23, v20;
	v23 =	vld [tilespmem:s15+$0x7970]  }
0x1ea: {  	v26 =	vld [tilespmem:s15+$0x16970]  }
0x1eb: {  	v21 =	vadd.f32 v24, v21;
	v24 =	vld [tilespmem:s15+$0x7980]  }
0x1ec: {  	v27 =	vld [tilespmem:s15+$0x16980]  }
0x1ed: {  	v22 =	vadd.f32 v25, v22;
	v25 =	vld [tilespmem:s15+$0x7990]  }
0x1ee: {  	v28 =	vld [tilespmem:s15+$0x16990]  }
0x1ef: {  	v23 =	vadd.f32 v26, v23;
	v26 =	vld [tilespmem:s15+$0x79A0]  }
0x1f0: {  	v29 =	vld [tilespmem:s15+$0x169A0]  }
0x1f1: {  	v24 =	vadd.f32 v27, v24;
	v27 =	vld [tilespmem:s15+$0x79B0]  }
0x1f2: {  	v30 =	vld [tilespmem:s15+$0x169B0]  }
0x1f3: {  	v25 =	vadd.f32 v28, v25;
	v28 =	vld [tilespmem:s15+$0x79C0]  }
0x1f4: {  	v31 =	vld [tilespmem:s15+$0x169C0]  }
0x1f5: {  	v26 =	vadd.f32 v29, v26;
	v29 =	vld [tilespmem:s15+$0x79D0]  }
0x1f6: {  	v32 =	vld [tilespmem:s15+$0x169D0]  }
0x1f7: {  	v27 =	vadd.f32 v30, v27;
	v30 =	vld [tilespmem:s15+$0x79E0]  }
0x1f8: {  	v33 =	vld [tilespmem:s15+$0x169E0]  }
0x1f9: {  	[tilespmem:s15+$0xF000] =	vst.add.f32.msk $0xffff, v0;
	v28 =	vadd.f32 v31, v28  }
0x1fa: {  	[tilespmem:s15+$0xF010] =	vst.add.f32.msk $0xffff, v1  }
0x1fb: {  	[tilespmem:s15+$0xF020] =	vst.add.f32.msk $0xffff, v2;
	v1 =	vadd.f32 v32, v29  }
0x1fc: {  	[tilespmem:s15+$0xF030] =	vst.add.f32.msk $0xffff, v3  }
0x1fd: {  	[tilespmem:s15+$0xF040] =	vst.add.f32.msk $0xffff, v4;
	v0 =	vadd.f32 v33, v30  }
0x1fe: {  	[tilespmem:s15+$0xF050] =	vst.add.f32.msk $0xffff, v7  }
0x1ff: {  	[tilespmem:s15+$0xF060] =	vst.add.f32.msk $0xffff, v9  }
0x200: {  	[tilespmem:s15+$0xF070] =	vst.add.f32.msk $0xffff, v5  }
0x201: {  	[tilespmem:s15+$0xF080] =	vst.add.f32.msk $0xffff, v8  }
0x202: {  	[tilespmem:s15+$0xF090] =	vst.add.f32.msk $0xffff, v10  }
0x203: {  	[tilespmem:s15+$0xF0A0] =	vst.add.f32.msk $0xffff, v6  }
0x204: {  	[tilespmem:s15+$0xF0B0] =	vst.add.f32.msk $0xffff, v11  }
0x205: {  	[tilespmem:s15+$0xF0C0] =	vst.add.f32.msk $0xffff, v12  }
0x206: {  	[tilespmem:s15+$0xF0D0] =	vst.add.f32.msk $0xffff, v13  }
0x207: {  	[tilespmem:s15+$0xF0E0] =	vst.add.f32.msk $0xffff, v14  }
0x208: {  	[tilespmem:s15+$0xF0F0] =	vst.add.f32.msk $0xffff, v15  }
0x209: {  	[tilespmem:s15+$0xF100] =	vst.add.f32.msk $0xffff, v16  }
0x20a: {  	[tilespmem:s15+$0xF110] =	vst.add.f32.msk $0xffff, v17  }
0x20b: {  	[tilespmem:s15+$0xF120] =	vst.add.f32.msk $0xffff, v18  }
0x20c: {  	[tilespmem:s15+$0xF130] =	vst.add.f32.msk $0xffff, v19  }
0x20d: {  	[tilespmem:s15+$0xF140] =	vst.add.f32.msk $0xffff, v20  }
0x20e: {  	[tilespmem:s15+$0xF150] =	vst.add.f32.msk $0xffff, v21  }
0x20f: {  	[tilespmem:s15+$0xF160] =	vst.add.f32.msk $0xffff, v22  }
0x210: {  	[tilespmem:s15+$0xF170] =	vst.add.f32.msk $0xffff, v23  }
0x211: {  	[tilespmem:s15+$0xF180] =	vst.add.f32.msk $0xffff, v24  }
.Ltmp2:
0x212: {  	[tilespmem:s15+$0xF190] =	vst.add.f32.msk $0xffff, v25;
	(pc) =	sbr.rel @p2 .LBB2_7-.Ltmp2, $4  }
0x213: {  	[tilespmem:s15+$0xF1A0] =	vst.add.f32.msk $0xffff, v26  }
0x214: {  	[tilespmem:s15+$0xF1B0] =	vst.add.f32.msk $0xffff, v27  }
0x215: {  	[tilespmem:s15+$0xF1C0] =	vst.add.f32.msk $0xffff, v28  }
0x216: {  	s17 =	sadd.s32 $0x800, s17;
	[tilespmem:s15+$0xF1D0] =	vst.add.f32.msk $0xffff, v1  }
0x217: {  	s16 =	smul.u32 $0xF0, s11;
	_ =	sdelay $0x1  }
0x218: {  	s16 =	sadd.s32 s12, s16  }
0x219: {  	s16 =	sshll.u32 s16, $0x4  }
0x21a: {  	[tilespmem:s15+$0xF1E0] =	vst.add.f32.msk $0xffff, v0;
	s17 =	sadd.s32 s6, s16  }
0x21b: {  	[hbm4b:s17+s8] =	stream.linear.scatter [tilespmem:s18], [sflag:$0x4], $0x2800, $0x38;
	[tilespmem:$0x1E000] =	vst v63  }
0x21c: {  	s15 =	simm.s32 @!p1 $0x6;
	s16 =	sadd.s32 s4, s16  }
0x21d: {  	[hbm4b:s16+s8] =	stream.linear.scatter [tilespmem:s21], [sflag:$0x4], $0x2800, $0x38;
	[tilespmem:$0x1E000] =	vst v63  }
0x21e: {  	_ =	swait.ge @!p1 [sflag:s15], $0x2800  }
0x21f: {  	[sflag:s15] =	ssyncset.done @!p1 $0x0  }
0x220: {  	[sflag:s15] =	ssyncadd.s32 @!p1 $0xFFFFD800  }
0x221: {  	_ =	swait.ge @!p1 [sflag:s15], $0x2800  }
0x222: {  	s14 =	sadd.s32 $0x2, s14;
	[sflag:s15] =	ssyncset.done @!p1 $0x0  }
0x223: {  	[sflag:s15] =	ssyncadd.s32 @!p1 $0xFFFFD800;
	s15 =	sshll.u32 s14, $0x7  }
0x224: {  	[tilespmem:s31], [sflag:$0x3] =	stream.indirect.gather [hbm4b:s0+s24], $0x80, s15, s24, $0xb8;
	[tilespmem:$0x1E000] =	vst v63  }
0x225: {  	s17 =	sadd.s32 $0x2800, s15  }
0x226: {  	[tilespmem:s5], [sflag:$0x3] =	stream.indirect.gather [hbm4b:s1+s24], $0x80, s17, s24, $0xb8;
	[tilespmem:$0x1E000] =	vst v63  }
0x227: {  	s15 =	sadd.s32 $0x5000, s15  }
0x228: {  	[tilespmem:s2], [sflag:$0x3] =	stream.indirect.gather [hbm4b:s7+s24], $0x80, s15, s24, $0xb8;
	[tilespmem:$0x1E000] =	vst v63  }
0x229: {  	_ =	swait.ge [sflag:s3], $0x2800  }
0x22a: {  	[sflag:s3] =	ssyncset.done $0x0  }
0x22b: {  	[sflag:s3] =	ssyncadd.s32 $0xFFFFD800  }
0x22c: {  	_ =	swait.ge [sflag:s3], $0x2800  }
0x22d: {  	[sflag:s3] =	ssyncset.done $0x0  }
0x22e: {  	[sflag:s3] =	ssyncadd.s32 $0xFFFFD800  }
0x22f: {  	_ =	swait.ge [sflag:s3], $0x2800  }
0x230: {  	[sflag:s3] =	ssyncset.done $0x0  }
0x231: {  	s15 =	simm.s32 $0x0;
	[sflag:s3] =	ssyncadd.s32 $0xFFFFD800  }
0x232: {  	v0 =	vld [tilespmem:s15+$0xA1F0]  }
0x233: {  	v1 =	vld [tilespmem:s15+$0x191F0]  }
0x234: {  	v2 =	vld [tilespmem:s15+$0xA000]  }
0x235: {  	v3 =	vld [tilespmem:s15+$0x19000]  }
0x236: {  	v4 =	vld [tilespmem:s15+$0xA010]  }
0x237: {  	v5 =	vld [tilespmem:s15+$0x19010]  }
0x238: {  	v6 =	vld [tilespmem:s15+$0xA020]  }
0x239: {  	v7 =	vld [tilespmem:s15+$0x19030]  }
0x23a: {  	v8 =	vld [tilespmem:s15+$0xA040]  }
0x23b: {  	v9 =	vld [tilespmem:s15+$0x19040]  }
0x23c: {  	v10 =	vld [tilespmem:s15+$0xA050]  }
0x23d: {  	v11 =	vld [tilespmem:s15+$0x19050]  }
0x23e: {  	v12 =	vld [tilespmem:s15+$0xA060]  }
0x23f: {  	v13 =	vld [tilespmem:s15+$0x19060]  }
0x240: {  	v14 =	vld [tilespmem:s15+$0xA070]  }
0x241: {  	v15 =	vld [tilespmem:s15+$0x19070]  }
0x242: {  	v16 =	vld [tilespmem:s15+$0xA080]  }
0x243: {  	v17 =	vld [tilespmem:s15+$0x19080]  }
0x244: {  	v18 =	vld [tilespmem:s15+$0xA090]  }
0x245: {  	v19 =	vld [tilespmem:s15+$0x19090]  }
0x246: {  	v20 =	vld [tilespmem:s15+$0xA0A0]  }
0x247: {  	v21 =	vld [tilespmem:s15+$0x190A0]  }
0x248: {  	v22 =	vld [tilespmem:s15+$0xA0B0]  }
0x249: {  	v23 =	vld [tilespmem:s15+$0x190B0]  }
0x24a: {  	v24 =	vld [tilespmem:s15+$0xA0C0]  }
0x24b: {  	v25 =	vld [tilespmem:s15+$0x190C0]  }
0x24c: {  	v26 =	vld [tilespmem:s15+$0xA0D0]  }
0x24d: {  	v27 =	vld [tilespmem:s15+$0x190D0]  }
0x24e: {  	v28 =	vld [tilespmem:s15+$0xA0E0]  }
0x24f: {  	v29 =	vld [tilespmem:s15+$0x190E0]  }
0x250: {  	v30 =	vld [tilespmem:s15+$0xA0F0]  }
0x251: {  	v31 =	vld [tilespmem:s15+$0x190F0]  }
0x252: {  	v32 =	vld [tilespmem:s15+$0xA100]  }
0x253: {  	v33 =	vld [tilespmem:s15+$0x19100]  }
0x254: {  	v34 =	vld [tilespmem:s15+$0xA110]  }
0x255: {  	v35 =	vld [tilespmem:s15+$0x19110]  }
0x256: {  	v36 =	vld [tilespmem:s15+$0xA120]  }
0x257: {  	v37 =	vld [tilespmem:s15+$0x19120]  }
0x258: {  	v38 =	vld [tilespmem:s15+$0xA130]  }
0x259: {  	v39 =	vld [tilespmem:s15+$0x19130]  }
0x25a: {  	v40 =	vld [tilespmem:s15+$0xA140]  }
0x25b: {  	v41 =	vld [tilespmem:s15+$0x19140]  }
0x25c: {  	v42 =	vld [tilespmem:s15+$0xA150]  }
0x25d: {  	v43 =	vld [tilespmem:s15+$0x19150]  }
0x25e: {  	v44 =	vld [tilespmem:s15+$0xA160]  }
0x25f: {  	v45 =	vld [tilespmem:s15+$0xA170]  }
0x260: {  	v47 =	vld [tilespmem:s15+$0xA1C0]  }
0x261: {  	v49 =	vld [tilespmem:s15+$0x191C0]  }
0x262: {  	v51 =	vld [tilespmem:s15+$0xA1D0]  }
0x263: {  	v52 =	vld [tilespmem:s15+$0x191D0]  }
0x264: {  	v54 =	vld [tilespmem:s15+$0xA1E0]  }
0x265: {  	v56 =	vld [tilespmem:s15+$0x191E0]  }
0x266: {  	v0 =	vadd.f32 v1, v0;
	v1 =	vld [tilespmem:s15+$0x19020]  }
0x267: {  	v2 =	vadd.f32 v3, v2;
	v3 =	vld [tilespmem:s15+$0x19160]  }
0x268: {  	v4 =	vadd.f32 v5, v4;
	v5 =	vld [tilespmem:s15+$0x19190]  }
0x269: {  	v9 =	vadd.f32 v9, v8;
	v8 =	vld [tilespmem:s15+$0xA1B0]  }
0x26a: {  	[tilespmem:s15+$0x119F0] =	vst.add.f32.msk $0xffff, v0  }
0x26b: {  	v0 =	vld [tilespmem:s15+$0xA030]  }
0x26c: {  	[tilespmem:s15+$0x11800] =	vst.add.f32.msk $0xffff, v2  }
0x26d: {  	v2 =	vld [tilespmem:s15+$0x19170]  }
0x26e: {  	[tilespmem:s15+$0x11810] =	vst.add.f32.msk $0xffff, v4  }
0x26f: {  	v11 =	vadd.f32 v11, v10;
	v4 =	vld [tilespmem:s15+$0xA180]  }
0x270: {  	v13 =	vadd.f32 v13, v12;
	[tilespmem:s15+$0x11840] =	vst.add.f32.msk $0xffff, v9  }
0x271: {  	v15 =	vadd.f32 v15, v14;
	[tilespmem:s15+$0x11850] =	vst.add.f32.msk $0xffff, v11  }
0x272: {  	v17 =	vadd.f32 v17, v16;
	[tilespmem:s15+$0x11860] =	vst.add.f32.msk $0xffff, v13  }
0x273: {  	[tilespmem:s15+$0x11870] =	vst.add.f32.msk $0xffff, v15  }
0x274: {  	v19 =	vadd.f32 v19, v18;
	[tilespmem:s15+$0x11880] =	vst.add.f32.msk $0xffff, v17  }
0x275: {  	v46 =	vadd.f32 v21, v20;
	v9 =	vld [tilespmem:s15+$0x191B0]  }
0x276: {  	v48 =	vadd.f32 v23, v22;
	[tilespmem:s15+$0x11890] =	vst.add.f32.msk $0xffff, v19  }
0x277: {  	v50 =	vadd.f32 v25, v24;
	[tilespmem:s15+$0x118A0] =	vst.add.f32.msk $0xffff, v46  }
0x278: {  	v53 =	vadd.f32 v27, v26;
	[tilespmem:s15+$0x118B0] =	vst.add.f32.msk $0xffff, v48  }
0x279: {  	v55 =	vadd.f32 v29, v28;
	[tilespmem:s15+$0x118C0] =	vst.add.f32.msk $0xffff, v50  }
0x27a: {  	v57 =	vadd.f32 v31, v30;
	[tilespmem:s15+$0x118D0] =	vst.add.f32.msk $0xffff, v53  }
0x27b: {  	v58 =	vadd.f32 v33, v32;
	[tilespmem:s15+$0x118E0] =	vst.add.f32.msk $0xffff, v55  }
0x27c: {  	v59 =	vadd.f32 v35, v34;
	[tilespmem:s15+$0x118F0] =	vst.add.f32.msk $0xffff, v57  }
0x27d: {  	v60 =	vadd.f32 v37, v36;
	[tilespmem:s15+$0x11900] =	vst.add.f32.msk $0xffff, v58  }
0x27e: {  	v61 =	vadd.f32 v39, v38;
	[tilespmem:s15+$0x11910] =	vst.add.f32.msk $0xffff, v59  }
0x27f: {  	[tilespmem:s15+$0x11920] =	vst.add.f32.msk $0xffff, v60  }
0x280: {  	[tilespmem:s15+$0x11930] =	vst.add.f32.msk $0xffff, v61;
	v1 =	vadd.f32 v1, v6  }
0x281: {  	v6 =	vld [tilespmem:s15+$0xA1A0]  }
0x282: {  	[tilespmem:s15+$0x11820] =	vst.add.f32.msk $0xffff, v1  }
0x283: {  	v0 =	vadd.f32 v7, v0;
	v1 =	vld [tilespmem:s15+$0x19180]  }
0x284: {  	v7 =	vld [tilespmem:s15+$0x191A0]  }
0x285: {  	v62 =	vadd.f32 v41, v40;
	[tilespmem:s15+$0x11830] =	vst.add.f32.msk $0xffff, v0  }
0x286: {  	v63 =	vadd.f32 v43, v42;
	v0 =	vld [tilespmem:s15+$0xA190]  }
0x287: {  	[tilespmem:s15+$0x11940] =	vst.add.f32.msk $0xffff, v62;
	v3 =	vadd.f32 v3, v44  }
0x288: {  	[tilespmem:s15+$0x11950] =	vst.add.f32.msk $0xffff, v63;
	v2 =	vadd.f32 v2, v45  }
0x289: {  	[tilespmem:s15+$0x11960] =	vst.add.f32.msk $0xffff, v3;
	v1 =	vadd.f32 v1, v4  }
0x28a: {  	[tilespmem:s15+$0x11970] =	vst.add.f32.msk $0xffff, v2;
	v2 =	vadd.f32 v7, v6  }
0x28b: {  	v0 =	vadd.f32 v5, v0;
	[tilespmem:s15+$0x11980] =	vst.add.f32.msk $0xffff, v1  }
0x28c: {  	v1 =	vadd.f32 v9, v8;
	[tilespmem:s15+$0x119A0] =	vst.add.f32.msk $0xffff, v2  }
0x28d: {  	[tilespmem:s15+$0x11990] =	vst.add.f32.msk $0xffff, v0;
	v0 =	vadd.f32 v49, v47  }
0x28e: {  	v2 =	vadd.f32 v52, v51;
	[tilespmem:s15+$0x119B0] =	vst.add.f32.msk $0xffff, v1  }
0x28f: {  	[tilespmem:s15+$0x119C0] =	vst.add.f32.msk $0xffff, v0;
	v0 =	vadd.f32 v56, v54  }
0x290: {  	s16 =	simm.s32 $0x0;
	s17 =	simm.s32 $0x800;
	[tilespmem:s15+$0x119D0] =	vst.add.f32.msk $0xffff, v2  }
.LBB2_9:
0x291: {  	[tilespmem:s15+$0x119E0] =	vst.add.f32.msk $0xffff, v0;
	s15 =	sshra.s32 s17, $0x2  }
0x292: {  	s16 =	sadd.s32 $0x4, s16;
	v0 =	vld [tilespmem:s15+$0xA1F0]  }
0x293: {  	p1 =	slt.u32 s16, $0x4C;
	v1 =	vld [tilespmem:s15+$0x191F0]  }
0x294: {  	v2 =	vld [tilespmem:s15+$0xA000]  }
0x295: {  	v3 =	vld [tilespmem:s15+$0x19000]  }
0x296: {  	v4 =	vld [tilespmem:s15+$0xA010]  }
0x297: {  	v5 =	vld [tilespmem:s15+$0x19010]  }
0x298: {  	v6 =	vld [tilespmem:s15+$0xA020];
	v1 =	vadd.f32 v1, v0  }
0x299: {  	v7 =	vld [tilespmem:s15+$0x19020]  }
0x29a: {  	v0 =	vadd.f32 v3, v2;
	[tilespmem:s15+$0x119F0] =	vst.add.f32.msk $0xffff, v1  }
0x29b: {  	v3 =	vld [tilespmem:s15+$0xA030]  }
0x29c: {  	v1 =	vadd.f32 v5, v4;
	v4 =	vld [tilespmem:s15+$0x19030]  }
0x29d: {  	v5 =	vld [tilespmem:s15+$0xA040]  }
0x29e: {  	v2 =	vadd.f32 v7, v6;
	v6 =	vld [tilespmem:s15+$0x19040]  }
0x29f: {  	v7 =	vld [tilespmem:s15+$0xA050]  }
0x2a0: {  	v8 =	vld [tilespmem:s15+$0x19050]  }
0x2a1: {  	v3 =	vadd.f32 v4, v3;
	v9 =	vld [tilespmem:s15+$0xA060]  }
0x2a2: {  	v10 =	vld [tilespmem:s15+$0x19060]  }
0x2a3: {  	v4 =	vadd.f32 v6, v5;
	v5 =	vld [tilespmem:s15+$0xA070]  }
0x2a4: {  	v6 =	vld [tilespmem:s15+$0x19070]  }
0x2a5: {  	v7 =	vadd.f32 v8, v7;
	v8 =	vld [tilespmem:s15+$0xA080]  }
0x2a6: {  	v11 =	vld [tilespmem:s15+$0x19080]  }
0x2a7: {  	v9 =	vadd.f32 v10, v9;
	v10 =	vld [tilespmem:s15+$0xA090]  }
0x2a8: {  	v12 =	vld [tilespmem:s15+$0x19090]  }
0x2a9: {  	v5 =	vadd.f32 v6, v5;
	v6 =	vld [tilespmem:s15+$0xA0A0]  }
0x2aa: {  	v13 =	vld [tilespmem:s15+$0x190A0]  }
0x2ab: {  	v8 =	vadd.f32 v11, v8;
	v11 =	vld [tilespmem:s15+$0xA0B0]  }
0x2ac: {  	v14 =	vld [tilespmem:s15+$0x190B0]  }
0x2ad: {  	v10 =	vadd.f32 v12, v10;
	v12 =	vld [tilespmem:s15+$0xA0C0]  }
0x2ae: {  	v15 =	vld [tilespmem:s15+$0x190C0]  }
0x2af: {  	v6 =	vadd.f32 v13, v6;
	v13 =	vld [tilespmem:s15+$0xA0D0]  }
0x2b0: {  	v16 =	vld [tilespmem:s15+$0x190D0]  }
0x2b1: {  	v11 =	vadd.f32 v14, v11;
	v14 =	vld [tilespmem:s15+$0xA0E0]  }
0x2b2: {  	v17 =	vld [tilespmem:s15+$0x190E0]  }
0x2b3: {  	v12 =	vadd.f32 v15, v12;
	v15 =	vld [tilespmem:s15+$0xA0F0]  }
0x2b4: {  	v18 =	vld [tilespmem:s15+$0x190F0]  }
0x2b5: {  	v13 =	vadd.f32 v16, v13;
	v16 =	vld [tilespmem:s15+$0xA100]  }
0x2b6: {  	v19 =	vld [tilespmem:s15+$0x19100]  }
0x2b7: {  	v14 =	vadd.f32 v17, v14;
	v17 =	vld [tilespmem:s15+$0xA110]  }
0x2b8: {  	v20 =	vld [tilespmem:s15+$0x19110]  }
0x2b9: {  	v15 =	vadd.f32 v18, v15;
	v18 =	vld [tilespmem:s15+$0xA120]  }
0x2ba: {  	v21 =	vld [tilespmem:s15+$0x19120]  }
0x2bb: {  	v16 =	vadd.f32 v19, v16;
	v19 =	vld [tilespmem:s15+$0xA130]  }
0x2bc: {  	v22 =	vld [tilespmem:s15+$0x19130]  }
0x2bd: {  	v17 =	vadd.f32 v20, v17;
	v20 =	vld [tilespmem:s15+$0xA140]  }
0x2be: {  	v23 =	vld [tilespmem:s15+$0x19140]  }
0x2bf: {  	v18 =	vadd.f32 v21, v18;
	v21 =	vld [tilespmem:s15+$0xA150]  }
0x2c0: {  	v24 =	vld [tilespmem:s15+$0x19150]  }
0x2c1: {  	v19 =	vadd.f32 v22, v19;
	v22 =	vld [tilespmem:s15+$0xA160]  }
0x2c2: {  	v25 =	vld [tilespmem:s15+$0x19160]  }
0x2c3: {  	v20 =	vadd.f32 v23, v20;
	v23 =	vld [tilespmem:s15+$0xA170]  }
0x2c4: {  	v26 =	vld [tilespmem:s15+$0x19170]  }
0x2c5: {  	v21 =	vadd.f32 v24, v21;
	v24 =	vld [tilespmem:s15+$0xA180]  }
0x2c6: {  	v27 =	vld [tilespmem:s15+$0x19180]  }
0x2c7: {  	v22 =	vadd.f32 v25, v22;
	v25 =	vld [tilespmem:s15+$0xA190]  }
0x2c8: {  	v28 =	vld [tilespmem:s15+$0x19190]  }
0x2c9: {  	v23 =	vadd.f32 v26, v23;
	v26 =	vld [tilespmem:s15+$0xA1A0]  }
0x2ca: {  	v29 =	vld [tilespmem:s15+$0x191A0]  }
0x2cb: {  	v24 =	vadd.f32 v27, v24;
	v27 =	vld [tilespmem:s15+$0xA1B0]  }
0x2cc: {  	v30 =	vld [tilespmem:s15+$0x191B0]  }
0x2cd: {  	v25 =	vadd.f32 v28, v25;
	v28 =	vld [tilespmem:s15+$0xA1C0]  }
0x2ce: {  	v31 =	vld [tilespmem:s15+$0x191C0]  }
0x2cf: {  	v26 =	vadd.f32 v29, v26;
	v29 =	vld [tilespmem:s15+$0xA1D0]  }
0x2d0: {  	v32 =	vld [tilespmem:s15+$0x191D0]  }
0x2d1: {  	v27 =	vadd.f32 v30, v27;
	v30 =	vld [tilespmem:s15+$0xA1E0]  }
0x2d2: {  	v33 =	vld [tilespmem:s15+$0x191E0]  }
0x2d3: {  	[tilespmem:s15+$0x11800] =	vst.add.f32.msk $0xffff, v0;
	v28 =	vadd.f32 v31, v28  }
0x2d4: {  	[tilespmem:s15+$0x11810] =	vst.add.f32.msk $0xffff, v1  }
0x2d5: {  	[tilespmem:s15+$0x11820] =	vst.add.f32.msk $0xffff, v2;
	v1 =	vadd.f32 v32, v29  }
0x2d6: {  	[tilespmem:s15+$0x11830] =	vst.add.f32.msk $0xffff, v3  }
0x2d7: {  	[tilespmem:s15+$0x11840] =	vst.add.f32.msk $0xffff, v4;
	v0 =	vadd.f32 v33, v30  }
0x2d8: {  	[tilespmem:s15+$0x11850] =	vst.add.f32.msk $0xffff, v7  }
0x2d9: {  	[tilespmem:s15+$0x11860] =	vst.add.f32.msk $0xffff, v9  }
0x2da: {  	[tilespmem:s15+$0x11870] =	vst.add.f32.msk $0xffff, v5  }
0x2db: {  	[tilespmem:s15+$0x11880] =	vst.add.f32.msk $0xffff, v8  }
0x2dc: {  	[tilespmem:s15+$0x11890] =	vst.add.f32.msk $0xffff, v10  }
0x2dd: {  	[tilespmem:s15+$0x118A0] =	vst.add.f32.msk $0xffff, v6  }
0x2de: {  	[tilespmem:s15+$0x118B0] =	vst.add.f32.msk $0xffff, v11  }
0x2df: {  	[tilespmem:s15+$0x118C0] =	vst.add.f32.msk $0xffff, v12  }
0x2e0: {  	[tilespmem:s15+$0x118D0] =	vst.add.f32.msk $0xffff, v13  }
0x2e1: {  	[tilespmem:s15+$0x118E0] =	vst.add.f32.msk $0xffff, v14  }
0x2e2: {  	[tilespmem:s15+$0x118F0] =	vst.add.f32.msk $0xffff, v15  }
0x2e3: {  	[tilespmem:s15+$0x11900] =	vst.add.f32.msk $0xffff, v16  }
0x2e4: {  	[tilespmem:s15+$0x11910] =	vst.add.f32.msk $0xffff, v17  }
0x2e5: {  	[tilespmem:s15+$0x11920] =	vst.add.f32.msk $0xffff, v18  }
0x2e6: {  	[tilespmem:s15+$0x11930] =	vst.add.f32.msk $0xffff, v19  }
0x2e7: {  	[tilespmem:s15+$0x11940] =	vst.add.f32.msk $0xffff, v20  }
0x2e8: {  	[tilespmem:s15+$0x11950] =	vst.add.f32.msk $0xffff, v21  }
0x2e9: {  	[tilespmem:s15+$0x11960] =	vst.add.f32.msk $0xffff, v22  }
0x2ea: {  	[tilespmem:s15+$0x11970] =	vst.add.f32.msk $0xffff, v23  }
0x2eb: {  	[tilespmem:s15+$0x11980] =	vst.add.f32.msk $0xffff, v24  }
.Ltmp3:
0x2ec: {  	[tilespmem:s15+$0x11990] =	vst.add.f32.msk $0xffff, v25;
	(pc) =	sbr.rel @p1 .LBB2_9-.Ltmp3, $4  }
0x2ed: {  	[tilespmem:s15+$0x119A0] =	vst.add.f32.msk $0xffff, v26  }
0x2ee: {  	[tilespmem:s15+$0x119B0] =	vst.add.f32.msk $0xffff, v27  }
0x2ef: {  	[tilespmem:s15+$0x119C0] =	vst.add.f32.msk $0xffff, v28  }
0x2f0: {  	s17 =	sadd.s32 $0x800, s17;
	[tilespmem:s15+$0x119D0] =	vst.add.f32.msk $0xffff, v1  }
0x2f1: {  	s13 =	smul.u32 $0x50, s13;
	_ =	sdelay $0x1  }
0x2f2: {  	s13 =	sadd.s32 s12, s13  }
0x2f3: {  	s13 =	sshll.u32 s13, $0x4  }
0x2f4: {  	[tilespmem:s15+$0x119E0] =	vst.add.f32.msk $0xffff, v0;
	s16 =	simm.s32 $0x0;
	s17 =	sadd.s32 s6, s13  }
0x2f5: {  	[hbm4b:s17+s16] =	stream.linear.scatter [tilespmem:s26], [sflag:$0x5], $0x2800, $0x38;
	[tilespmem:$0x1E000] =	vst v63  }
0x2f6: {  	s13 =	sadd.s32 s4, s13  }
0x2f7: {  	[hbm4b:s13+s16] =	stream.linear.scatter [tilespmem:s28], [sflag:$0x5], $0x2800, $0x38;
	[tilespmem:$0x1E000] =	vst v63  }
0x2f8: {  	_ =	swait.ge [sflag:s20], $0x2800  }
0x2f9: {  	[sflag:s20] =	ssyncset.done $0x0  }
0x2fa: {  	[sflag:s20] =	ssyncadd.s32 $0xFFFFD800  }
0x2fb: {  	s13 =	smul.u32 $0x180, s11;
	_ =	swait.ge [sflag:s20], $0x2800  }
0x2fc: {  	[sflag:s20] =	ssyncset.done $0x0  }
0x2fd: {  	s16 =	sadd.s32 $0x180, s13;
	[sflag:s20] =	ssyncadd.s32 $0xFFFFD800  }
0x2fe: {  	[tilespmem:s18], [sflag:$0x1] =	stream.indirect.gather [hbm4b:s0+s24], $0x80, s16, s24, $0xb8;
	[tilespmem:$0x1E000] =	vst v63  }
0x2ff: {  	s17 =	sadd.s32 $0x2980, s13  }
0x300: {  	[tilespmem:s21], [sflag:$0x1] =	stream.indirect.gather [hbm4b:s1+s24], $0x80, s17, s24, $0xb8;
	[tilespmem:$0x1E000] =	vst v63  }
0x301: {  	s13 =	sadd.s32 $0x5180, s13  }
0x302: {  	[tilespmem:s25], [sflag:$0x1] =	stream.indirect.gather [hbm4b:s7+s24], $0x80, s13, s24, $0xb8;
	[tilespmem:$0x1E000] =	vst v63  }
0x303: {  	_ =	swait.ge [sflag:s22], $0x2800  }
0x304: {  	[sflag:s22] =	ssyncset.done $0x0  }
0x305: {  	[sflag:s22] =	ssyncadd.s32 $0xFFFFD800  }
0x306: {  	_ =	swait.ge [sflag:s22], $0x2800  }
0x307: {  	[sflag:s22] =	ssyncset.done $0x0  }
0x308: {  	[sflag:s22] =	ssyncadd.s32 $0xFFFFD800  }
0x309: {  	_ =	swait.ge [sflag:s22], $0x2800  }
0x30a: {  	[sflag:s22] =	ssyncset.done $0x0  }
0x30b: {  	s13 =	simm.s32 $0x0;
	[sflag:s22] =	ssyncadd.s32 $0xFFFFD800  }
0x30c: {  	v0 =	vld [tilespmem:s13+$0xC9F0]  }
0x30d: {  	v1 =	vld [tilespmem:s13+$0x1B9F0]  }
0x30e: {  	v2 =	vld [tilespmem:s13+$0xC800]  }
0x30f: {  	v3 =	vld [tilespmem:s13+$0x1B800]  }
0x310: {  	v4 =	vld [tilespmem:s13+$0xC810]  }
0x311: {  	v5 =	vld [tilespmem:s13+$0x1B810]  }
0x312: {  	v6 =	vld [tilespmem:s13+$0xC820]  }
0x313: {  	v7 =	vld [tilespmem:s13+$0x1B830]  }
0x314: {  	v8 =	vld [tilespmem:s13+$0xC840]  }
0x315: {  	v9 =	vld [tilespmem:s13+$0x1B840]  }
0x316: {  	v10 =	vld [tilespmem:s13+$0xC850]  }
0x317: {  	v11 =	vld [tilespmem:s13+$0x1B850]  }
0x318: {  	v12 =	vld [tilespmem:s13+$0xC860]  }
0x319: {  	v13 =	vld [tilespmem:s13+$0x1B860]  }
0x31a: {  	v14 =	vld [tilespmem:s13+$0xC870]  }
0x31b: {  	v15 =	vld [tilespmem:s13+$0x1B870]  }
0x31c: {  	v16 =	vld [tilespmem:s13+$0xC880]  }
0x31d: {  	v17 =	vld [tilespmem:s13+$0x1B880]  }
0x31e: {  	v18 =	vld [tilespmem:s13+$0xC890]  }
0x31f: {  	v19 =	vld [tilespmem:s13+$0x1B890]  }
0x320: {  	v20 =	vld [tilespmem:s13+$0xC8A0]  }
0x321: {  	v21 =	vld [tilespmem:s13+$0x1B8A0]  }
0x322: {  	v22 =	vld [tilespmem:s13+$0xC8B0]  }
0x323: {  	v23 =	vld [tilespmem:s13+$0x1B8B0]  }
0x324: {  	v24 =	vld [tilespmem:s13+$0xC8C0]  }
0x325: {  	v25 =	vld [tilespmem:s13+$0x1B8C0]  }
0x326: {  	v26 =	vld [tilespmem:s13+$0xC8D0]  }
0x327: {  	v27 =	vld [tilespmem:s13+$0x1B8D0]  }
0x328: {  	v28 =	vld [tilespmem:s13+$0xC8E0]  }
0x329: {  	v29 =	vld [tilespmem:s13+$0x1B8E0]  }
0x32a: {  	v30 =	vld [tilespmem:s13+$0xC8F0]  }
0x32b: {  	v31 =	vld [tilespmem:s13+$0x1B8F0]  }
0x32c: {  	v32 =	vld [tilespmem:s13+$0xC900]  }
0x32d: {  	v33 =	vld [tilespmem:s13+$0x1B900]  }
0x32e: {  	v34 =	vld [tilespmem:s13+$0xC910]  }
0x32f: {  	v35 =	vld [tilespmem:s13+$0x1B910]  }
0x330: {  	v36 =	vld [tilespmem:s13+$0xC920]  }
0x331: {  	v37 =	vld [tilespmem:s13+$0x1B920]  }
0x332: {  	v38 =	vld [tilespmem:s13+$0xC930]  }
0x333: {  	v39 =	vld [tilespmem:s13+$0x1B930]  }
0x334: {  	v40 =	vld [tilespmem:s13+$0xC940]  }
0x335: {  	v41 =	vld [tilespmem:s13+$0x1B940]  }
0x336: {  	v42 =	vld [tilespmem:s13+$0xC950]  }
0x337: {  	v43 =	vld [tilespmem:s13+$0x1B950]  }
0x338: {  	v44 =	vld [tilespmem:s13+$0xC960]  }
0x339: {  	v45 =	vld [tilespmem:s13+$0xC970]  }
0x33a: {  	v47 =	vld [tilespmem:s13+$0xC9C0]  }
0x33b: {  	v49 =	vld [tilespmem:s13+$0x1B9C0]  }
0x33c: {  	v51 =	vld [tilespmem:s13+$0xC9D0]  }
0x33d: {  	v52 =	vld [tilespmem:s13+$0x1B9D0]  }
0x33e: {  	v54 =	vld [tilespmem:s13+$0xC9E0]  }
0x33f: {  	v56 =	vld [tilespmem:s13+$0x1B9E0]  }
0x340: {  	v0 =	vadd.f32 v1, v0;
	v1 =	vld [tilespmem:s13+$0x1B820]  }
0x341: {  	v2 =	vadd.f32 v3, v2;
	v3 =	vld [tilespmem:s13+$0x1B960]  }
0x342: {  	v4 =	vadd.f32 v5, v4;
	v5 =	vld [tilespmem:s13+$0x1B990]  }
0x343: {  	v9 =	vadd.f32 v9, v8;
	v8 =	vld [tilespmem:s13+$0xC9B0]  }
0x344: {  	[tilespmem:s13+$0x141F0] =	vst.add.f32.msk $0xffff, v0  }
0x345: {  	v0 =	vld [tilespmem:s13+$0xC830]  }
0x346: {  	[tilespmem:s13+$0x14000] =	vst.add.f32.msk $0xffff, v2  }
0x347: {  	v2 =	vld [tilespmem:s13+$0x1B970]  }
0x348: {  	[tilespmem:s13+$0x14010] =	vst.add.f32.msk $0xffff, v4  }
0x349: {  	v11 =	vadd.f32 v11, v10;
	v4 =	vld [tilespmem:s13+$0xC980]  }
0x34a: {  	v13 =	vadd.f32 v13, v12;
	[tilespmem:s13+$0x14040] =	vst.add.f32.msk $0xffff, v9  }
0x34b: {  	v15 =	vadd.f32 v15, v14;
	[tilespmem:s13+$0x14050] =	vst.add.f32.msk $0xffff, v11  }
0x34c: {  	v17 =	vadd.f32 v17, v16;
	[tilespmem:s13+$0x14060] =	vst.add.f32.msk $0xffff, v13  }
0x34d: {  	[tilespmem:s13+$0x14070] =	vst.add.f32.msk $0xffff, v15  }
0x34e: {  	v19 =	vadd.f32 v19, v18;
	[tilespmem:s13+$0x14080] =	vst.add.f32.msk $0xffff, v17  }
0x34f: {  	v46 =	vadd.f32 v21, v20;
	v9 =	vld [tilespmem:s13+$0x1B9B0]  }
0x350: {  	v48 =	vadd.f32 v23, v22;
	[tilespmem:s13+$0x14090] =	vst.add.f32.msk $0xffff, v19  }
0x351: {  	v50 =	vadd.f32 v25, v24;
	[tilespmem:s13+$0x140A0] =	vst.add.f32.msk $0xffff, v46  }
0x352: {  	v53 =	vadd.f32 v27, v26;
	[tilespmem:s13+$0x140B0] =	vst.add.f32.msk $0xffff, v48  }
0x353: {  	v55 =	vadd.f32 v29, v28;
	[tilespmem:s13+$0x140C0] =	vst.add.f32.msk $0xffff, v50  }
0x354: {  	v57 =	vadd.f32 v31, v30;
	[tilespmem:s13+$0x140D0] =	vst.add.f32.msk $0xffff, v53  }
0x355: {  	v58 =	vadd.f32 v33, v32;
	[tilespmem:s13+$0x140E0] =	vst.add.f32.msk $0xffff, v55  }
0x356: {  	v59 =	vadd.f32 v35, v34;
	[tilespmem:s13+$0x140F0] =	vst.add.f32.msk $0xffff, v57  }
0x357: {  	v60 =	vadd.f32 v37, v36;
	[tilespmem:s13+$0x14100] =	vst.add.f32.msk $0xffff, v58  }
0x358: {  	v61 =	vadd.f32 v39, v38;
	[tilespmem:s13+$0x14110] =	vst.add.f32.msk $0xffff, v59  }
0x359: {  	[tilespmem:s13+$0x14120] =	vst.add.f32.msk $0xffff, v60  }
0x35a: {  	[tilespmem:s13+$0x14130] =	vst.add.f32.msk $0xffff, v61;
	v1 =	vadd.f32 v1, v6  }
0x35b: {  	v6 =	vld [tilespmem:s13+$0xC9A0]  }
0x35c: {  	[tilespmem:s13+$0x14020] =	vst.add.f32.msk $0xffff, v1  }
0x35d: {  	v0 =	vadd.f32 v7, v0;
	v1 =	vld [tilespmem:s13+$0x1B980]  }
0x35e: {  	v7 =	vld [tilespmem:s13+$0x1B9A0]  }
0x35f: {  	v62 =	vadd.f32 v41, v40;
	[tilespmem:s13+$0x14030] =	vst.add.f32.msk $0xffff, v0  }
0x360: {  	v63 =	vadd.f32 v43, v42;
	v0 =	vld [tilespmem:s13+$0xC990]  }
0x361: {  	[tilespmem:s13+$0x14140] =	vst.add.f32.msk $0xffff, v62;
	v3 =	vadd.f32 v3, v44  }
0x362: {  	[tilespmem:s13+$0x14150] =	vst.add.f32.msk $0xffff, v63;
	v2 =	vadd.f32 v2, v45  }
0x363: {  	[tilespmem:s13+$0x14160] =	vst.add.f32.msk $0xffff, v3;
	v1 =	vadd.f32 v1, v4  }
0x364: {  	[tilespmem:s13+$0x14170] =	vst.add.f32.msk $0xffff, v2;
	v2 =	vadd.f32 v7, v6  }
0x365: {  	v0 =	vadd.f32 v5, v0;
	[tilespmem:s13+$0x14180] =	vst.add.f32.msk $0xffff, v1  }
0x366: {  	v1 =	vadd.f32 v9, v8;
	[tilespmem:s13+$0x141A0] =	vst.add.f32.msk $0xffff, v2  }
0x367: {  	[tilespmem:s13+$0x14190] =	vst.add.f32.msk $0xffff, v0;
	v0 =	vadd.f32 v49, v47  }
0x368: {  	v2 =	vadd.f32 v52, v51;
	[tilespmem:s13+$0x141B0] =	vst.add.f32.msk $0xffff, v1  }
0x369: {  	[tilespmem:s13+$0x141C0] =	vst.add.f32.msk $0xffff, v0;
	v0 =	vadd.f32 v56, v54  }
0x36a: {  	s15 =	simm.s32 $0x0;
	s16 =	simm.s32 $0x800;
	[tilespmem:s13+$0x141D0] =	vst.add.f32.msk $0xffff, v2  }
.LBB2_11:
0x36b: {  	[tilespmem:s13+$0x141E0] =	vst.add.f32.msk $0xffff, v0;
	s13 =	sshra.s32 s16, $0x2  }
0x36c: {  	s15 =	sadd.s32 $0x4, s15;
	v0 =	vld [tilespmem:s13+$0xC9F0]  }
0x36d: {  	p1 =	slt.u32 s15, $0x4C;
	v1 =	vld [tilespmem:s13+$0x1B9F0]  }
0x36e: {  	v2 =	vld [tilespmem:s13+$0xC800]  }
0x36f: {  	v3 =	vld [tilespmem:s13+$0x1B800]  }
0x370: {  	v4 =	vld [tilespmem:s13+$0xC810]  }
0x371: {  	v5 =	vld [tilespmem:s13+$0x1B810]  }
0x372: {  	v6 =	vld [tilespmem:s13+$0xC820];
	v1 =	vadd.f32 v1, v0  }
0x373: {  	v7 =	vld [tilespmem:s13+$0x1B820]  }
0x374: {  	v0 =	vadd.f32 v3, v2;
	[tilespmem:s13+$0x141F0] =	vst.add.f32.msk $0xffff, v1  }
0x375: {  	v3 =	vld [tilespmem:s13+$0xC830]  }
0x376: {  	v1 =	vadd.f32 v5, v4;
	v4 =	vld [tilespmem:s13+$0x1B830]  }
0x377: {  	v5 =	vld [tilespmem:s13+$0xC840]  }
0x378: {  	v2 =	vadd.f32 v7, v6;
	v6 =	vld [tilespmem:s13+$0x1B840]  }
0x379: {  	v7 =	vld [tilespmem:s13+$0xC850]  }
0x37a: {  	v8 =	vld [tilespmem:s13+$0x1B850]  }
0x37b: {  	v3 =	vadd.f32 v4, v3;
	v9 =	vld [tilespmem:s13+$0xC860]  }
0x37c: {  	v10 =	vld [tilespmem:s13+$0x1B860]  }
0x37d: {  	v4 =	vadd.f32 v6, v5;
	v5 =	vld [tilespmem:s13+$0xC870]  }
0x37e: {  	v6 =	vld [tilespmem:s13+$0x1B870]  }
0x37f: {  	v7 =	vadd.f32 v8, v7;
	v8 =	vld [tilespmem:s13+$0xC880]  }
0x380: {  	v11 =	vld [tilespmem:s13+$0x1B880]  }
0x381: {  	v9 =	vadd.f32 v10, v9;
	v10 =	vld [tilespmem:s13+$0xC890]  }
0x382: {  	v12 =	vld [tilespmem:s13+$0x1B890]  }
0x383: {  	v5 =	vadd.f32 v6, v5;
	v6 =	vld [tilespmem:s13+$0xC8A0]  }
0x384: {  	v13 =	vld [tilespmem:s13+$0x1B8A0]  }
0x385: {  	v8 =	vadd.f32 v11, v8;
	v11 =	vld [tilespmem:s13+$0xC8B0]  }
0x386: {  	v14 =	vld [tilespmem:s13+$0x1B8B0]  }
0x387: {  	v10 =	vadd.f32 v12, v10;
	v12 =	vld [tilespmem:s13+$0xC8C0]  }
0x388: {  	v15 =	vld [tilespmem:s13+$0x1B8C0]  }
0x389: {  	v6 =	vadd.f32 v13, v6;
	v13 =	vld [tilespmem:s13+$0xC8D0]  }
0x38a: {  	v16 =	vld [tilespmem:s13+$0x1B8D0]  }
0x38b: {  	v11 =	vadd.f32 v14, v11;
	v14 =	vld [tilespmem:s13+$0xC8E0]  }
0x38c: {  	v17 =	vld [tilespmem:s13+$0x1B8E0]  }
0x38d: {  	v12 =	vadd.f32 v15, v12;
	v15 =	vld [tilespmem:s13+$0xC8F0]  }
0x38e: {  	v18 =	vld [tilespmem:s13+$0x1B8F0]  }
0x38f: {  	v13 =	vadd.f32 v16, v13;
	v16 =	vld [tilespmem:s13+$0xC900]  }
0x390: {  	v19 =	vld [tilespmem:s13+$0x1B900]  }
0x391: {  	v14 =	vadd.f32 v17, v14;
	v17 =	vld [tilespmem:s13+$0xC910]  }
0x392: {  	v20 =	vld [tilespmem:s13+$0x1B910]  }
0x393: {  	v15 =	vadd.f32 v18, v15;
	v18 =	vld [tilespmem:s13+$0xC920]  }
0x394: {  	v21 =	vld [tilespmem:s13+$0x1B920]  }
0x395: {  	v16 =	vadd.f32 v19, v16;
	v19 =	vld [tilespmem:s13+$0xC930]  }
0x396: {  	v22 =	vld [tilespmem:s13+$0x1B930]  }
0x397: {  	v17 =	vadd.f32 v20, v17;
	v20 =	vld [tilespmem:s13+$0xC940]  }
0x398: {  	v23 =	vld [tilespmem:s13+$0x1B940]  }
0x399: {  	v18 =	vadd.f32 v21, v18;
	v21 =	vld [tilespmem:s13+$0xC950]  }
0x39a: {  	v24 =	vld [tilespmem:s13+$0x1B950]  }
0x39b: {  	v19 =	vadd.f32 v22, v19;
	v22 =	vld [tilespmem:s13+$0xC960]  }
0x39c: {  	v25 =	vld [tilespmem:s13+$0x1B960]  }
0x39d: {  	v20 =	vadd.f32 v23, v20;
	v23 =	vld [tilespmem:s13+$0xC970]  }
0x39e: {  	v26 =	vld [tilespmem:s13+$0x1B970]  }
0x39f: {  	v21 =	vadd.f32 v24, v21;
	v24 =	vld [tilespmem:s13+$0xC980]  }
0x3a0: {  	v27 =	vld [tilespmem:s13+$0x1B980]  }
0x3a1: {  	v22 =	vadd.f32 v25, v22;
	v25 =	vld [tilespmem:s13+$0xC990]  }
0x3a2: {  	v28 =	vld [tilespmem:s13+$0x1B990]  }
0x3a3: {  	v23 =	vadd.f32 v26, v23;
	v26 =	vld [tilespmem:s13+$0xC9A0]  }
0x3a4: {  	v29 =	vld [tilespmem:s13+$0x1B9A0]  }
0x3a5: {  	v24 =	vadd.f32 v27, v24;
	v27 =	vld [tilespmem:s13+$0xC9B0]  }
0x3a6: {  	v30 =	vld [tilespmem:s13+$0x1B9B0]  }
0x3a7: {  	v25 =	vadd.f32 v28, v25;
	v28 =	vld [tilespmem:s13+$0xC9C0]  }
0x3a8: {  	v31 =	vld [tilespmem:s13+$0x1B9C0]  }
0x3a9: {  	v26 =	vadd.f32 v29, v26;
	v29 =	vld [tilespmem:s13+$0xC9D0]  }
0x3aa: {  	v32 =	vld [tilespmem:s13+$0x1B9D0]  }
0x3ab: {  	v27 =	vadd.f32 v30, v27;
	v30 =	vld [tilespmem:s13+$0xC9E0]  }
0x3ac: {  	v33 =	vld [tilespmem:s13+$0x1B9E0]  }
0x3ad: {  	[tilespmem:s13+$0x14000] =	vst.add.f32.msk $0xffff, v0;
	v28 =	vadd.f32 v31, v28  }
0x3ae: {  	[tilespmem:s13+$0x14010] =	vst.add.f32.msk $0xffff, v1  }
0x3af: {  	[tilespmem:s13+$0x14020] =	vst.add.f32.msk $0xffff, v2;
	v1 =	vadd.f32 v32, v29  }
0x3b0: {  	[tilespmem:s13+$0x14030] =	vst.add.f32.msk $0xffff, v3  }
0x3b1: {  	[tilespmem:s13+$0x14040] =	vst.add.f32.msk $0xffff, v4;
	v0 =	vadd.f32 v33, v30  }
0x3b2: {  	[tilespmem:s13+$0x14050] =	vst.add.f32.msk $0xffff, v7  }
0x3b3: {  	[tilespmem:s13+$0x14060] =	vst.add.f32.msk $0xffff, v9  }
0x3b4: {  	[tilespmem:s13+$0x14070] =	vst.add.f32.msk $0xffff, v5  }
0x3b5: {  	[tilespmem:s13+$0x14080] =	vst.add.f32.msk $0xffff, v8  }
0x3b6: {  	[tilespmem:s13+$0x14090] =	vst.add.f32.msk $0xffff, v10  }
0x3b7: {  	[tilespmem:s13+$0x140A0] =	vst.add.f32.msk $0xffff, v6  }
0x3b8: {  	[tilespmem:s13+$0x140B0] =	vst.add.f32.msk $0xffff, v11  }
0x3b9: {  	[tilespmem:s13+$0x140C0] =	vst.add.f32.msk $0xffff, v12  }
0x3ba: {  	[tilespmem:s13+$0x140D0] =	vst.add.f32.msk $0xffff, v13  }
0x3bb: {  	[tilespmem:s13+$0x140E0] =	vst.add.f32.msk $0xffff, v14  }
0x3bc: {  	[tilespmem:s13+$0x140F0] =	vst.add.f32.msk $0xffff, v15  }
0x3bd: {  	[tilespmem:s13+$0x14100] =	vst.add.f32.msk $0xffff, v16  }
0x3be: {  	[tilespmem:s13+$0x14110] =	vst.add.f32.msk $0xffff, v17  }
0x3bf: {  	[tilespmem:s13+$0x14120] =	vst.add.f32.msk $0xffff, v18  }
0x3c0: {  	[tilespmem:s13+$0x14130] =	vst.add.f32.msk $0xffff, v19  }
0x3c1: {  	[tilespmem:s13+$0x14140] =	vst.add.f32.msk $0xffff, v20  }
0x3c2: {  	[tilespmem:s13+$0x14150] =	vst.add.f32.msk $0xffff, v21  }
0x3c3: {  	[tilespmem:s13+$0x14160] =	vst.add.f32.msk $0xffff, v22  }
0x3c4: {  	[tilespmem:s13+$0x14170] =	vst.add.f32.msk $0xffff, v23  }
0x3c5: {  	[tilespmem:s13+$0x14180] =	vst.add.f32.msk $0xffff, v24  }
.Ltmp4:
0x3c6: {  	[tilespmem:s13+$0x14190] =	vst.add.f32.msk $0xffff, v25;
	(pc) =	sbr.rel @p1 .LBB2_11-.Ltmp4, $4  }
0x3c7: {  	[tilespmem:s13+$0x141A0] =	vst.add.f32.msk $0xffff, v26  }
0x3c8: {  	[tilespmem:s13+$0x141B0] =	vst.add.f32.msk $0xffff, v27  }
0x3c9: {  	[tilespmem:s13+$0x141C0] =	vst.add.f32.msk $0xffff, v28  }
0x3ca: {  	s16 =	sadd.s32 $0x800, s16;
	[tilespmem:s13+$0x141D0] =	vst.add.f32.msk $0xffff, v1  }
0x3cb: {  	s14 =	smul.u32 $0x50, s14  }
0x3cc: {  	s11 =	sadd.s32 $0x1, s11  }
0x3cd: {  	p1 =	sne.s32 s11, $0x1A;
	s14 =	sadd.s32 s12, s14  }
.Ltmp5:
0x3ce: {  	s14 =	sshll.u32 s14, $0x4;
	(pc) =	sbr.rel @p1 .LBB2_6-.Ltmp5, $4  }
0x3cf: {  	[tilespmem:s13+$0x141E0] =	vst.add.f32.msk $0xffff, v0;
	s16 =	sadd.s32 s6, s14  }
0x3d0: {  	[hbm4b:s16+s8] =	stream.linear.scatter [tilespmem:s31], [sflag:$0x6], $0x2800, $0x38;
	[tilespmem:$0x1E000] =	vst v63  }
0x3d1: {  	s17 =	sadd.s32 s4, s14  }
0x3d2: {  	[hbm4b:s17+s8] =	stream.linear.scatter [tilespmem:s5], [sflag:$0x6], $0x2800, $0x38;
	[tilespmem:$0x1E000] =	vst v63  }
0x3d3: {  	_ =	swait.ge [sflag:s23], $0x2800  }
0x3d4: {  	[sflag:s23] =	ssyncset.done $0x0  }
0x3d5: {  	[sflag:s23] =	ssyncadd.s32 $0xFFFFD800  }
0x3d6: {  	_ =	swait.ge [sflag:s23], $0x2800  }
0x3d7: {  	[sflag:s23] =	ssyncset.done $0x0  }
0x3d8: {  	s11 =	simm.s32 $0x2780;
	[sflag:s23] =	ssyncadd.s32 $0xFFFFD800  }
0x3d9: {  	[tilespmem:s26], [sflag:$0x2] =	stream.indirect.gather [hbm4b:s0+s24], $0x80, s11, s24, $0xb8;
	[tilespmem:$0x1E000] =	vst v63  }
0x3da: {  	s16 =	simm.s32 $0x4F80  }
0x3db: {  	[tilespmem:s28], [sflag:$0x2] =	stream.indirect.gather [hbm4b:s1+s24], $0x80, s16, s24, $0xb8;
	[tilespmem:$0x1E000] =	vst v63  }
0x3dc: {  	s17 =	simm.s32 $0x7780  }
0x3dd: {  	[tilespmem:s29], [sflag:$0x2] =	stream.indirect.gather [hbm4b:s7+s24], $0x80, s17, s24, $0xb8;
	[tilespmem:$0x1E000] =	vst v63  }
0x3de: {  	_ =	swait.ge [sflag:s30], $0x2800  }
0x3df: {  	[sflag:s30] =	ssyncset.done $0x0  }
0x3e0: {  	[sflag:s30] =	ssyncadd.s32 $0xFFFFD800  }
0x3e1: {  	_ =	swait.ge [sflag:s30], $0x2800  }
0x3e2: {  	[sflag:s30] =	ssyncset.done $0x0  }
0x3e3: {  	[sflag:s30] =	ssyncadd.s32 $0xFFFFD800  }
0x3e4: {  	_ =	swait.ge [sflag:s30], $0x2800  }
0x3e5: {  	[sflag:s30] =	ssyncset.done $0x0  }
0x3e6: {  	s11 =	simm.s32 $0x0;
	[sflag:s30] =	ssyncadd.s32 $0xFFFFD800  }
0x3e7: {  	v0 =	vld [tilespmem:s11+$0x79F0]  }
0x3e8: {  	v1 =	vld [tilespmem:s11+$0x169F0]  }
0x3e9: {  	v2 =	vld [tilespmem:s11+$0x7800]  }
0x3ea: {  	v3 =	vld [tilespmem:s11+$0x16800]  }
0x3eb: {  	v4 =	vld [tilespmem:s11+$0x7810]  }
0x3ec: {  	v5 =	vld [tilespmem:s11+$0x16810]  }
0x3ed: {  	v6 =	vld [tilespmem:s11+$0x7820]  }
0x3ee: {  	v7 =	vld [tilespmem:s11+$0x16830]  }
0x3ef: {  	v8 =	vld [tilespmem:s11+$0x7840]  }
0x3f0: {  	v9 =	vld [tilespmem:s11+$0x16840]  }
0x3f1: {  	v10 =	vld [tilespmem:s11+$0x7850]  }
0x3f2: {  	v11 =	vld [tilespmem:s11+$0x16850]  }
0x3f3: {  	v12 =	vld [tilespmem:s11+$0x7860]  }
0x3f4: {  	v13 =	vld [tilespmem:s11+$0x16860]  }
0x3f5: {  	v14 =	vld [tilespmem:s11+$0x7870]  }
0x3f6: {  	v15 =	vld [tilespmem:s11+$0x16870]  }
0x3f7: {  	v16 =	vld [tilespmem:s11+$0x7880]  }
0x3f8: {  	v17 =	vld [tilespmem:s11+$0x16880]  }
0x3f9: {  	v18 =	vld [tilespmem:s11+$0x7890]  }
0x3fa: {  	v19 =	vld [tilespmem:s11+$0x16890]  }
0x3fb: {  	v20 =	vld [tilespmem:s11+$0x78A0]  }
0x3fc: {  	v21 =	vld [tilespmem:s11+$0x168A0]  }
0x3fd: {  	v22 =	vld [tilespmem:s11+$0x78B0]  }
0x3fe: {  	v23 =	vld [tilespmem:s11+$0x168B0]  }
0x3ff: {  	v24 =	vld [tilespmem:s11+$0x78C0]  }
0x400: {  	v25 =	vld [tilespmem:s11+$0x168C0]  }
0x401: {  	v26 =	vld [tilespmem:s11+$0x78D0]  }
0x402: {  	v27 =	vld [tilespmem:s11+$0x168D0]  }
0x403: {  	v28 =	vld [tilespmem:s11+$0x78E0]  }
0x404: {  	v29 =	vld [tilespmem:s11+$0x168E0]  }
0x405: {  	v30 =	vld [tilespmem:s11+$0x78F0]  }
0x406: {  	v31 =	vld [tilespmem:s11+$0x168F0]  }
0x407: {  	v32 =	vld [tilespmem:s11+$0x7900]  }
0x408: {  	v33 =	vld [tilespmem:s11+$0x16900]  }
0x409: {  	v34 =	vld [tilespmem:s11+$0x7910]  }
0x40a: {  	v35 =	vld [tilespmem:s11+$0x16910]  }
0x40b: {  	v36 =	vld [tilespmem:s11+$0x7920]  }
0x40c: {  	v37 =	vld [tilespmem:s11+$0x16920]  }
0x40d: {  	v38 =	vld [tilespmem:s11+$0x7930]  }
0x40e: {  	v39 =	vld [tilespmem:s11+$0x16930]  }
0x40f: {  	v40 =	vld [tilespmem:s11+$0x7940]  }
0x410: {  	v41 =	vld [tilespmem:s11+$0x16940]  }
0x411: {  	v42 =	vld [tilespmem:s11+$0x7950]  }
0x412: {  	v43 =	vld [tilespmem:s11+$0x16950]  }
0x413: {  	v44 =	vld [tilespmem:s11+$0x7960]  }
0x414: {  	v45 =	vld [tilespmem:s11+$0x7970]  }
0x415: {  	v47 =	vld [tilespmem:s11+$0x79C0]  }
0x416: {  	v49 =	vld [tilespmem:s11+$0x169C0]  }
0x417: {  	v51 =	vld [tilespmem:s11+$0x79D0]  }
0x418: {  	v52 =	vld [tilespmem:s11+$0x169D0]  }
0x419: {  	v54 =	vld [tilespmem:s11+$0x79E0]  }
0x41a: {  	v56 =	vld [tilespmem:s11+$0x169E0]  }
0x41b: {  	v0 =	vadd.f32 v1, v0;
	v1 =	vld [tilespmem:s11+$0x16820]  }
0x41c: {  	v2 =	vadd.f32 v3, v2;
	v3 =	vld [tilespmem:s11+$0x16960]  }
0x41d: {  	v4 =	vadd.f32 v5, v4;
	v5 =	vld [tilespmem:s11+$0x16990]  }
0x41e: {  	v9 =	vadd.f32 v9, v8;
	v8 =	vld [tilespmem:s11+$0x79B0]  }
0x41f: {  	[tilespmem:s11+$0xF1F0] =	vst.add.f32.msk $0xffff, v0  }
0x420: {  	v0 =	vld [tilespmem:s11+$0x7830]  }
0x421: {  	[tilespmem:s11+$0xF000] =	vst.add.f32.msk $0xffff, v2  }
0x422: {  	v2 =	vld [tilespmem:s11+$0x16970]  }
0x423: {  	[tilespmem:s11+$0xF010] =	vst.add.f32.msk $0xffff, v4  }
0x424: {  	v11 =	vadd.f32 v11, v10;
	v4 =	vld [tilespmem:s11+$0x7980]  }
0x425: {  	v13 =	vadd.f32 v13, v12;
	[tilespmem:s11+$0xF040] =	vst.add.f32.msk $0xffff, v9  }
0x426: {  	v15 =	vadd.f32 v15, v14;
	[tilespmem:s11+$0xF050] =	vst.add.f32.msk $0xffff, v11  }
0x427: {  	v17 =	vadd.f32 v17, v16;
	[tilespmem:s11+$0xF060] =	vst.add.f32.msk $0xffff, v13  }
0x428: {  	[tilespmem:s11+$0xF070] =	vst.add.f32.msk $0xffff, v15  }
0x429: {  	v19 =	vadd.f32 v19, v18;
	[tilespmem:s11+$0xF080] =	vst.add.f32.msk $0xffff, v17  }
0x42a: {  	v46 =	vadd.f32 v21, v20;
	v9 =	vld [tilespmem:s11+$0x169B0]  }
0x42b: {  	v48 =	vadd.f32 v23, v22;
	[tilespmem:s11+$0xF090] =	vst.add.f32.msk $0xffff, v19  }
0x42c: {  	v50 =	vadd.f32 v25, v24;
	[tilespmem:s11+$0xF0A0] =	vst.add.f32.msk $0xffff, v46  }
0x42d: {  	v53 =	vadd.f32 v27, v26;
	[tilespmem:s11+$0xF0B0] =	vst.add.f32.msk $0xffff, v48  }
0x42e: {  	v55 =	vadd.f32 v29, v28;
	[tilespmem:s11+$0xF0C0] =	vst.add.f32.msk $0xffff, v50  }
0x42f: {  	v57 =	vadd.f32 v31, v30;
	[tilespmem:s11+$0xF0D0] =	vst.add.f32.msk $0xffff, v53  }
0x430: {  	v58 =	vadd.f32 v33, v32;
	[tilespmem:s11+$0xF0E0] =	vst.add.f32.msk $0xffff, v55  }
0x431: {  	v59 =	vadd.f32 v35, v34;
	[tilespmem:s11+$0xF0F0] =	vst.add.f32.msk $0xffff, v57  }
0x432: {  	v60 =	vadd.f32 v37, v36;
	[tilespmem:s11+$0xF100] =	vst.add.f32.msk $0xffff, v58  }
0x433: {  	v61 =	vadd.f32 v39, v38;
	[tilespmem:s11+$0xF110] =	vst.add.f32.msk $0xffff, v59  }
0x434: {  	[tilespmem:s11+$0xF120] =	vst.add.f32.msk $0xffff, v60  }
0x435: {  	[tilespmem:s11+$0xF130] =	vst.add.f32.msk $0xffff, v61;
	v1 =	vadd.f32 v1, v6  }
0x436: {  	v6 =	vld [tilespmem:s11+$0x79A0]  }
0x437: {  	[tilespmem:s11+$0xF020] =	vst.add.f32.msk $0xffff, v1  }
0x438: {  	v0 =	vadd.f32 v7, v0;
	v1 =	vld [tilespmem:s11+$0x16980]  }
0x439: {  	v7 =	vld [tilespmem:s11+$0x169A0]  }
0x43a: {  	v62 =	vadd.f32 v41, v40;
	[tilespmem:s11+$0xF030] =	vst.add.f32.msk $0xffff, v0  }
0x43b: {  	v63 =	vadd.f32 v43, v42;
	v0 =	vld [tilespmem:s11+$0x7990]  }
0x43c: {  	[tilespmem:s11+$0xF140] =	vst.add.f32.msk $0xffff, v62;
	v3 =	vadd.f32 v3, v44  }
0x43d: {  	[tilespmem:s11+$0xF150] =	vst.add.f32.msk $0xffff, v63;
	v2 =	vadd.f32 v2, v45  }
0x43e: {  	[tilespmem:s11+$0xF160] =	vst.add.f32.msk $0xffff, v3;
	v1 =	vadd.f32 v1, v4  }
0x43f: {  	[tilespmem:s11+$0xF170] =	vst.add.f32.msk $0xffff, v2;
	v2 =	vadd.f32 v7, v6  }
0x440: {  	v0 =	vadd.f32 v5, v0;
	[tilespmem:s11+$0xF180] =	vst.add.f32.msk $0xffff, v1  }
0x441: {  	v1 =	vadd.f32 v9, v8;
	[tilespmem:s11+$0xF1A0] =	vst.add.f32.msk $0xffff, v2  }
0x442: {  	[tilespmem:s11+$0xF190] =	vst.add.f32.msk $0xffff, v0;
	v0 =	vadd.f32 v49, v47  }
0x443: {  	v2 =	vadd.f32 v52, v51;
	[tilespmem:s11+$0xF1B0] =	vst.add.f32.msk $0xffff, v1  }
0x444: {  	[tilespmem:s11+$0xF1C0] =	vst.add.f32.msk $0xffff, v0;
	v0 =	vadd.f32 v56, v54  }
0x445: {  	s13 =	simm.s32 $0x0;
	s14 =	simm.s32 $0x800;
	[tilespmem:s11+$0xF1D0] =	vst.add.f32.msk $0xffff, v2  }
.LBB2_14:
0x446: {  	[tilespmem:s11+$0xF1E0] =	vst.add.f32.msk $0xffff, v0;
	s11 =	sshra.s32 s14, $0x2  }
0x447: {  	s13 =	sadd.s32 $0x4, s13;
	v0 =	vld [tilespmem:s11+$0x79F0]  }
0x448: {  	p1 =	slt.u32 s13, $0x4C;
	v1 =	vld [tilespmem:s11+$0x169F0]  }
0x449: {  	v2 =	vld [tilespmem:s11+$0x7800]  }
0x44a: {  	v3 =	vld [tilespmem:s11+$0x16800]  }
0x44b: {  	v4 =	vld [tilespmem:s11+$0x7810]  }
0x44c: {  	v5 =	vld [tilespmem:s11+$0x16810]  }
0x44d: {  	v6 =	vld [tilespmem:s11+$0x7820];
	v1 =	vadd.f32 v1, v0  }
0x44e: {  	v7 =	vld [tilespmem:s11+$0x16820]  }
0x44f: {  	v0 =	vadd.f32 v3, v2;
	[tilespmem:s11+$0xF1F0] =	vst.add.f32.msk $0xffff, v1  }
0x450: {  	v3 =	vld [tilespmem:s11+$0x7830]  }
0x451: {  	v1 =	vadd.f32 v5, v4;
	v4 =	vld [tilespmem:s11+$0x16830]  }
0x452: {  	v5 =	vld [tilespmem:s11+$0x7840]  }
0x453: {  	v2 =	vadd.f32 v7, v6;
	v6 =	vld [tilespmem:s11+$0x16840]  }
0x454: {  	v7 =	vld [tilespmem:s11+$0x7850]  }
0x455: {  	v8 =	vld [tilespmem:s11+$0x16850]  }
0x456: {  	v3 =	vadd.f32 v4, v3;
	v9 =	vld [tilespmem:s11+$0x7860]  }
0x457: {  	v10 =	vld [tilespmem:s11+$0x16860]  }
0x458: {  	v4 =	vadd.f32 v6, v5;
	v5 =	vld [tilespmem:s11+$0x7870]  }
0x459: {  	v6 =	vld [tilespmem:s11+$0x16870]  }
0x45a: {  	v7 =	vadd.f32 v8, v7;
	v8 =	vld [tilespmem:s11+$0x7880]  }
0x45b: {  	v11 =	vld [tilespmem:s11+$0x16880]  }
0x45c: {  	v9 =	vadd.f32 v10, v9;
	v10 =	vld [tilespmem:s11+$0x7890]  }
0x45d: {  	v12 =	vld [tilespmem:s11+$0x16890]  }
0x45e: {  	v5 =	vadd.f32 v6, v5;
	v6 =	vld [tilespmem:s11+$0x78A0]  }
0x45f: {  	v13 =	vld [tilespmem:s11+$0x168A0]  }
0x460: {  	v8 =	vadd.f32 v11, v8;
	v11 =	vld [tilespmem:s11+$0x78B0]  }
0x461: {  	v14 =	vld [tilespmem:s11+$0x168B0]  }
0x462: {  	v10 =	vadd.f32 v12, v10;
	v12 =	vld [tilespmem:s11+$0x78C0]  }
0x463: {  	v15 =	vld [tilespmem:s11+$0x168C0]  }
0x464: {  	v6 =	vadd.f32 v13, v6;
	v13 =	vld [tilespmem:s11+$0x78D0]  }
0x465: {  	v16 =	vld [tilespmem:s11+$0x168D0]  }
0x466: {  	v11 =	vadd.f32 v14, v11;
	v14 =	vld [tilespmem:s11+$0x78E0]  }
0x467: {  	v17 =	vld [tilespmem:s11+$0x168E0]  }
0x468: {  	v12 =	vadd.f32 v15, v12;
	v15 =	vld [tilespmem:s11+$0x78F0]  }
0x469: {  	v18 =	vld [tilespmem:s11+$0x168F0]  }
0x46a: {  	v13 =	vadd.f32 v16, v13;
	v16 =	vld [tilespmem:s11+$0x7900]  }
0x46b: {  	v19 =	vld [tilespmem:s11+$0x16900]  }
0x46c: {  	v14 =	vadd.f32 v17, v14;
	v17 =	vld [tilespmem:s11+$0x7910]  }
0x46d: {  	v20 =	vld [tilespmem:s11+$0x16910]  }
0x46e: {  	v15 =	vadd.f32 v18, v15;
	v18 =	vld [tilespmem:s11+$0x7920]  }
0x46f: {  	v21 =	vld [tilespmem:s11+$0x16920]  }
0x470: {  	v16 =	vadd.f32 v19, v16;
	v19 =	vld [tilespmem:s11+$0x7930]  }
0x471: {  	v22 =	vld [tilespmem:s11+$0x16930]  }
0x472: {  	v17 =	vadd.f32 v20, v17;
	v20 =	vld [tilespmem:s11+$0x7940]  }
0x473: {  	v23 =	vld [tilespmem:s11+$0x16940]  }
0x474: {  	v18 =	vadd.f32 v21, v18;
	v21 =	vld [tilespmem:s11+$0x7950]  }
0x475: {  	v24 =	vld [tilespmem:s11+$0x16950]  }
0x476: {  	v19 =	vadd.f32 v22, v19;
	v22 =	vld [tilespmem:s11+$0x7960]  }
0x477: {  	v25 =	vld [tilespmem:s11+$0x16960]  }
0x478: {  	v20 =	vadd.f32 v23, v20;
	v23 =	vld [tilespmem:s11+$0x7970]  }
0x479: {  	v26 =	vld [tilespmem:s11+$0x16970]  }
0x47a: {  	v21 =	vadd.f32 v24, v21;
	v24 =	vld [tilespmem:s11+$0x7980]  }
0x47b: {  	v27 =	vld [tilespmem:s11+$0x16980]  }
0x47c: {  	v22 =	vadd.f32 v25, v22;
	v25 =	vld [tilespmem:s11+$0x7990]  }
0x47d: {  	v28 =	vld [tilespmem:s11+$0x16990]  }
0x47e: {  	v23 =	vadd.f32 v26, v23;
	v26 =	vld [tilespmem:s11+$0x79A0]  }
0x47f: {  	v29 =	vld [tilespmem:s11+$0x169A0]  }
0x480: {  	v24 =	vadd.f32 v27, v24;
	v27 =	vld [tilespmem:s11+$0x79B0]  }
0x481: {  	v30 =	vld [tilespmem:s11+$0x169B0]  }
0x482: {  	v25 =	vadd.f32 v28, v25;
	v28 =	vld [tilespmem:s11+$0x79C0]  }
0x483: {  	v31 =	vld [tilespmem:s11+$0x169C0]  }
0x484: {  	v26 =	vadd.f32 v29, v26;
	v29 =	vld [tilespmem:s11+$0x79D0]  }
0x485: {  	v32 =	vld [tilespmem:s11+$0x169D0]  }
0x486: {  	v27 =	vadd.f32 v30, v27;
	v30 =	vld [tilespmem:s11+$0x79E0]  }
0x487: {  	v33 =	vld [tilespmem:s11+$0x169E0]  }
0x488: {  	[tilespmem:s11+$0xF000] =	vst.add.f32.msk $0xffff, v0;
	v28 =	vadd.f32 v31, v28  }
0x489: {  	[tilespmem:s11+$0xF010] =	vst.add.f32.msk $0xffff, v1  }
0x48a: {  	[tilespmem:s11+$0xF020] =	vst.add.f32.msk $0xffff, v2;
	v1 =	vadd.f32 v32, v29  }
0x48b: {  	[tilespmem:s11+$0xF030] =	vst.add.f32.msk $0xffff, v3  }
0x48c: {  	[tilespmem:s11+$0xF040] =	vst.add.f32.msk $0xffff, v4;
	v0 =	vadd.f32 v33, v30  }
0x48d: {  	[tilespmem:s11+$0xF050] =	vst.add.f32.msk $0xffff, v7  }
0x48e: {  	[tilespmem:s11+$0xF060] =	vst.add.f32.msk $0xffff, v9  }
0x48f: {  	[tilespmem:s11+$0xF070] =	vst.add.f32.msk $0xffff, v5  }
0x490: {  	[tilespmem:s11+$0xF080] =	vst.add.f32.msk $0xffff, v8  }
0x491: {  	[tilespmem:s11+$0xF090] =	vst.add.f32.msk $0xffff, v10  }
0x492: {  	[tilespmem:s11+$0xF0A0] =	vst.add.f32.msk $0xffff, v6  }
0x493: {  	[tilespmem:s11+$0xF0B0] =	vst.add.f32.msk $0xffff, v11  }
0x494: {  	[tilespmem:s11+$0xF0C0] =	vst.add.f32.msk $0xffff, v12  }
0x495: {  	[tilespmem:s11+$0xF0D0] =	vst.add.f32.msk $0xffff, v13  }
0x496: {  	[tilespmem:s11+$0xF0E0] =	vst.add.f32.msk $0xffff, v14  }
0x497: {  	[tilespmem:s11+$0xF0F0] =	vst.add.f32.msk $0xffff, v15  }
0x498: {  	[tilespmem:s11+$0xF100] =	vst.add.f32.msk $0xffff, v16  }
0x499: {  	[tilespmem:s11+$0xF110] =	vst.add.f32.msk $0xffff, v17  }
0x49a: {  	[tilespmem:s11+$0xF120] =	vst.add.f32.msk $0xffff, v18  }
0x49b: {  	[tilespmem:s11+$0xF130] =	vst.add.f32.msk $0xffff, v19  }
0x49c: {  	[tilespmem:s11+$0xF140] =	vst.add.f32.msk $0xffff, v20  }
0x49d: {  	[tilespmem:s11+$0xF150] =	vst.add.f32.msk $0xffff, v21  }
0x49e: {  	[tilespmem:s11+$0xF160] =	vst.add.f32.msk $0xffff, v22  }
0x49f: {  	[tilespmem:s11+$0xF170] =	vst.add.f32.msk $0xffff, v23  }
0x4a0: {  	[tilespmem:s11+$0xF180] =	vst.add.f32.msk $0xffff, v24  }
.Ltmp6:
0x4a1: {  	[tilespmem:s11+$0xF190] =	vst.add.f32.msk $0xffff, v25;
	(pc) =	sbr.rel @p1 .LBB2_14-.Ltmp6, $4  }
0x4a2: {  	[tilespmem:s11+$0xF1A0] =	vst.add.f32.msk $0xffff, v26  }
0x4a3: {  	[tilespmem:s11+$0xF1B0] =	vst.add.f32.msk $0xffff, v27  }
0x4a4: {  	[tilespmem:s11+$0xF1C0] =	vst.add.f32.msk $0xffff, v28  }
0x4a5: {  	s14 =	sadd.s32 $0x800, s14;
	[tilespmem:s11+$0xF1D0] =	vst.add.f32.msk $0xffff, v1  }
0x4a6: {  	[tilespmem:s11+$0xF1E0] =	vst.add.f32.msk $0xffff, v0  }
0x4a7: {  	s16 =	simm.s32 $0x0;
	s13 =	rddreg [dreg:$0xc]  }
0x4a8: {  	[hbm4b:s13+s16] =	stream.linear.scatter [tilespmem:s18], [sflag:$0x4], $0x2800, $0x38;
	[tilespmem:$0x1E000] =	vst v63  }
0x4a9: {  	s17 =	rddreg [dreg:$0xd]  }
0x4aa: {  	[hbm4b:s17+s16] =	stream.linear.scatter [tilespmem:s21], [sflag:$0x4], $0x2800, $0x38;
	[tilespmem:$0x1E000] =	vst v63  }
0x4ab: {  	_ =	swait.ge [sflag:s3], $0x2800  }
0x4ac: {  	[sflag:s3] =	ssyncset.done $0x0  }
0x4ad: {  	[sflag:s3] =	ssyncadd.s32 $0xFFFFD800  }
0x4ae: {  	_ =	swait.ge [sflag:s3], $0x2800  }
0x4af: {  	[sflag:s3] =	ssyncset.done $0x0  }
0x4b0: {  	[sflag:s3] =	ssyncadd.s32 $0xFFFFD800  }
0x4b1: {  	_ =	swait.ge [sflag:s3], $0x2800  }
0x4b2: {  	[sflag:s3] =	ssyncset.done $0x0  }
0x4b3: {  	s11 =	simm.s32 $0x0;
	[sflag:s3] =	ssyncadd.s32 $0xFFFFD800  }
0x4b4: {  	v0 =	vld [tilespmem:s11+$0xA1F0]  }
0x4b5: {  	v1 =	vld [tilespmem:s11+$0x191F0]  }
0x4b6: {  	v2 =	vld [tilespmem:s11+$0xA000]  }
0x4b7: {  	v3 =	vld [tilespmem:s11+$0x19000]  }
0x4b8: {  	v4 =	vld [tilespmem:s11+$0xA010]  }
0x4b9: {  	v5 =	vld [tilespmem:s11+$0x19010]  }
0x4ba: {  	v6 =	vld [tilespmem:s11+$0xA020]  }
0x4bb: {  	v7 =	vld [tilespmem:s11+$0x19030]  }
0x4bc: {  	v8 =	vld [tilespmem:s11+$0xA040]  }
0x4bd: {  	v9 =	vld [tilespmem:s11+$0x19040]  }
0x4be: {  	v10 =	vld [tilespmem:s11+$0xA050]  }
0x4bf: {  	v11 =	vld [tilespmem:s11+$0x19050]  }
0x4c0: {  	v12 =	vld [tilespmem:s11+$0xA060]  }
0x4c1: {  	v13 =	vld [tilespmem:s11+$0x19060]  }
0x4c2: {  	v14 =	vld [tilespmem:s11+$0xA070]  }
0x4c3: {  	v15 =	vld [tilespmem:s11+$0x19070]  }
0x4c4: {  	v16 =	vld [tilespmem:s11+$0xA080]  }
0x4c5: {  	v17 =	vld [tilespmem:s11+$0x19080]  }
0x4c6: {  	v18 =	vld [tilespmem:s11+$0xA090]  }
0x4c7: {  	v19 =	vld [tilespmem:s11+$0x19090]  }
0x4c8: {  	v20 =	vld [tilespmem:s11+$0xA0A0]  }
0x4c9: {  	v21 =	vld [tilespmem:s11+$0x190A0]  }
0x4ca: {  	v22 =	vld [tilespmem:s11+$0xA0B0]  }
0x4cb: {  	v23 =	vld [tilespmem:s11+$0x190B0]  }
0x4cc: {  	v24 =	vld [tilespmem:s11+$0xA0C0]  }
0x4cd: {  	v25 =	vld [tilespmem:s11+$0x190C0]  }
0x4ce: {  	v26 =	vld [tilespmem:s11+$0xA0D0]  }
0x4cf: {  	v27 =	vld [tilespmem:s11+$0x190D0]  }
0x4d0: {  	v28 =	vld [tilespmem:s11+$0xA0E0]  }
0x4d1: {  	v29 =	vld [tilespmem:s11+$0x190E0]  }
0x4d2: {  	v30 =	vld [tilespmem:s11+$0xA0F0]  }
0x4d3: {  	v31 =	vld [tilespmem:s11+$0x190F0]  }
0x4d4: {  	v32 =	vld [tilespmem:s11+$0xA100]  }
0x4d5: {  	v33 =	vld [tilespmem:s11+$0x19100]  }
0x4d6: {  	v34 =	vld [tilespmem:s11+$0xA110]  }
0x4d7: {  	v35 =	vld [tilespmem:s11+$0x19110]  }
0x4d8: {  	v36 =	vld [tilespmem:s11+$0xA120]  }
0x4d9: {  	v37 =	vld [tilespmem:s11+$0x19120]  }
0x4da: {  	v38 =	vld [tilespmem:s11+$0xA130]  }
0x4db: {  	v39 =	vld [tilespmem:s11+$0x19130]  }
0x4dc: {  	v40 =	vld [tilespmem:s11+$0xA140]  }
0x4dd: {  	v41 =	vld [tilespmem:s11+$0x19140]  }
0x4de: {  	v42 =	vld [tilespmem:s11+$0xA150]  }
0x4df: {  	v43 =	vld [tilespmem:s11+$0x19150]  }
0x4e0: {  	v44 =	vld [tilespmem:s11+$0xA160]  }
0x4e1: {  	v45 =	vld [tilespmem:s11+$0xA170]  }
0x4e2: {  	v47 =	vld [tilespmem:s11+$0xA1C0]  }
0x4e3: {  	v49 =	vld [tilespmem:s11+$0x191C0]  }
0x4e4: {  	v51 =	vld [tilespmem:s11+$0xA1D0]  }
0x4e5: {  	v52 =	vld [tilespmem:s11+$0x191D0]  }
0x4e6: {  	v54 =	vld [tilespmem:s11+$0xA1E0]  }
0x4e7: {  	v56 =	vld [tilespmem:s11+$0x191E0]  }
0x4e8: {  	v0 =	vadd.f32 v1, v0;
	v1 =	vld [tilespmem:s11+$0x19020]  }
0x4e9: {  	v2 =	vadd.f32 v3, v2;
	v3 =	vld [tilespmem:s11+$0x19160]  }
0x4ea: {  	v4 =	vadd.f32 v5, v4;
	v5 =	vld [tilespmem:s11+$0x19190]  }
0x4eb: {  	v9 =	vadd.f32 v9, v8;
	v8 =	vld [tilespmem:s11+$0xA1B0]  }
0x4ec: {  	[tilespmem:s11+$0x119F0] =	vst.add.f32.msk $0xffff, v0  }
0x4ed: {  	v0 =	vld [tilespmem:s11+$0xA030]  }
0x4ee: {  	[tilespmem:s11+$0x11800] =	vst.add.f32.msk $0xffff, v2  }
0x4ef: {  	v2 =	vld [tilespmem:s11+$0x19170]  }
0x4f0: {  	[tilespmem:s11+$0x11810] =	vst.add.f32.msk $0xffff, v4  }
0x4f1: {  	v11 =	vadd.f32 v11, v10;
	v4 =	vld [tilespmem:s11+$0xA180]  }
0x4f2: {  	v13 =	vadd.f32 v13, v12;
	[tilespmem:s11+$0x11840] =	vst.add.f32.msk $0xffff, v9  }
0x4f3: {  	v15 =	vadd.f32 v15, v14;
	[tilespmem:s11+$0x11850] =	vst.add.f32.msk $0xffff, v11  }
0x4f4: {  	v17 =	vadd.f32 v17, v16;
	[tilespmem:s11+$0x11860] =	vst.add.f32.msk $0xffff, v13  }
0x4f5: {  	[tilespmem:s11+$0x11870] =	vst.add.f32.msk $0xffff, v15  }
0x4f6: {  	v19 =	vadd.f32 v19, v18;
	[tilespmem:s11+$0x11880] =	vst.add.f32.msk $0xffff, v17  }
0x4f7: {  	v46 =	vadd.f32 v21, v20;
	v9 =	vld [tilespmem:s11+$0x191B0]  }
0x4f8: {  	v48 =	vadd.f32 v23, v22;
	[tilespmem:s11+$0x11890] =	vst.add.f32.msk $0xffff, v19  }
0x4f9: {  	v50 =	vadd.f32 v25, v24;
	[tilespmem:s11+$0x118A0] =	vst.add.f32.msk $0xffff, v46  }
0x4fa: {  	v53 =	vadd.f32 v27, v26;
	[tilespmem:s11+$0x118B0] =	vst.add.f32.msk $0xffff, v48  }
0x4fb: {  	v55 =	vadd.f32 v29, v28;
	[tilespmem:s11+$0x118C0] =	vst.add.f32.msk $0xffff, v50  }
0x4fc: {  	v57 =	vadd.f32 v31, v30;
	[tilespmem:s11+$0x118D0] =	vst.add.f32.msk $0xffff, v53  }
0x4fd: {  	v58 =	vadd.f32 v33, v32;
	[tilespmem:s11+$0x118E0] =	vst.add.f32.msk $0xffff, v55  }
0x4fe: {  	v59 =	vadd.f32 v35, v34;
	[tilespmem:s11+$0x118F0] =	vst.add.f32.msk $0xffff, v57  }
0x4ff: {  	v60 =	vadd.f32 v37, v36;
	[tilespmem:s11+$0x11900] =	vst.add.f32.msk $0xffff, v58  }
0x500: {  	v61 =	vadd.f32 v39, v38;
	[tilespmem:s11+$0x11910] =	vst.add.f32.msk $0xffff, v59  }
0x501: {  	[tilespmem:s11+$0x11920] =	vst.add.f32.msk $0xffff, v60  }
0x502: {  	[tilespmem:s11+$0x11930] =	vst.add.f32.msk $0xffff, v61;
	v1 =	vadd.f32 v1, v6  }
0x503: {  	v6 =	vld [tilespmem:s11+$0xA1A0]  }
0x504: {  	[tilespmem:s11+$0x11820] =	vst.add.f32.msk $0xffff, v1  }
0x505: {  	v0 =	vadd.f32 v7, v0;
	v1 =	vld [tilespmem:s11+$0x19180]  }
0x506: {  	v7 =	vld [tilespmem:s11+$0x191A0]  }
0x507: {  	v62 =	vadd.f32 v41, v40;
	[tilespmem:s11+$0x11830] =	vst.add.f32.msk $0xffff, v0  }
0x508: {  	v63 =	vadd.f32 v43, v42;
	v0 =	vld [tilespmem:s11+$0xA190]  }
0x509: {  	[tilespmem:s11+$0x11940] =	vst.add.f32.msk $0xffff, v62;
	v3 =	vadd.f32 v3, v44  }
0x50a: {  	[tilespmem:s11+$0x11950] =	vst.add.f32.msk $0xffff, v63;
	v2 =	vadd.f32 v2, v45  }
0x50b: {  	[tilespmem:s11+$0x11960] =	vst.add.f32.msk $0xffff, v3;
	v1 =	vadd.f32 v1, v4  }
0x50c: {  	[tilespmem:s11+$0x11970] =	vst.add.f32.msk $0xffff, v2;
	v2 =	vadd.f32 v7, v6  }
0x50d: {  	v0 =	vadd.f32 v5, v0;
	[tilespmem:s11+$0x11980] =	vst.add.f32.msk $0xffff, v1  }
0x50e: {  	v1 =	vadd.f32 v9, v8;
	[tilespmem:s11+$0x119A0] =	vst.add.f32.msk $0xffff, v2  }
0x50f: {  	[tilespmem:s11+$0x11990] =	vst.add.f32.msk $0xffff, v0;
	v0 =	vadd.f32 v49, v47  }
0x510: {  	v2 =	vadd.f32 v52, v51;
	[tilespmem:s11+$0x119B0] =	vst.add.f32.msk $0xffff, v1  }
0x511: {  	[tilespmem:s11+$0x119C0] =	vst.add.f32.msk $0xffff, v0;
	v0 =	vadd.f32 v56, v54  }
0x512: {  	s14 =	simm.s32 $0x800;
	s13 =	simm.s32 $0x0;
	[tilespmem:s11+$0x119D0] =	vst.add.f32.msk $0xffff, v2  }
.LBB2_16:
0x513: {  	[tilespmem:s11+$0x119E0] =	vst.add.f32.msk $0xffff, v0;
	s11 =	sshra.s32 s14, $0x2  }
0x514: {  	s13 =	sadd.s32 $0x4, s13;
	v0 =	vld [tilespmem:s11+$0xA1F0]  }
0x515: {  	p1 =	slt.u32 s13, $0x4C;
	v1 =	vld [tilespmem:s11+$0x191F0]  }
0x516: {  	v2 =	vld [tilespmem:s11+$0xA000]  }
0x517: {  	v3 =	vld [tilespmem:s11+$0x19000]  }
0x518: {  	v4 =	vld [tilespmem:s11+$0xA010]  }
0x519: {  	v5 =	vld [tilespmem:s11+$0x19010]  }
0x51a: {  	v6 =	vld [tilespmem:s11+$0xA020];
	v1 =	vadd.f32 v1, v0  }
0x51b: {  	v7 =	vld [tilespmem:s11+$0x19020]  }
0x51c: {  	v0 =	vadd.f32 v3, v2;
	[tilespmem:s11+$0x119F0] =	vst.add.f32.msk $0xffff, v1  }
0x51d: {  	v3 =	vld [tilespmem:s11+$0xA030]  }
0x51e: {  	v1 =	vadd.f32 v5, v4;
	v4 =	vld [tilespmem:s11+$0x19030]  }
0x51f: {  	v5 =	vld [tilespmem:s11+$0xA040]  }
0x520: {  	v2 =	vadd.f32 v7, v6;
	v6 =	vld [tilespmem:s11+$0x19040]  }
0x521: {  	v7 =	vld [tilespmem:s11+$0xA050]  }
0x522: {  	v8 =	vld [tilespmem:s11+$0x19050]  }
0x523: {  	v3 =	vadd.f32 v4, v3;
	v9 =	vld [tilespmem:s11+$0xA060]  }
0x524: {  	v10 =	vld [tilespmem:s11+$0x19060]  }
0x525: {  	v4 =	vadd.f32 v6, v5;
	v5 =	vld [tilespmem:s11+$0xA070]  }
0x526: {  	v6 =	vld [tilespmem:s11+$0x19070]  }
0x527: {  	v7 =	vadd.f32 v8, v7;
	v8 =	vld [tilespmem:s11+$0xA080]  }
0x528: {  	v11 =	vld [tilespmem:s11+$0x19080]  }
0x529: {  	v9 =	vadd.f32 v10, v9;
	v10 =	vld [tilespmem:s11+$0xA090]  }
0x52a: {  	v12 =	vld [tilespmem:s11+$0x19090]  }
0x52b: {  	v5 =	vadd.f32 v6, v5;
	v6 =	vld [tilespmem:s11+$0xA0A0]  }
0x52c: {  	v13 =	vld [tilespmem:s11+$0x190A0]  }
0x52d: {  	v8 =	vadd.f32 v11, v8;
	v11 =	vld [tilespmem:s11+$0xA0B0]  }
0x52e: {  	v14 =	vld [tilespmem:s11+$0x190B0]  }
0x52f: {  	v10 =	vadd.f32 v12, v10;
	v12 =	vld [tilespmem:s11+$0xA0C0]  }
0x530: {  	v15 =	vld [tilespmem:s11+$0x190C0]  }
0x531: {  	v6 =	vadd.f32 v13, v6;
	v13 =	vld [tilespmem:s11+$0xA0D0]  }
0x532: {  	v16 =	vld [tilespmem:s11+$0x190D0]  }
0x533: {  	v11 =	vadd.f32 v14, v11;
	v14 =	vld [tilespmem:s11+$0xA0E0]  }
0x534: {  	v17 =	vld [tilespmem:s11+$0x190E0]  }
0x535: {  	v12 =	vadd.f32 v15, v12;
	v15 =	vld [tilespmem:s11+$0xA0F0]  }
0x536: {  	v18 =	vld [tilespmem:s11+$0x190F0]  }
0x537: {  	v13 =	vadd.f32 v16, v13;
	v16 =	vld [tilespmem:s11+$0xA100]  }
0x538: {  	v19 =	vld [tilespmem:s11+$0x19100]  }
0x539: {  	v14 =	vadd.f32 v17, v14;
	v17 =	vld [tilespmem:s11+$0xA110]  }
0x53a: {  	v20 =	vld [tilespmem:s11+$0x19110]  }
0x53b: {  	v15 =	vadd.f32 v18, v15;
	v18 =	vld [tilespmem:s11+$0xA120]  }
0x53c: {  	v21 =	vld [tilespmem:s11+$0x19120]  }
0x53d: {  	v16 =	vadd.f32 v19, v16;
	v19 =	vld [tilespmem:s11+$0xA130]  }
0x53e: {  	v22 =	vld [tilespmem:s11+$0x19130]  }
0x53f: {  	v17 =	vadd.f32 v20, v17;
	v20 =	vld [tilespmem:s11+$0xA140]  }
0x540: {  	v23 =	vld [tilespmem:s11+$0x19140]  }
0x541: {  	v18 =	vadd.f32 v21, v18;
	v21 =	vld [tilespmem:s11+$0xA150]  }
0x542: {  	v24 =	vld [tilespmem:s11+$0x19150]  }
0x543: {  	v19 =	vadd.f32 v22, v19;
	v22 =	vld [tilespmem:s11+$0xA160]  }
0x544: {  	v25 =	vld [tilespmem:s11+$0x19160]  }
0x545: {  	v20 =	vadd.f32 v23, v20;
	v23 =	vld [tilespmem:s11+$0xA170]  }
0x546: {  	v26 =	vld [tilespmem:s11+$0x19170]  }
0x547: {  	v21 =	vadd.f32 v24, v21;
	v24 =	vld [tilespmem:s11+$0xA180]  }
0x548: {  	v27 =	vld [tilespmem:s11+$0x19180]  }
0x549: {  	v22 =	vadd.f32 v25, v22;
	v25 =	vld [tilespmem:s11+$0xA190]  }
0x54a: {  	v28 =	vld [tilespmem:s11+$0x19190]  }
0x54b: {  	v23 =	vadd.f32 v26, v23;
	v26 =	vld [tilespmem:s11+$0xA1A0]  }
0x54c: {  	v29 =	vld [tilespmem:s11+$0x191A0]  }
0x54d: {  	v24 =	vadd.f32 v27, v24;
	v27 =	vld [tilespmem:s11+$0xA1B0]  }
0x54e: {  	v30 =	vld [tilespmem:s11+$0x191B0]  }
0x54f: {  	v25 =	vadd.f32 v28, v25;
	v28 =	vld [tilespmem:s11+$0xA1C0]  }
0x550: {  	v31 =	vld [tilespmem:s11+$0x191C0]  }
0x551: {  	v26 =	vadd.f32 v29, v26;
	v29 =	vld [tilespmem:s11+$0xA1D0]  }
0x552: {  	v32 =	vld [tilespmem:s11+$0x191D0]  }
0x553: {  	v27 =	vadd.f32 v30, v27;
	v30 =	vld [tilespmem:s11+$0xA1E0]  }
0x554: {  	v33 =	vld [tilespmem:s11+$0x191E0]  }
0x555: {  	[tilespmem:s11+$0x11800] =	vst.add.f32.msk $0xffff, v0;
	v28 =	vadd.f32 v31, v28  }
0x556: {  	[tilespmem:s11+$0x11810] =	vst.add.f32.msk $0xffff, v1  }
0x557: {  	[tilespmem:s11+$0x11820] =	vst.add.f32.msk $0xffff, v2;
	v1 =	vadd.f32 v32, v29  }
0x558: {  	[tilespmem:s11+$0x11830] =	vst.add.f32.msk $0xffff, v3  }
0x559: {  	[tilespmem:s11+$0x11840] =	vst.add.f32.msk $0xffff, v4;
	v0 =	vadd.f32 v33, v30  }
0x55a: {  	[tilespmem:s11+$0x11850] =	vst.add.f32.msk $0xffff, v7  }
0x55b: {  	[tilespmem:s11+$0x11860] =	vst.add.f32.msk $0xffff, v9  }
0x55c: {  	[tilespmem:s11+$0x11870] =	vst.add.f32.msk $0xffff, v5  }
0x55d: {  	[tilespmem:s11+$0x11880] =	vst.add.f32.msk $0xffff, v8  }
0x55e: {  	[tilespmem:s11+$0x11890] =	vst.add.f32.msk $0xffff, v10  }
0x55f: {  	[tilespmem:s11+$0x118A0] =	vst.add.f32.msk $0xffff, v6  }
0x560: {  	[tilespmem:s11+$0x118B0] =	vst.add.f32.msk $0xffff, v11  }
0x561: {  	[tilespmem:s11+$0x118C0] =	vst.add.f32.msk $0xffff, v12  }
0x562: {  	[tilespmem:s11+$0x118D0] =	vst.add.f32.msk $0xffff, v13  }
0x563: {  	[tilespmem:s11+$0x118E0] =	vst.add.f32.msk $0xffff, v14  }
0x564: {  	[tilespmem:s11+$0x118F0] =	vst.add.f32.msk $0xffff, v15  }
0x565: {  	[tilespmem:s11+$0x11900] =	vst.add.f32.msk $0xffff, v16  }
0x566: {  	[tilespmem:s11+$0x11910] =	vst.add.f32.msk $0xffff, v17  }
0x567: {  	[tilespmem:s11+$0x11920] =	vst.add.f32.msk $0xffff, v18  }
0x568: {  	[tilespmem:s11+$0x11930] =	vst.add.f32.msk $0xffff, v19  }
0x569: {  	[tilespmem:s11+$0x11940] =	vst.add.f32.msk $0xffff, v20  }
0x56a: {  	[tilespmem:s11+$0x11950] =	vst.add.f32.msk $0xffff, v21  }
0x56b: {  	[tilespmem:s11+$0x11960] =	vst.add.f32.msk $0xffff, v22  }
0x56c: {  	[tilespmem:s11+$0x11970] =	vst.add.f32.msk $0xffff, v23  }
0x56d: {  	[tilespmem:s11+$0x11980] =	vst.add.f32.msk $0xffff, v24  }
.Ltmp7:
0x56e: {  	[tilespmem:s11+$0x11990] =	vst.add.f32.msk $0xffff, v25;
	(pc) =	sbr.rel @p1 .LBB2_16-.Ltmp7, $4  }
0x56f: {  	[tilespmem:s11+$0x119A0] =	vst.add.f32.msk $0xffff, v26  }
0x570: {  	[tilespmem:s11+$0x119B0] =	vst.add.f32.msk $0xffff, v27  }
0x571: {  	[tilespmem:s11+$0x119C0] =	vst.add.f32.msk $0xffff, v28  }
0x572: {  	s14 =	sadd.s32 $0x800, s14;
	[tilespmem:s11+$0x119D0] =	vst.add.f32.msk $0xffff, v1  }
0x573: {  	[tilespmem:s11+$0x119E0] =	vst.add.f32.msk $0xffff, v0  }
0x574: {  	s11 =	rddreg [dreg:$0xe]  }
0x575: {  	[hbm4b:s11+s8] =	stream.linear.scatter [tilespmem:s26], [sflag:$0x5], $0x2800, $0x38;
	[tilespmem:$0x1E000] =	vst v63  }
0x576: {  	s16 =	rddreg [dreg:$0xf]  }
0x577: {  	[hbm4b:s16+s8] =	stream.linear.scatter [tilespmem:s28], [sflag:$0x5], $0x2800, $0x38;
	[tilespmem:$0x1E000] =	vst v63  }
0x578: {  	_ =	swait.ge [sflag:s9], $0x2800  }
0x579: {  	[sflag:s9] =	ssyncset.done $0x0  }
0x57a: {  	[sflag:s9] =	ssyncadd.s32 $0xFFFFD800  }
0x57b: {  	_ =	swait.ge [sflag:s9], $0x2800  }
0x57c: {  	[sflag:s9] =	ssyncset.done $0x0  }
0x57d: {  	[sflag:s9] =	ssyncadd.s32 $0xFFFFD800  }
0x57e: {  	_ =	swait.ge [sflag:s20], $0x2800  }
0x57f: {  	[sflag:s20] =	ssyncset.done $0x0  }
0x580: {  	[sflag:s20] =	ssyncadd.s32 $0xFFFFD800  }
0x581: {  	_ =	swait.ge [sflag:s20], $0x2800  }
0x582: {  	[sflag:s20] =	ssyncset.done $0x0  }
0x583: {  	[sflag:s20] =	ssyncadd.s32 $0xFFFFD800  }
0x584: {  	_ =	swait.ge [sflag:s23], $0x2800  }
0x585: {  	[sflag:s23] =	ssyncset.done $0x0  }
0x586: {  	[sflag:s23] =	ssyncadd.s32 $0xFFFFD800  }
0x587: {  	_ =	swait.ge [sflag:s23], $0x2800  }
0x588: {  	s10 =	sadd.s32 $0x1, s10;
	s17 =	rddreg [dreg:$0x10]  }
0x589: {  	p1 =	sne.s32 s10, s17  }
.Ltmp8:
0x58a: {  	_ = 	snop;
	(pc) =	sbr.rel @p1 .LBB2_1-.Ltmp8, $3  }
0x58b: {  	_ =	sdelay $0x1  }
0x58c: {  	[sflag:s23] =	ssyncset.done $0x0  }
0x58d: {  	[sflag:s23] =	ssyncadd.s32 $0xFFFFD800  }
0x58e: {  	_ =	sfence.sel $0x180000  }
0x58f: {  	[bflag:$0x0] =	sbarrier.arrive $0xFFFF  }
0x590: {  	_ =	strace $0x90000047  }
0x591: {  	[bflag:$0x2] =	sbarrier.arrive $0xFFFF  }
0x592: {  	s0 =	rddreg [dreg:$0x8]  }
0x593: {  	s0 =	sadd.s32 @!p0 $0x100000, s0  }
0x594: {  	[sflag:s0] =	ssyncadd.tile.s32 @!p0 $0x1;
	_ =	shalt  }
.Lfunc_end2:
_tile_overlayer_lowered:
.L_overlay_start_2:
0x595: {  	(tag) =	ssettag $0x2  }
0x596: {  	s0 =	rddreg [dreg:$0x0];
	s2 =	stileid.u32  }
0x597: {  	s1 =	rddreg [dreg:$0x1];
	p0 =	sne.s32 s2, $0x0  }
0x598: {  	s3 =	rddreg [dreg:$0x2];
	[bflag:$0x3] =	sbarrier.arrive $0xFFFF;
	s2 =	simm.s32 @!p0 $0x1C07  }
0x599: {  	[timem:s3], [sflag:s2] =	dma.local @!p0 [hbm:s0], s1  }
0x59a: {  	s0 =	simm.s32 @!p0 $0x7  }
0x59b: {  	_ =	swait.ge @!p0 [sflag:s0], s1  }
0x59c: {  	s1 =	ssub.s32 @!p0 $0x0, s1;
	[sflag:s0] =	ssyncset.done @!p0 $0x0  }
0x59d: {  	[sflag:s0] =	ssyncadd.s32 @!p0 s1  }
0x59e: {  	[bflag:$0x3] =	sbarrier.arrive $0xFFFF  }
0x59f: {  	_ =	shalt  }

</sc_bundles>
